<compile_context>
chip_gen: v7x
topology: tpu7x:2x2x1
jax: 0.10.2.dev20260603
libtpu: 0.0.44.dev20260713+nightly
codegen_flags: <defaults>
</compile_context>

<pallas_src>
import functools

import jax
import jax.numpy as jnp
from jax import lax
from jax.experimental import pallas as pl
from jax.experimental.pallas import tpu as pltpu
from jax.experimental.pallas import tpu_sc as plsc

N = 10000
E = 320000
D = 128
G = 64

NC = 2
NS = 16
CHUNK = 128
KCNT = 80
TOTCH = NC * NS * KCNT
E_PAD = TOTCH * CHUNK
KS = 40
ROWS_PER_TILE = 5 * CHUNK
N_ACC = NS * ROWS_PER_TILE
DUMMY = N

_MESH = plsc.VectorSubcoreMesh(core_axis_name="c", subcore_axis_name="s")



@functools.partial(
    pl.kernel,
    mesh=_MESH,
    out_type=jax.ShapeDtypeStruct((NC, N_ACC, D), jnp.float32),
    scratch_types=[
        pltpu.VMEM((KCNT, CHUNK), jnp.int32),
        pltpu.VMEM((CHUNK, D), jnp.float32),
        pltpu.VMEM_SHARED((N_ACC, D), jnp.float32),
    ],
)
def _sc_count(dst_hbm, out_hbm, dst_v, buf_v, acc_sh):
    c = lax.axis_index("c")
    s = lax.axis_index("s")
    row0 = s * ROWS_PER_TILE

    def fill(val):
        def body(i, _):
            for jj in range(D // 16):
                buf_v[i, pl.ds(jj * 16, 16)] = jnp.full((16,), val, jnp.float32)
            return 0
        lax.fori_loop(0, CHUNK, body, 0)

    fill(0.0)
    for r in range(ROWS_PER_TILE // CHUNK):
        pltpu.sync_copy(buf_v, acc_sh.at[pl.ds(row0 + r * CHUNK, CHUNK)])
    fill(1.0)
    pltpu.sync_copy(dst_hbm.at[pl.ds((c * NS + s) * KCNT, KCNT)], dst_v)
    plsc.subcore_barrier()

    def body(j, _):
        pltpu.sync_copy(buf_v, acc_sh.at[dst_v.at[j]], add=True)
        return 0
    lax.fori_loop(0, KCNT, body, 0)
    plsc.subcore_barrier()

    for r in range(ROWS_PER_TILE // CHUNK):
        pltpu.sync_copy(acc_sh.at[pl.ds(row0 + r * CHUNK, CHUNK)], buf_v)
        pltpu.sync_copy(buf_v, out_hbm.at[c, pl.ds(row0 + r * CHUNK, CHUNK)])


@functools.partial(
    pl.kernel,
    mesh=_MESH,
    out_type=jax.ShapeDtypeStruct((NC, N_ACC, D), jnp.float32),
    scratch_types=[
        pltpu.VMEM((KS, CHUNK), jnp.int32),
        pltpu.VMEM((KS, CHUNK), jnp.int32),
        pltpu.VMEM((CHUNK, D), jnp.float32),
        pltpu.VMEM((CHUNK, D), jnp.float32),
        pltpu.VMEM_SHARED((N_ACC, D), jnp.float32),
        pltpu.SemaphoreType.DMA,
        pltpu.SemaphoreType.DMA,
    ],
)
def _sc_scatter(y_hbm, src_hbm, dst_hbm, out_hbm, src_v, dst_v, r0, r1,
                acc_sh, s0, s1):
    c = lax.axis_index("c")
    s = lax.axis_index("s")
    row0 = s * ROWS_PER_TILE

    def zbody(i, _):
        for jj in range(D // 16):
            r0[i, pl.ds(jj * 16, 16)] = jnp.zeros((16,), jnp.float32)
        return 0
    lax.fori_loop(0, CHUNK, zbody, 0)
    for r in range(ROWS_PER_TILE // CHUNK):
        pltpu.sync_copy(r0, acc_sh.at[pl.ds(row0 + r * CHUNK, CHUNK)])
    plsc.subcore_barrier()

    tile_base = (c * NS + s) * KCNT
    for seg in range(KCNT // KS):
        base = tile_base + seg * KS
        pltpu.sync_copy(src_hbm.at[pl.ds(base, KS)], src_v)
        pltpu.sync_copy(dst_hbm.at[pl.ds(base, KS)], dst_v)
        pltpu.async_copy(y_hbm.at[src_v.at[0]], r0, s0)

        def body(g, _):
            a = g * 2
            pltpu.async_copy(y_hbm.at[src_v.at[a + 1]], r1, s1)
            pltpu.make_async_copy(y_hbm.at[src_v.at[a]], r0, s0).wait()
            pltpu.sync_copy(r0, acc_sh.at[dst_v.at[a]], add=True)
            nxt = jnp.minimum(a + 2, KS - 1)
            pltpu.async_copy(y_hbm.at[src_v.at[nxt]], r0, s0)
            pltpu.make_async_copy(y_hbm.at[src_v.at[a + 1]], r1, s1).wait()
            pltpu.sync_copy(r1, acc_sh.at[dst_v.at[a + 1]], add=True)
            return 0
        lax.fori_loop(0, KS // 2, body, 0)
        pltpu.make_async_copy(y_hbm.at[src_v.at[KS - 1]], r0, s0).wait()
    plsc.subcore_barrier()

    for r in range(ROWS_PER_TILE // CHUNK):
        pltpu.sync_copy(acc_sh.at[pl.ds(row0 + r * CHUNK, CHUNK)], r0)
        pltpu.sync_copy(r0, out_hbm.at[c, pl.ds(row0 + r * CHUNK, CHUNK)])



BN = 2000
GRID = N // BN


def _tc0_body(x_ref, w_ref, xw_ref):
    xw_ref[...] = jnp.dot(x_ref[...], w_ref[...],
                          preferred_element_type=jnp.float32,
                          precision=lax.Precision.HIGHEST)


def _tc0(x, W1):
    return pl.pallas_call(
        _tc0_body,
        grid=(GRID,),
        in_specs=[
            pl.BlockSpec((BN, D), lambda i: (i, 0)),
            pl.BlockSpec((D, D), lambda i: (0, 0)),
        ],
        out_specs=pl.BlockSpec((BN, D), lambda i: (i, 0)),
        out_shape=jax.ShapeDtypeStruct((N, D), jnp.float32),
    )(x, W1)


def _tc1_body(xw_ref, cnt_ref, y_ref, dinv_ref):
    deg = cnt_ref[0, :, 0:1] + cnt_ref[1, :, 0:1] + 1.0
    dinv = lax.rsqrt(deg)
    y_ref[...] = xw_ref[...] * dinv
    dinv_ref[...] = dinv


def _tc1(xw, cnt):
    return pl.pallas_call(
        _tc1_body,
        grid=(GRID,),
        in_specs=[
            pl.BlockSpec((BN, D), lambda i: (i, 0)),
            pl.BlockSpec((2, BN, D), lambda i: (0, i, 0)),
        ],
        out_specs=[
            pl.BlockSpec((BN, D), lambda i: (i, 0)),
            pl.BlockSpec((BN, 1), lambda i: (i, 0)),
        ],
        out_shape=[
            jax.ShapeDtypeStruct((N, D), jnp.float32),
            jax.ShapeDtypeStruct((N, 1), jnp.float32),
        ],
    )(xw, cnt)


def _tc2_body(p_ref, y_ref, dinv_ref, b1_ref, w_ref, y2_ref):
    dinv = dinv_ref[...]
    h = dinv * (p_ref[0] + p_ref[1] + y_ref[...]) + b1_ref[...]
    h = jnp.maximum(h, 0.0)
    y2_ref[...] = jnp.dot(h, w_ref[...],
                          preferred_element_type=jnp.float32, precision=lax.Precision.HIGHEST) * dinv


def _tc2(p, y1, dinv, b1, W2):
    return pl.pallas_call(
        _tc2_body,
        grid=(GRID,),
        in_specs=[
            pl.BlockSpec((2, BN, D), lambda i: (0, i, 0)),
            pl.BlockSpec((BN, D), lambda i: (i, 0)),
            pl.BlockSpec((BN, 1), lambda i: (i, 0)),
            pl.BlockSpec((1, D), lambda i: (0, 0)),
            pl.BlockSpec((D, D), lambda i: (0, 0)),
        ],
        out_specs=pl.BlockSpec((BN, D), lambda i: (i, 0)),
        out_shape=jax.ShapeDtypeStruct((N, D), jnp.float32),
    )(p, y1, dinv, b1, W2)


def _tc3_body(p_ref, y_ref, dinv_ref, b2_ref, batch_ref, wh1_ref, bh1_ref,
              wh2_ref, bh2_ref, out_ref, sums, cnts):
    i = pl.program_id(0)

    @pl.when(i == 0)
    def _():
        sums[...] = jnp.zeros((G, D), jnp.float32)
        cnts[...] = jnp.zeros((G, 1), jnp.float32)

    h = dinv_ref[...] * (p_ref[0] + p_ref[1] + y_ref[...]) + b2_ref[...]
    seg = lax.broadcasted_iota(jnp.int32, (BN, G), 1)
    onehot = jnp.where(batch_ref[...] == seg, 1.0, 0.0)
    sums[...] += lax.dot_general(onehot, h, (((0,), (0,)), ((), ())),
                                 preferred_element_type=jnp.float32, precision=lax.Precision.HIGHEST)
    cnts[...] += lax.dot_general(onehot, jnp.ones((BN, 1), jnp.float32),
                                 (((0,), (0,)), ((), ())),
                                 preferred_element_type=jnp.float32, precision=lax.Precision.HIGHEST)

    @pl.when(i == GRID - 1)
    def _():
        pooled = sums[...] / jnp.maximum(cnts[...], 1.0)
        z = jnp.dot(pooled, wh1_ref[...],
                    preferred_element_type=jnp.float32, precision=lax.Precision.HIGHEST) + bh1_ref[...]
        z = jnp.maximum(z, 0.0)
        z = jnp.dot(z, wh2_ref[...],
                    preferred_element_type=jnp.float32, precision=lax.Precision.HIGHEST) + bh2_ref[...]
        out_ref[...] = jax.nn.sigmoid(z)


def _tc3(p, y2, dinv, b2, batch, Wh1, bh1, Wh2, bh2):
    return pl.pallas_call(
        _tc3_body,
        grid=(GRID,),
        in_specs=[
            pl.BlockSpec((2, BN, D), lambda i: (0, i, 0)),
            pl.BlockSpec((BN, D), lambda i: (i, 0)),
            pl.BlockSpec((BN, 1), lambda i: (i, 0)),
            pl.BlockSpec((1, D), lambda i: (0, 0)),
            pl.BlockSpec((BN, 1), lambda i: (i, 0)),
            pl.BlockSpec((D, 10), lambda i: (0, 0)),
            pl.BlockSpec((1, 10), lambda i: (0, 0)),
            pl.BlockSpec((10, 1), lambda i: (0, 0)),
            pl.BlockSpec((1, 1), lambda i: (0, 0)),
        ],
        out_specs=pl.BlockSpec((G, 1), lambda i: (0, 0)),
        out_shape=jax.ShapeDtypeStruct((G, 1), jnp.float32),
        scratch_shapes=[
            pltpu.VMEM((G, D), jnp.float32),
            pltpu.VMEM((G, 1), jnp.float32),
        ],
    )(p, y2, dinv, b2, batch, Wh1, bh1, Wh2, bh2)



def kernel(x, edge_index, edge_attr, batch_idx, W1, b1, W2, b2, Wh1, bh1,
           Wh2, bh2):
    src = edge_index[0].astype(jnp.int32)
    dst = edge_index[1].astype(jnp.int32)
    pad = E_PAD - E
    idxp = jnp.arange(pad, dtype=jnp.int32)
    src_p = jnp.concatenate([src, idxp % N])
    dst_p = jnp.concatenate([dst, DUMMY + idxp % (N_ACC - N)])
    src_p = src_p.reshape(TOTCH, CHUNK)
    dst_p = dst_p.reshape(TOTCH, CHUNK)

    cnt_raw = _sc_count(dst_p)
    xw1 = _tc0(x, W1)
    y1, dinv = _tc1(xw1, cnt_raw)
    p1 = _sc_scatter(y1, src_p, dst_p)
    y2 = _tc2(p1, y1, dinv, b1.reshape(1, D), W2)
    p2 = _sc_scatter(y2, src_p, dst_p)
    out = _tc3(p2, y2, dinv, b2.reshape(1, D),
               batch_idx.astype(jnp.int32).reshape(N, 1),
               Wh1, bh1.reshape(1, 10), Wh2, bh2.reshape(1, 1))
    return out

# --- scband reference (transcript-rebuilt; emitter-appended) ---
"""Pipeline reference for scband-gnnmodel-sg-72808285602337 (READ-ONLY COPY).

The authoritative reference and input builder live on the scoring server;
editing this copy changes nothing except your own understanding.
"""

import jax, jax.numpy as jnp
import numpy as np

N = 10000
E = 320000
D = 128
G = 64


def setup_inputs(seed: int = 0) -> dict:
    key = jax.random.key(seed)
    ks = jax.random.split(key, 12)
    x = jax.random.normal(ks[0], (N, D), dtype=jnp.float32)
    edge_index = jax.random.randint(ks[1], (2, E), 0, N)
    edge_attr = jax.random.normal(ks[2], (E, 16), dtype=jnp.float32)
    batch_idx = jnp.sort(jax.random.randint(ks[3], (N,), 0, G))
    W1 = jax.random.normal(ks[4], (D, D), dtype=jnp.float32) * 0.05
    b1 = jnp.zeros((D,), dtype=jnp.float32)
    W2 = jax.random.normal(ks[5], (D, D), dtype=jnp.float32) * 0.05
    b2 = jnp.zeros((D,), dtype=jnp.float32)
    Wh1 = jax.random.normal(ks[6], (D, 10), dtype=jnp.float32) * 0.05
    bh1 = jnp.zeros((10,), dtype=jnp.float32)
    Wh2 = jax.random.normal(ks[7], (10, 1), dtype=jnp.float32) * 0.05
    bh2 = jnp.zeros((1,), dtype=jnp.float32)
    return {"x": x, "edge_index": edge_index, "edge_attr": edge_attr, "batch_idx": batch_idx,
            "W1": W1, "b1": b1, "W2": W2, "b2": b2,
            "Wh1": Wh1, "bh1": bh1, "Wh2": Wh2, "bh2": bh2}


def _gcn_conv(x, edge_index, W, b):
    # PyG GCNConv: add self-loops, symmetric normalization, linear transform, scatter-add
    src = edge_index[0]
    dst = edge_index[1]
    loop = jnp.arange(N, dtype=src.dtype)
    src = jnp.concatenate([src, loop])
    dst = jnp.concatenate([dst, loop])
    xw = x @ W
    deg = jnp.zeros((N,), dtype=xw.dtype).at[dst].add(1.0)
    dinv = jnp.where(deg > 0, 1.0 / jnp.sqrt(deg), 0.0)
    norm = dinv[src] * dinv[dst]
    msg = xw[src] * norm[:, None]
    out = jnp.zeros((N, W.shape[1]), dtype=xw.dtype).at[dst].add(msg)
    return out + b


def reference(x, edge_index, edge_attr, batch_idx, W1, b1, W2, b2, Wh1, bh1, Wh2, bh2):
    # layer 1: GCNConv -> ReLU -> Dropout(p=0, identity)
    h = jax.nn.relu(_gcn_conv(x, edge_index, W1, b1))
    # layer 2: GCNConv
    h = _gcn_conv(h, edge_index, W2, b2)
    # global_mean_pool over batch_idx
    sums = jax.ops.segment_sum(h, batch_idx, num_segments=G)
    counts = jax.ops.segment_sum(jnp.ones((N,), dtype=h.dtype), batch_idx, num_segments=G)
    pooled = sums / jnp.maximum(counts, 1.0)[:, None]
    # head: Dropout(0) -> Linear -> ReLU -> Linear -> Sigmoid
    z = jax.nn.relu(pooled @ Wh1 + bh1)
    z = z @ Wh2 + bh2
    return jax.nn.sigmoid(z)

if __name__ == "__main__":
    import jax
    _d = setup_inputs()
    print(jax.jit(kernel)(*tuple(_d.values())))

</pallas_src>

<mosaic_0001>
#map = affine_map<(d0, d1) -> (0, 0)>
#map1 = affine_map<(d0, d1) -> (0, 0, 0)>
module attributes {stable_mosaic.version = 14 : i64} {
  func.func @_sc_scatter(%arg0: i32, %arg1: i32, %arg2: memref<10000x128xf32, #tpu.memory_space<hbm>>, %arg3: memref<2560x128xi32, #tpu.memory_space<hbm>>, %arg4: memref<2560x128xi32, #tpu.memory_space<hbm>>, %arg5: memref<2x10240x128xf32, #tpu.memory_space<hbm>>, %arg6: memref<40x128xi32, #tpu.memory_space<vmem>>, %arg7: memref<40x128xi32, #tpu.memory_space<vmem>>, %arg8: memref<128x128xf32, #tpu.memory_space<vmem>>, %arg9: memref<128x128xf32, #tpu.memory_space<vmem>>, %arg10: memref<10240x128xf32, #tpu.memory_space<vmem_shared>>, %arg11: memref<!tpu.dma_semaphore, #tpu.memory_space<semaphore_mem>>, %arg12: memref<!tpu.dma_semaphore, #tpu.memory_space<semaphore_mem>>) attributes {dimension_semantics = [#tpu.dimension_semantics<core_parallel>, #tpu.dimension_semantics<subcore_parallel>], iteration_bounds = array<i64: 2, 16>, scalar_prefetch = 0 : i64, scratch_operands = 7 : i64, tpu.core_type = #tpu.core_type<sc_vector_subcore>, window_params = [{transform_indices = #map}, {transform_indices = #map}, {transform_indices = #map}, {transform_indices = #map1}]} {
    %mul3A = arith.constant 640 : i32
    %mul3A_0 = arith.muli %arg1, %mul3A : i32
    %scan3A = arith.constant 0 : i32
    %scan3A_1 = arith.constant 0 : i32
    %scan3A_2 = arith.constant 128 : i32
    %scan3A_3 = arith.addi %scan3A_1, %scan3A_2 : i32
    %scan3A_4 = arith.constant 1 : i32
    %scan3A_5 = scf.for %scan3A_86 = %scan3A_1 to %scan3A_3 step %scan3A_4 iter_args(%scan3A_87 = %scan3A) -> (i32)  : i32 {
      %broadcast_in_dim3A = arith.constant 0.000000e+00 : f32
      %broadcast_in_dim3A_88 = vector.broadcast %broadcast_in_dim3A : f32 to vector<16xf32>
      %swap3A = arith.index_cast %scan3A_86 : i32 to index
      %swap3A_89 = arith.constant 0 : index
      %swap3A_90 = tpu.vector_load %arg8[%swap3A, %swap3A_89] {strides = array<i32>} : memref<128x128xf32, #tpu.memory_space<vmem>>, vector<1x16xf32>,
      %swap3A_91 = vector.shape_cast %swap3A_90 : vector<1x16xf32> to vector<16xf32>
      %swap3A_92 = vector.shape_cast %broadcast_in_dim3A_88 : vector<16xf32> to vector<1x16xf32>
      tpu.vector_store %arg8[%swap3A, %swap3A_89], %swap3A_92 {strides = array<i32>} : memref<128x128xf32, #tpu.memory_space<vmem>>, vector<1x16xf32>,
      %broadcast_in_dim3A_93 = arith.constant 0.000000e+00 : f32
      %broadcast_in_dim3A_94 = vector.broadcast %broadcast_in_dim3A_93 : f32 to vector<16xf32>
      %swap3A_95 = arith.index_cast %scan3A_86 : i32 to index
      %swap3A_96 = arith.constant 16 : index
      %swap3A_97 = tpu.vector_load %arg8[%swap3A_95, %swap3A_96] {strides = array<i32>} : memref<128x128xf32, #tpu.memory_space<vmem>>, vector<1x16xf32>,
      %swap3A_98 = vector.shape_cast %swap3A_97 : vector<1x16xf32> to vector<16xf32>
      %swap3A_99 = vector.shape_cast %broadcast_in_dim3A_94 : vector<16xf32> to vector<1x16xf32>
      tpu.vector_store %arg8[%swap3A_95, %swap3A_96], %swap3A_99 {strides = array<i32>} : memref<128x128xf32, #tpu.memory_space<vmem>>, vector<1x16xf32>,
      %broadcast_in_dim3A_100 = arith.constant 0.000000e+00 : f32
      %broadcast_in_dim3A_101 = vector.broadcast %broadcast_in_dim3A_100 : f32 to vector<16xf32>
      %swap3A_102 = arith.index_cast %scan3A_86 : i32 to index
      %swap3A_103 = arith.constant 32 : index
      %swap3A_104 = tpu.vector_load %arg8[%swap3A_102, %swap3A_103] {strides = array<i32>} : memref<128x128xf32, #tpu.memory_space<vmem>>, vector<1x16xf32>,
      %swap3A_105 = vector.shape_cast %swap3A_104 : vector<1x16xf32> to vector<16xf32>
      %swap3A_106 = vector.shape_cast %broadcast_in_dim3A_101 : vector<16xf32> to vector<1x16xf32>
      tpu.vector_store %arg8[%swap3A_102, %swap3A_103], %swap3A_106 {strides = array<i32>} : memref<128x128xf32, #tpu.memory_space<vmem>>, vector<1x16xf32>,
      %broadcast_in_dim3A_107 = arith.constant 0.000000e+00 : f32
      %broadcast_in_dim3A_108 = vector.broadcast %broadcast_in_dim3A_107 : f32 to vector<16xf32>
      %swap3A_109 = arith.index_cast %scan3A_86 : i32 to index
      %swap3A_110 = arith.constant 48 : index
      %swap3A_111 = tpu.vector_load %arg8[%swap3A_109, %swap3A_110] {strides = array<i32>} : memref<128x128xf32, #tpu.memory_space<vmem>>, vector<1x16xf32>,
      %swap3A_112 = vector.shape_cast %swap3A_111 : vector<1x16xf32> to vector<16xf32>
      %swap3A_113 = vector.shape_cast %broadcast_in_dim3A_108 : vector<16xf32> to vector<1x16xf32>
      tpu.vector_store %arg8[%swap3A_109, %swap3A_110], %swap3A_113 {strides = array<i32>} : memref<128x128xf32, #tpu.memory_space<vmem>>, vector<1x16xf32>,
      %broadcast_in_dim3A_114 = arith.constant 0.000000e+00 : f32
      %broadcast_in_dim3A_115 = vector.broadcast %broadcast_in_dim3A_114 : f32 to vector<16xf32>
      %swap3A_116 = arith.index_cast %scan3A_86 : i32 to index
      %swap3A_117 = arith.constant 64 : index
      %swap3A_118 = tpu.vector_load %arg8[%swap3A_116, %swap3A_117] {strides = array<i32>} : memref<128x128xf32, #tpu.memory_space<vmem>>, vector<1x16xf32>,
      %swap3A_119 = vector.shape_cast %swap3A_118 : vector<1x16xf32> to vector<16xf32>
      %swap3A_120 = vector.shape_cast %broadcast_in_dim3A_115 : vector<16xf32> to vector<1x16xf32>
      tpu.vector_store %arg8[%swap3A_116, %swap3A_117], %swap3A_120 {strides = array<i32>} : memref<128x128xf32, #tpu.memory_space<vmem>>, vector<1x16xf32>,
      %broadcast_in_dim3A_121 = arith.constant 0.000000e+00 : f32
      %broadcast_in_dim3A_122 = vector.broadcast %broadcast_in_dim3A_121 : f32 to vector<16xf32>
      %swap3A_123 = arith.index_cast %scan3A_86 : i32 to index
      %swap3A_124 = arith.constant 80 : index
      %swap3A_125 = tpu.vector_load %arg8[%swap3A_123, %swap3A_124] {strides = array<i32>} : memref<128x128xf32, #tpu.memory_space<vmem>>, vector<1x16xf32>,
      %swap3A_126 = vector.shape_cast %swap3A_125 : vector<1x16xf32> to vector<16xf32>
      %swap3A_127 = vector.shape_cast %broadcast_in_dim3A_122 : vector<16xf32> to vector<1x16xf32>
      tpu.vector_store %arg8[%swap3A_123, %swap3A_124], %swap3A_127 {strides = array<i32>} : memref<128x128xf32, #tpu.memory_space<vmem>>, vector<1x16xf32>,
      %broadcast_in_dim3A_128 = arith.constant 0.000000e+00 : f32
      %broadcast_in_dim3A_129 = vector.broadcast %broadcast_in_dim3A_128 : f32 to vector<16xf32>
      %swap3A_130 = arith.index_cast %scan3A_86 : i32 to index
      %swap3A_131 = arith.constant 96 : index
      %swap3A_132 = tpu.vector_load %arg8[%swap3A_130, %swap3A_131] {strides = array<i32>} : memref<128x128xf32, #tpu.memory_space<vmem>>, vector<1x16xf32>,
      %swap3A_133 = vector.shape_cast %swap3A_132 : vector<1x16xf32> to vector<16xf32>
      %swap3A_134 = vector.shape_cast %broadcast_in_dim3A_129 : vector<16xf32> to vector<1x16xf32>
      tpu.vector_store %arg8[%swap3A_130, %swap3A_131], %swap3A_134 {strides = array<i32>} : memref<128x128xf32, #tpu.memory_space<vmem>>, vector<1x16xf32>,
      %broadcast_in_dim3A_135 = arith.constant 0.000000e+00 : f32
      %broadcast_in_dim3A_136 = vector.broadcast %broadcast_in_dim3A_135 : f32 to vector<16xf32>
      %swap3A_137 = arith.index_cast %scan3A_86 : i32 to index
      %swap3A_138 = arith.constant 112 : index
      %swap3A_139 = tpu.vector_load %arg8[%swap3A_137, %swap3A_138] {strides = array<i32>} : memref<128x128xf32, #tpu.memory_space<vmem>>, vector<1x16xf32>,
      %swap3A_140 = vector.shape_cast %swap3A_139 : vector<1x16xf32> to vector<16xf32>
      %swap3A_141 = vector.shape_cast %broadcast_in_dim3A_136 : vector<16xf32> to vector<1x16xf32>
      tpu.vector_store %arg8[%swap3A_137, %swap3A_138], %swap3A_141 {strides = array<i32>} : memref<128x128xf32, #tpu.memory_space<vmem>>, vector<1x16xf32>,
      %scan3A_142 = arith.constant 0 : i32
      scf.yield %scan3A_142 : i32
    }
    %scan3A_6 = arith.constant 128 : i32
    %add3A = arith.constant 0 : i32
    %add3A_7 = arith.addi %mul3A_0, %add3A : i32
    "tpu.region"() ({
      %run_scoped3A = tpu.sem_alloc : memref<!tpu.dma_semaphore, #tpu.memory_space<semaphore_mem>>
      %dma_start3A_86 = arith.constant 0 : i32
      %dma_start3A_87 = tpu.memref_slice %arg10[%add3A_7, %dma_start3A_86] : memref<10240x128xf32, #tpu.memory_space<vmem_shared>> -> memref<128x128xf32, #tpu.memory_space<vmem_shared>>
      %dma_start3A_88 = arith.constant 0 : i32
      %dma_start3A_89 = tpu.memref_slice %arg10[%add3A_7, %dma_start3A_88] : memref<10240x128xf32, #tpu.memory_space<vmem_shared>> -> memref<128x128xf32, #tpu.memory_space<vmem_shared>>
      tpu.enqueue_dma source(%arg8 : memref<128x128xf32, #tpu.memory_space<vmem>>) target(%dma_start3A_89 : memref<128x128xf32, #tpu.memory_space<vmem_shared>>) target_semaphore(%run_scoped3A : memref<!tpu.dma_semaphore, #tpu.memory_space<semaphore_mem>>)
      %dma_wait3A_90 = arith.constant 0 : i32
      %dma_wait3A_91 = tpu.memref_slice %arg10[%add3A_7, %dma_wait3A_90] : memref<10240x128xf32, #tpu.memory_space<vmem_shared>> -> memref<128x128xf32, #tpu.memory_space<vmem_shared>>
      %dma_wait3A_92 = arith.constant 0 : i32
      %dma_wait3A_93 = tpu.memref_slice %arg10[%add3A_7, %dma_wait3A_92] : memref<10240x128xf32, #tpu.memory_space<vmem_shared>> -> memref<128x128xf32, #tpu.memory_space<vmem_shared>>
      tpu.wait_dma2 semaphore(%run_scoped3A : memref<!tpu.dma_semaphore, #tpu.memory_space<semaphore_mem>>) src(%arg8 : memref<128x128xf32, #tpu.memory_space<vmem>>) dst(%dma_wait3A_93 : memref<128x128xf32, #tpu.memory_space<vmem_shared>>)
      tpu.yield
    }) : () -> ()
    %add3A_8 = arith.constant 128 : i32
    %add3A_9 = arith.addi %mul3A_0, %add3A_8 : i32
    "tpu.region"() ({
      %run_scoped3A = tpu.sem_alloc : memref<!tpu.dma_semaphore, #tpu.memory_space<semaphore_mem>>
      %dma_start3A_86 = arith.constant 0 : i32
      %dma_start3A_87 = tpu.memref_slice %arg10[%add3A_9, %dma_start3A_86] : memref<10240x128xf32, #tpu.memory_space<vmem_shared>> -> memref<128x128xf32, #tpu.memory_space<vmem_shared>>
      %dma_start3A_88 = arith.constant 0 : i32
      %dma_start3A_89 = tpu.memref_slice %arg10[%add3A_9, %dma_start3A_88] : memref<10240x128xf32, #tpu.memory_space<vmem_shared>> -> memref<128x128xf32, #tpu.memory_space<vmem_shared>>
      tpu.enqueue_dma source(%arg8 : memref<128x128xf32, #tpu.memory_space<vmem>>) target(%dma_start3A_89 : memref<128x128xf32, #tpu.memory_space<vmem_shared>>) target_semaphore(%run_scoped3A : memref<!tpu.dma_semaphore, #tpu.memory_space<semaphore_mem>>)
      %dma_wait3A_90 = arith.constant 0 : i32
      %dma_wait3A_91 = tpu.memref_slice %arg10[%add3A_9, %dma_wait3A_90] : memref<10240x128xf32, #tpu.memory_space<vmem_shared>> -> memref<128x128xf32, #tpu.memory_space<vmem_shared>>
      %dma_wait3A_92 = arith.constant 0 : i32
      %dma_wait3A_93 = tpu.memref_slice %arg10[%add3A_9, %dma_wait3A_92] : memref<10240x128xf32, #tpu.memory_space<vmem_shared>> -> memref<128x128xf32, #tpu.memory_space<vmem_shared>>
      tpu.wait_dma2 semaphore(%run_scoped3A : memref<!tpu.dma_semaphore, #tpu.memory_space<semaphore_mem>>) src(%arg8 : memref<128x128xf32, #tpu.memory_space<vmem>>) dst(%dma_wait3A_93 : memref<128x128xf32, #tpu.memory_space<vmem_shared>>)
      tpu.yield
    }) : () -> ()
    %add3A_10 = arith.constant 256 : i32
    %add3A_11 = arith.addi %mul3A_0, %add3A_10 : i32
    "tpu.region"() ({
      %run_scoped3A = tpu.sem_alloc : memref<!tpu.dma_semaphore, #tpu.memory_space<semaphore_mem>>
      %dma_start3A_86 = arith.constant 0 : i32
      %dma_start3A_87 = tpu.memref_slice %arg10[%add3A_11, %dma_start3A_86] : memref<10240x128xf32, #tpu.memory_space<vmem_shared>> -> memref<128x128xf32, #tpu.memory_space<vmem_shared>>
      %dma_start3A_88 = arith.constant 0 : i32
      %dma_start3A_89 = tpu.memref_slice %arg10[%add3A_11, %dma_start3A_88] : memref<10240x128xf32, #tpu.memory_space<vmem_shared>> -> memref<128x128xf32, #tpu.memory_space<vmem_shared>>
      tpu.enqueue_dma source(%arg8 : memref<128x128xf32, #tpu.memory_space<vmem>>) target(%dma_start3A_89 : memref<128x128xf32, #tpu.memory_space<vmem_shared>>) target_semaphore(%run_scoped3A : memref<!tpu.dma_semaphore, #tpu.memory_space<semaphore_mem>>)
      %dma_wait3A_90 = arith.constant 0 : i32
      %dma_wait3A_91 = tpu.memref_slice %arg10[%add3A_11, %dma_wait3A_90] : memref<10240x128xf32, #tpu.memory_space<vmem_shared>> -> memref<128x128xf32, #tpu.memory_space<vmem_shared>>
      %dma_wait3A_92 = arith.constant 0 : i32
      %dma_wait3A_93 = tpu.memref_slice %arg10[%add3A_11, %dma_wait3A_92] : memref<10240x128xf32, #tpu.memory_space<vmem_shared>> -> memref<128x128xf32, #tpu.memory_space<vmem_shared>>
      tpu.wait_dma2 semaphore(%run_scoped3A : memref<!tpu.dma_semaphore, #tpu.memory_space<semaphore_mem>>) src(%arg8 : memref<128x128xf32, #tpu.memory_space<vmem>>) dst(%dma_wait3A_93 : memref<128x128xf32, #tpu.memory_space<vmem_shared>>)
      tpu.yield
    }) : () -> ()
    %add3A_12 = arith.constant 384 : i32
    %add3A_13 = arith.addi %mul3A_0, %add3A_12 : i32
    "tpu.region"() ({
      %run_scoped3A = tpu.sem_alloc : memref<!tpu.dma_semaphore, #tpu.memory_space<semaphore_mem>>
      %dma_start3A_86 = arith.constant 0 : i32
      %dma_start3A_87 = tpu.memref_slice %arg10[%add3A_13, %dma_start3A_86] : memref<10240x128xf32, #tpu.memory_space<vmem_shared>> -> memref<128x128xf32, #tpu.memory_space<vmem_shared>>
      %dma_start3A_88 = arith.constant 0 : i32
      %dma_start3A_89 = tpu.memref_slice %arg10[%add3A_13, %dma_start3A_88] : memref<10240x128xf32, #tpu.memory_space<vmem_shared>> -> memref<128x128xf32, #tpu.memory_space<vmem_shared>>
      tpu.enqueue_dma source(%arg8 : memref<128x128xf32, #tpu.memory_space<vmem>>) target(%dma_start3A_89 : memref<128x128xf32, #tpu.memory_space<vmem_shared>>) target_semaphore(%run_scoped3A : memref<!tpu.dma_semaphore, #tpu.memory_space<semaphore_mem>>)
      %dma_wait3A_90 = arith.constant 0 : i32
      %dma_wait3A_91 = tpu.memref_slice %arg10[%add3A_13, %dma_wait3A_90] : memref<10240x128xf32, #tpu.memory_space<vmem_shared>> -> memref<128x128xf32, #tpu.memory_space<vmem_shared>>
      %dma_wait3A_92 = arith.constant 0 : i32
      %dma_wait3A_93 = tpu.memref_slice %arg10[%add3A_13, %dma_wait3A_92] : memref<10240x128xf32, #tpu.memory_space<vmem_shared>> -> memref<128x128xf32, #tpu.memory_space<vmem_shared>>
      tpu.wait_dma2 semaphore(%run_scoped3A : memref<!tpu.dma_semaphore, #tpu.memory_space<semaphore_mem>>) src(%arg8 : memref<128x128xf32, #tpu.memory_space<vmem>>) dst(%dma_wait3A_93 : memref<128x128xf32, #tpu.memory_space<vmem_shared>>)
      tpu.yield
    }) : () -> ()
    %add3A_14 = arith.constant 512 : i32
    %add3A_15 = arith.addi %mul3A_0, %add3A_14 : i32
    "tpu.region"() ({
      %run_scoped3A = tpu.sem_alloc : memref<!tpu.dma_semaphore, #tpu.memory_space<semaphore_mem>>
      %dma_start3A_86 = arith.constant 0 : i32
      %dma_start3A_87 = tpu.memref_slice %arg10[%add3A_15, %dma_start3A_86] : memref<10240x128xf32, #tpu.memory_space<vmem_shared>> -> memref<128x128xf32, #tpu.memory_space<vmem_shared>>
      %dma_start3A_88 = arith.constant 0 : i32
      %dma_start3A_89 = tpu.memref_slice %arg10[%add3A_15, %dma_start3A_88] : memref<10240x128xf32, #tpu.memory_space<vmem_shared>> -> memref<128x128xf32, #tpu.memory_space<vmem_shared>>
      tpu.enqueue_dma source(%arg8 : memref<128x128xf32, #tpu.memory_space<vmem>>) target(%dma_start3A_89 : memref<128x128xf32, #tpu.memory_space<vmem_shared>>) target_semaphore(%run_scoped3A : memref<!tpu.dma_semaphore, #tpu.memory_space<semaphore_mem>>)
      %dma_wait3A_90 = arith.constant 0 : i32
      %dma_wait3A_91 = tpu.memref_slice %arg10[%add3A_15, %dma_wait3A_90] : memref<10240x128xf32, #tpu.memory_space<vmem_shared>> -> memref<128x128xf32, #tpu.memory_space<vmem_shared>>
      %dma_wait3A_92 = arith.constant 0 : i32
      %dma_wait3A_93 = tpu.memref_slice %arg10[%add3A_15, %dma_wait3A_92] : memref<10240x128xf32, #tpu.memory_space<vmem_shared>> -> memref<128x128xf32, #tpu.memory_space<vmem_shared>>
      tpu.wait_dma2 semaphore(%run_scoped3A : memref<!tpu.dma_semaphore, #tpu.memory_space<semaphore_mem>>) src(%arg8 : memref<128x128xf32, #tpu.memory_space<vmem>>) dst(%dma_wait3A_93 : memref<128x128xf32, #tpu.memory_space<vmem_shared>>)
      tpu.yield
    }) : () -> ()
    %barrier3A = arith.constant 0 : index
    tpu.barrier barrier_id(%barrier3A)
    %mul3A_16 = arith.constant 16 : i32
    %mul3A_17 = arith.muli %arg0, %mul3A_16 : i32
    %add3A_18 = arith.addi %mul3A_17, %arg1 : i32
    %mul3A_19 = arith.constant 80 : i32
    %mul3A_20 = arith.muli %add3A_18, %mul3A_19 : i32
    %add3A_21 = arith.constant 0 : i32
    %add3A_22 = arith.addi %mul3A_20, %add3A_21 : i32
    "tpu.region"() ({
      %run_scoped3A = tpu.sem_alloc : memref<!tpu.dma_semaphore, #tpu.memory_space<semaphore_mem>>
      %dma_start3A_86 = arith.constant 0 : i32
      %dma_start3A_87 = tpu.memref_slice %arg3[%add3A_22, %dma_start3A_86] : memref<2560x128xi32, #tpu.memory_space<hbm>> -> memref<40x128xi32, #tpu.memory_space<hbm>>
      %dma_start3A_88 = arith.constant 0 : i32
      %dma_start3A_89 = tpu.memref_slice %arg3[%add3A_22, %dma_start3A_88] : memref<2560x128xi32, #tpu.memory_space<hbm>> -> memref<40x128xi32, #tpu.memory_space<hbm>>
      tpu.enqueue_dma source(%dma_start3A_89 : memref<40x128xi32, #tpu.memory_space<hbm>>) target(%arg6 : memref<40x128xi32, #tpu.memory_space<vmem>>) target_semaphore(%run_scoped3A : memref<!tpu.dma_semaphore, #tpu.memory_space<semaphore_mem>>)
      %dma_wait3A_90 = arith.constant 0 : i32
      %dma_wait3A_91 = tpu.memref_slice %arg3[%add3A_22, %dma_wait3A_90] : memref<2560x128xi32, #tpu.memory_space<hbm>> -> memref<40x128xi32, #tpu.memory_space<hbm>>
      %dma_wait3A_92 = arith.constant 0 : i32
      %dma_wait3A_93 = tpu.memref_slice %arg3[%add3A_22, %dma_wait3A_92] : memref<2560x128xi32, #tpu.memory_space<hbm>> -> memref<40x128xi32, #tpu.memory_space<hbm>>
      tpu.wait_dma2 semaphore(%run_scoped3A : memref<!tpu.dma_semaphore, #tpu.memory_space<semaphore_mem>>) src(%dma_wait3A_93 : memref<40x128xi32, #tpu.memory_space<hbm>>) dst(%arg6 : memref<40x128xi32, #tpu.memory_space<vmem>>)
      tpu.yield
    }) : () -> ()
    "tpu.region"() ({
      %run_scoped3A = tpu.sem_alloc : memref<!tpu.dma_semaphore, #tpu.memory_space<semaphore_mem>>
      %dma_start3A_86 = arith.constant 0 : i32
      %dma_start3A_87 = tpu.memref_slice %arg4[%add3A_22, %dma_start3A_86] : memref<2560x128xi32, #tpu.memory_space<hbm>> -> memref<40x128xi32, #tpu.memory_space<hbm>>
      %dma_start3A_88 = arith.constant 0 : i32
      %dma_start3A_89 = tpu.memref_slice %arg4[%add3A_22, %dma_start3A_88] : memref<2560x128xi32, #tpu.memory_space<hbm>> -> memref<40x128xi32, #tpu.memory_space<hbm>>
      tpu.enqueue_dma source(%dma_start3A_89 : memref<40x128xi32, #tpu.memory_space<hbm>>) target(%arg7 : memref<40x128xi32, #tpu.memory_space<vmem>>) target_semaphore(%run_scoped3A : memref<!tpu.dma_semaphore, #tpu.memory_space<semaphore_mem>>)
      %dma_wait3A_90 = arith.constant 0 : i32
      %dma_wait3A_91 = tpu.memref_slice %arg4[%add3A_22, %dma_wait3A_90] : memref<2560x128xi32, #tpu.memory_space<hbm>> -> memref<40x128xi32, #tpu.memory_space<hbm>>
      %dma_wait3A_92 = arith.constant 0 : i32
      %dma_wait3A_93 = tpu.memref_slice %arg4[%add3A_22, %dma_wait3A_92] : memref<2560x128xi32, #tpu.memory_space<hbm>> -> memref<40x128xi32, #tpu.memory_space<hbm>>
      tpu.wait_dma2 semaphore(%run_scoped3A : memref<!tpu.dma_semaphore, #tpu.memory_space<semaphore_mem>>) src(%dma_wait3A_93 : memref<40x128xi32, #tpu.memory_space<hbm>>) dst(%arg7 : memref<40x128xi32, #tpu.memory_space<vmem>>)
      tpu.yield
    }) : () -> ()
    %dma_start3A = arith.constant 0 : i32
    %dma_start3A_23 = arith.constant 0 : i32
    %dma_start3A_24 = tpu.memref_slice %arg6[%dma_start3A, %dma_start3A_23] : memref<40x128xi32, #tpu.memory_space<vmem>> -> memref<1x128xi32, #tpu.memory_space<vmem>>
    %dma_start3A_25 = tpu.memref_squeeze %dma_start3A_24 : memref<1x128xi32, #tpu.memory_space<vmem>> -> memref<128xi32, #tpu.memory_space<vmem>>
    %dma_start3A_26 = arith.constant 0 : i32
    %dma_start3A_27 = arith.constant 0 : i32
    %dma_start3A_28 = tpu.memref_slice %arg2[%dma_start3A_26, %dma_start3A_27] : memref<10000x128xf32, #tpu.memory_space<hbm>> -> memref<10000x128xf32, #tpu.memory_space<hbm>>
    tpu.enqueue_indirect_dma source(%dma_start3A_28 : memref<10000x128xf32, #tpu.memory_space<hbm>>) target(%arg8 : memref<128x128xf32, #tpu.memory_space<vmem>>) offsets(%dma_start3A_25 : memref<128xi32, #tpu.memory_space<vmem>>) semaphore(%arg11 : memref<!tpu.dma_semaphore, #tpu.memory_space<semaphore_mem>>)
    %scan3A_29 = arith.constant 0 : i32
    %scan3A_30 = arith.constant 0 : i32
    %scan3A_31 = arith.constant 20 : i32
    %scan3A_32 = arith.addi %scan3A_30, %scan3A_31 : i32
    %scan3A_33 = arith.constant 1 : i32
    %scan3A_34 = scf.for %scan3A_86 = %scan3A_30 to %scan3A_32 step %scan3A_33 iter_args(%scan3A_87 = %scan3A_29) -> (i32)  : i32 {
      %mul3A_88 = arith.constant 2 : i32
      %mul3A_89 = arith.muli %scan3A_86, %mul3A_88 : i32
      %add3A_90 = arith.constant 1 : i32
      %add3A_91 = arith.addi %mul3A_89, %add3A_90 : i32
      %dma_start3A_92 = arith.constant 0 : i32
      %dma_start3A_93 = tpu.memref_slice %arg6[%add3A_91, %dma_start3A_92] : memref<40x128xi32, #tpu.memory_space<vmem>> -> memref<1x128xi32, #tpu.memory_space<vmem>>
      %dma_start3A_94 = tpu.memref_squeeze %dma_start3A_93 : memref<1x128xi32, #tpu.memory_space<vmem>> -> memref<128xi32, #tpu.memory_space<vmem>>
      %dma_start3A_95 = arith.constant 0 : i32
      %dma_start3A_96 = arith.constant 0 : i32
      %dma_start3A_97 = tpu.memref_slice %arg2[%dma_start3A_95, %dma_start3A_96] : memref<10000x128xf32, #tpu.memory_space<hbm>> -> memref<10000x128xf32, #tpu.memory_space<hbm>>
      tpu.enqueue_indirect_dma source(%dma_start3A_97 : memref<10000x128xf32, #tpu.memory_space<hbm>>) target(%arg9 : memref<128x128xf32, #tpu.memory_space<vmem>>) offsets(%dma_start3A_94 : memref<128xi32, #tpu.memory_space<vmem>>) semaphore(%arg12 : memref<!tpu.dma_semaphore, #tpu.memory_space<semaphore_mem>>)
      %dma_wait3A_98 = arith.constant 0 : i32
      %dma_wait3A_99 = tpu.memref_slice %arg6[%mul3A_89, %dma_wait3A_98] : memref<40x128xi32, #tpu.memory_space<vmem>> -> memref<1x128xi32, #tpu.memory_space<vmem>>
      %dma_wait3A_100 = tpu.memref_squeeze %dma_wait3A_99 : memref<1x128xi32, #tpu.memory_space<vmem>> -> memref<128xi32, #tpu.memory_space<vmem>>
      %dma_wait3A_101 = arith.constant 0 : i32
      %dma_wait3A_102 = arith.constant 0 : i32
      %dma_wait3A_103 = tpu.memref_slice %arg2[%dma_wait3A_101, %dma_wait3A_102] : memref<10000x128xf32, #tpu.memory_space<hbm>> -> memref<10000x128xf32, #tpu.memory_space<hbm>>
      tpu.wait_indirect_dma semaphore(%arg11 : memref<!tpu.dma_semaphore, #tpu.memory_space<semaphore_mem>>) src(%dma_wait3A_103 : memref<10000x128xf32, #tpu.memory_space<hbm>>) dst(%arg8 : memref<128x128xf32, #tpu.memory_space<vmem>>)
      "tpu.region"() ({
        %run_scoped3A = tpu.sem_alloc : memref<!tpu.dma_semaphore, #tpu.memory_space<semaphore_mem>>
        %dma_start3A_124 = arith.constant 0 : i32
        %dma_start3A_125 = tpu.memref_slice %arg7[%mul3A_89, %dma_start3A_124] : memref<40x128xi32, #tpu.memory_space<vmem>> -> memref<1x128xi32, #tpu.memory_space<vmem>>
        %dma_start3A_126 = tpu.memref_squeeze %dma_start3A_125 : memref<1x128xi32, #tpu.memory_space<vmem>> -> memref<128xi32, #tpu.memory_space<vmem>>
        %dma_start3A_127 = arith.constant 0 : i32
        %dma_start3A_128 = arith.constant 0 : i32
        %dma_start3A_129 = tpu.memref_slice %arg10[%dma_start3A_127, %dma_start3A_128] : memref<10240x128xf32, #tpu.memory_space<vmem_shared>> -> memref<10240x128xf32, #tpu.memory_space<vmem_shared>>
        tpu.enqueue_indirect_dma source(%arg8 : memref<128x128xf32, #tpu.memory_space<vmem>>) target(%dma_start3A_129 : memref<10240x128xf32, #tpu.memory_space<vmem_shared>>) offsets(%dma_start3A_126 : memref<128xi32, #tpu.memory_space<vmem>>) semaphore(%run_scoped3A : memref<!tpu.dma_semaphore, #tpu.memory_space<semaphore_mem>>) {add = true}
        %dma_wait3A_130 = arith.constant 0 : i32
        %dma_wait3A_131 = tpu.memref_slice %arg7[%mul3A_89, %dma_wait3A_130] : memref<40x128xi32, #tpu.memory_space<vmem>> -> memref<1x128xi32, #tpu.memory_space<vmem>>
        %dma_wait3A_132 = tpu.memref_squeeze %dma_wait3A_131 : memref<1x128xi32, #tpu.memory_space<vmem>> -> memref<128xi32, #tpu.memory_space<vmem>>
        %dma_wait3A_133 = arith.constant 0 : i32
        %dma_wait3A_134 = arith.constant 0 : i32
        %dma_wait3A_135 = tpu.memref_slice %arg10[%dma_wait3A_133, %dma_wait3A_134] : memref<10240x128xf32, #tpu.memory_space<vmem_shared>> -> memref<10240x128xf32, #tpu.memory_space<vmem_shared>>
        tpu.wait_indirect_dma semaphore(%run_scoped3A : memref<!tpu.dma_semaphore, #tpu.memory_space<semaphore_mem>>) src(%arg8 : memref<128x128xf32, #tpu.memory_space<vmem>>) dst(%dma_wait3A_135 : memref<10240x128xf32, #tpu.memory_space<vmem_shared>>)
        tpu.yield
      }) : () -> ()
      %add3A_104 = arith.constant 2 : i32
      %add3A_105 = arith.addi %mul3A_89, %add3A_104 : i32
      %min3A = arith.constant 39 : i32
      %min3A_106 = arith.minsi %add3A_105, %min3A : i32
      %dma_start3A_107 = arith.constant 0 : i32
      %dma_start3A_108 = tpu.memref_slice %arg6[%min3A_106, %dma_start3A_107] : memref<40x128xi32, #tpu.memory_space<vmem>> -> memref<1x128xi32, #tpu.memory_space<vmem>>
      %dma_start3A_109 = tpu.memref_squeeze %dma_start3A_108 : memref<1x128xi32, #tpu.memory_space<vmem>> -> memref<128xi32, #tpu.memory_space<vmem>>
      %dma_start3A_110 = arith.constant 0 : i32
      %dma_start3A_111 = arith.constant 0 : i32
      %dma_start3A_112 = tpu.memref_slice %arg2[%dma_start3A_110, %dma_start3A_111] : memref<10000x128xf32, #tpu.memory_space<hbm>> -> memref<10000x128xf32, #tpu.memory_space<hbm>>
      tpu.enqueue_indirect_dma source(%dma_start3A_112 : memref<10000x128xf32, #tpu.memory_space<hbm>>) target(%arg8 : memref<128x128xf32, #tpu.memory_space<vmem>>) offsets(%dma_start3A_109 : memref<128xi32, #tpu.memory_space<vmem>>) semaphore(%arg11 : memref<!tpu.dma_semaphore, #tpu.memory_space<semaphore_mem>>)
      %add3A_113 = arith.constant 1 : i32
      %add3A_114 = arith.addi %mul3A_89, %add3A_113 : i32
      %dma_wait3A_115 = arith.constant 0 : i32
      %dma_wait3A_116 = tpu.memref_slice %arg6[%add3A_114, %dma_wait3A_115] : memref<40x128xi32, #tpu.memory_space<vmem>> -> memref<1x128xi32, #tpu.memory_space<vmem>>
      %dma_wait3A_117 = tpu.memref_squeeze %dma_wait3A_116 : memref<1x128xi32, #tpu.memory_space<vmem>> -> memref<128xi32, #tpu.memory_space<vmem>>
      %dma_wait3A_118 = arith.constant 0 : i32
      %dma_wait3A_119 = arith.constant 0 : i32
      %dma_wait3A_120 = tpu.memref_slice %arg2[%dma_wait3A_118, %dma_wait3A_119] : memref<10000x128xf32, #tpu.memory_space<hbm>> -> memref<10000x128xf32, #tpu.memory_space<hbm>>
      tpu.wait_indirect_dma semaphore(%arg12 : memref<!tpu.dma_semaphore, #tpu.memory_space<semaphore_mem>>) src(%dma_wait3A_120 : memref<10000x128xf32, #tpu.memory_space<hbm>>) dst(%arg9 : memref<128x128xf32, #tpu.memory_space<vmem>>)
      %add3A_121 = arith.constant 1 : i32
      %add3A_122 = arith.addi %mul3A_89, %add3A_121 : i32
      "tpu.region"() ({
        %run_scoped3A = tpu.sem_alloc : memref<!tpu.dma_semaphore, #tpu.memory_space<semaphore_mem>>
        %dma_start3A_124 = arith.constant 0 : i32
        %dma_start3A_125 = tpu.memref_slice %arg7[%add3A_122, %dma_start3A_124] : memref<40x128xi32, #tpu.memory_space<vmem>> -> memref<1x128xi32, #tpu.memory_space<vmem>>
        %dma_start3A_126 = tpu.memref_squeeze %dma_start3A_125 : memref<1x128xi32, #tpu.memory_space<vmem>> -> memref<128xi32, #tpu.memory_space<vmem>>
        %dma_start3A_127 = arith.constant 0 : i32
        %dma_start3A_128 = arith.constant 0 : i32
        %dma_start3A_129 = tpu.memref_slice %arg10[%dma_start3A_127, %dma_start3A_128] : memref<10240x128xf32, #tpu.memory_space<vmem_shared>> -> memref<10240x128xf32, #tpu.memory_space<vmem_shared>>
        tpu.enqueue_indirect_dma source(%arg9 : memref<128x128xf32, #tpu.memory_space<vmem>>) target(%dma_start3A_129 : memref<10240x128xf32, #tpu.memory_space<vmem_shared>>) offsets(%dma_start3A_126 : memref<128xi32, #tpu.memory_space<vmem>>) semaphore(%run_scoped3A : memref<!tpu.dma_semaphore, #tpu.memory_space<semaphore_mem>>) {add = true}
        %dma_wait3A_130 = arith.constant 0 : i32
        %dma_wait3A_131 = tpu.memref_slice %arg7[%add3A_122, %dma_wait3A_130] : memref<40x128xi32, #tpu.memory_space<vmem>> -> memref<1x128xi32, #tpu.memory_space<vmem>>
        %dma_wait3A_132 = tpu.memref_squeeze %dma_wait3A_131 : memref<1x128xi32, #tpu.memory_space<vmem>> -> memref<128xi32, #tpu.memory_space<vmem>>
        %dma_wait3A_133 = arith.constant 0 : i32
        %dma_wait3A_134 = arith.constant 0 : i32
        %dma_wait3A_135 = tpu.memref_slice %arg10[%dma_wait3A_133, %dma_wait3A_134] : memref<10240x128xf32, #tpu.memory_space<vmem_shared>> -> memref<10240x128xf32, #tpu.memory_space<vmem_shared>>
        tpu.wait_indirect_dma semaphore(%run_scoped3A : memref<!tpu.dma_semaphore, #tpu.memory_space<semaphore_mem>>) src(%arg9 : memref<128x128xf32, #tpu.memory_space<vmem>>) dst(%dma_wait3A_135 : memref<10240x128xf32, #tpu.memory_space<vmem_shared>>)
        tpu.yield
      }) : () -> ()
      %scan3A_123 = arith.constant 0 : i32
      scf.yield %scan3A_123 : i32
    }
    %scan3A_35 = arith.constant 20 : i32
    %dma_wait3A = arith.constant 39 : i32
    %dma_wait3A_36 = arith.constant 0 : i32
    %dma_wait3A_37 = tpu.memref_slice %arg6[%dma_wait3A, %dma_wait3A_36] : memref<40x128xi32, #tpu.memory_space<vmem>> -> memref<1x128xi32, #tpu.memory_space<vmem>>
    %dma_wait3A_38 = tpu.memref_squeeze %dma_wait3A_37 : memref<1x128xi32, #tpu.memory_space<vmem>> -> memref<128xi32, #tpu.memory_space<vmem>>
    %dma_wait3A_39 = arith.constant 0 : i32
    %dma_wait3A_40 = arith.constant 0 : i32
    %dma_wait3A_41 = tpu.memref_slice %arg2[%dma_wait3A_39, %dma_wait3A_40] : memref<10000x128xf32, #tpu.memory_space<hbm>> -> memref<10000x128xf32, #tpu.memory_space<hbm>>
    tpu.wait_indirect_dma semaphore(%arg11 : memref<!tpu.dma_semaphore, #tpu.memory_space<semaphore_mem>>) src(%dma_wait3A_41 : memref<10000x128xf32, #tpu.memory_space<hbm>>) dst(%arg8 : memref<128x128xf32, #tpu.memory_space<vmem>>)
    %add3A_42 = arith.constant 40 : i32
    %add3A_43 = arith.addi %mul3A_20, %add3A_42 : i32
    "tpu.region"() ({
      %run_scoped3A = tpu.sem_alloc : memref<!tpu.dma_semaphore, #tpu.memory_space<semaphore_mem>>
      %dma_start3A_86 = arith.constant 0 : i32
      %dma_start3A_87 = tpu.memref_slice %arg3[%add3A_43, %dma_start3A_86] : memref<2560x128xi32, #tpu.memory_space<hbm>> -> memref<40x128xi32, #tpu.memory_space<hbm>>
      %dma_start3A_88 = arith.constant 0 : i32
      %dma_start3A_89 = tpu.memref_slice %arg3[%add3A_43, %dma_start3A_88] : memref<2560x128xi32, #tpu.memory_space<hbm>> -> memref<40x128xi32, #tpu.memory_space<hbm>>
      tpu.enqueue_dma source(%dma_start3A_89 : memref<40x128xi32, #tpu.memory_space<hbm>>) target(%arg6 : memref<40x128xi32, #tpu.memory_space<vmem>>) target_semaphore(%run_scoped3A : memref<!tpu.dma_semaphore, #tpu.memory_space<semaphore_mem>>)
      %dma_wait3A_90 = arith.constant 0 : i32
      %dma_wait3A_91 = tpu.memref_slice %arg3[%add3A_43, %dma_wait3A_90] : memref<2560x128xi32, #tpu.memory_space<hbm>> -> memref<40x128xi32, #tpu.memory_space<hbm>>
      %dma_wait3A_92 = arith.constant 0 : i32
      %dma_wait3A_93 = tpu.memref_slice %arg3[%add3A_43, %dma_wait3A_92] : memref<2560x128xi32, #tpu.memory_space<hbm>> -> memref<40x128xi32, #tpu.memory_space<hbm>>
      tpu.wait_dma2 semaphore(%run_scoped3A : memref<!tpu.dma_semaphore, #tpu.memory_space<semaphore_mem>>) src(%dma_wait3A_93 : memref<40x128xi32, #tpu.memory_space<hbm>>) dst(%arg6 : memref<40x128xi32, #tpu.memory_space<vmem>>)
      tpu.yield
    }) : () -> ()
    "tpu.region"() ({
      %run_scoped3A = tpu.sem_alloc : memref<!tpu.dma_semaphore, #tpu.memory_space<semaphore_mem>>
      %dma_start3A_86 = arith.constant 0 : i32
      %dma_start3A_87 = tpu.memref_slice %arg4[%add3A_43, %dma_start3A_86] : memref<2560x128xi32, #tpu.memory_space<hbm>> -> memref<40x128xi32, #tpu.memory_space<hbm>>
      %dma_start3A_88 = arith.constant 0 : i32
      %dma_start3A_89 = tpu.memref_slice %arg4[%add3A_43, %dma_start3A_88] : memref<2560x128xi32, #tpu.memory_space<hbm>> -> memref<40x128xi32, #tpu.memory_space<hbm>>
      tpu.enqueue_dma source(%dma_start3A_89 : memref<40x128xi32, #tpu.memory_space<hbm>>) target(%arg7 : memref<40x128xi32, #tpu.memory_space<vmem>>) target_semaphore(%run_scoped3A : memref<!tpu.dma_semaphore, #tpu.memory_space<semaphore_mem>>)
      %dma_wait3A_90 = arith.constant 0 : i32
      %dma_wait3A_91 = tpu.memref_slice %arg4[%add3A_43, %dma_wait3A_90] : memref<2560x128xi32, #tpu.memory_space<hbm>> -> memref<40x128xi32, #tpu.memory_space<hbm>>
      %dma_wait3A_92 = arith.constant 0 : i32
      %dma_wait3A_93 = tpu.memref_slice %arg4[%add3A_43, %dma_wait3A_92] : memref<2560x128xi32, #tpu.memory_space<hbm>> -> memref<40x128xi32, #tpu.memory_space<hbm>>
      tpu.wait_dma2 semaphore(%run_scoped3A : memref<!tpu.dma_semaphore, #tpu.memory_space<semaphore_mem>>) src(%dma_wait3A_93 : memref<40x128xi32, #tpu.memory_space<hbm>>) dst(%arg7 : memref<40x128xi32, #tpu.memory_space<vmem>>)
      tpu.yield
    }) : () -> ()
    %dma_start3A_44 = arith.constant 0 : i32
    %dma_start3A_45 = arith.constant 0 : i32
    %dma_start3A_46 = tpu.memref_slice %arg6[%dma_start3A_44, %dma_start3A_45] : memref<40x128xi32, #tpu.memory_space<vmem>> -> memref<1x128xi32, #tpu.memory_space<vmem>>
    %dma_start3A_47 = tpu.memref_squeeze %dma_start3A_46 : memref<1x128xi32, #tpu.memory_space<vmem>> -> memref<128xi32, #tpu.memory_space<vmem>>
    %dma_start3A_48 = arith.constant 0 : i32
    %dma_start3A_49 = arith.constant 0 : i32
    %dma_start3A_50 = tpu.memref_slice %arg2[%dma_start3A_48, %dma_start3A_49] : memref<10000x128xf32, #tpu.memory_space<hbm>> -> memref<10000x128xf32, #tpu.memory_space<hbm>>
    tpu.enqueue_indirect_dma source(%dma_start3A_50 : memref<10000x128xf32, #tpu.memory_space<hbm>>) target(%arg8 : memref<128x128xf32, #tpu.memory_space<vmem>>) offsets(%dma_start3A_47 : memref<128xi32, #tpu.memory_space<vmem>>) semaphore(%arg11 : memref<!tpu.dma_semaphore, #tpu.memory_space<semaphore_mem>>)
    %scan3A_51 = arith.constant 0 : i32
    %scan3A_52 = arith.constant 0 : i32
    %scan3A_53 = arith.constant 20 : i32
    %scan3A_54 = arith.addi %scan3A_52, %scan3A_53 : i32
    %scan3A_55 = arith.constant 1 : i32
    %scan3A_56 = scf.for %scan3A_86 = %scan3A_52 to %scan3A_54 step %scan3A_55 iter_args(%scan3A_87 = %scan3A_51) -> (i32)  : i32 {
      %mul3A_88 = arith.constant 2 : i32
      %mul3A_89 = arith.muli %scan3A_86, %mul3A_88 : i32
      %add3A_90 = arith.constant 1 : i32
      %add3A_91 = arith.addi %mul3A_89, %add3A_90 : i32
      %dma_start3A_92 = arith.constant 0 : i32
      %dma_start3A_93 = tpu.memref_slice %arg6[%add3A_91, %dma_start3A_92] : memref<40x128xi32, #tpu.memory_space<vmem>> -> memref<1x128xi32, #tpu.memory_space<vmem>>
      %dma_start3A_94 = tpu.memref_squeeze %dma_start3A_93 : memref<1x128xi32, #tpu.memory_space<vmem>> -> memref<128xi32, #tpu.memory_space<vmem>>
      %dma_start3A_95 = arith.constant 0 : i32
      %dma_start3A_96 = arith.constant 0 : i32
      %dma_start3A_97 = tpu.memref_slice %arg2[%dma_start3A_95, %dma_start3A_96] : memref<10000x128xf32, #tpu.memory_space<hbm>> -> memref<10000x128xf32, #tpu.memory_space<hbm>>
      tpu.enqueue_indirect_dma source(%dma_start3A_97 : memref<10000x128xf32, #tpu.memory_space<hbm>>) target(%arg9 : memref<128x128xf32, #tpu.memory_space<vmem>>) offsets(%dma_start3A_94 : memref<128xi32, #tpu.memory_space<vmem>>) semaphore(%arg12 : memref<!tpu.dma_semaphore, #tpu.memory_space<semaphore_mem>>)
      %dma_wait3A_98 = arith.constant 0 : i32
      %dma_wait3A_99 = tpu.memref_slice %arg6[%mul3A_89, %dma_wait3A_98] : memref<40x128xi32, #tpu.memory_space<vmem>> -> memref<1x128xi32, #tpu.memory_space<vmem>>
      %dma_wait3A_100 = tpu.memref_squeeze %dma_wait3A_99 : memref<1x128xi32, #tpu.memory_space<vmem>> -> memref<128xi32, #tpu.memory_space<vmem>>
      %dma_wait3A_101 = arith.constant 0 : i32
      %dma_wait3A_102 = arith.constant 0 : i32
      %dma_wait3A_103 = tpu.memref_slice %arg2[%dma_wait3A_101, %dma_wait3A_102] : memref<10000x128xf32, #tpu.memory_space<hbm>> -> memref<10000x128xf32, #tpu.memory_space<hbm>>
      tpu.wait_indirect_dma semaphore(%arg11 : memref<!tpu.dma_semaphore, #tpu.memory_space<semaphore_mem>>) src(%dma_wait3A_103 : memref<10000x128xf32, #tpu.memory_space<hbm>>) dst(%arg8 : memref<128x128xf32, #tpu.memory_space<vmem>>)
      "tpu.region"() ({
        %run_scoped3A = tpu.sem_alloc : memref<!tpu.dma_semaphore, #tpu.memory_space<semaphore_mem>>
        %dma_start3A_124 = arith.constant 0 : i32
        %dma_start3A_125 = tpu.memref_slice %arg7[%mul3A_89, %dma_start3A_124] : memref<40x128xi32, #tpu.memory_space<vmem>> -> memref<1x128xi32, #tpu.memory_space<vmem>>
        %dma_start3A_126 = tpu.memref_squeeze %dma_start3A_125 : memref<1x128xi32, #tpu.memory_space<vmem>> -> memref<128xi32, #tpu.memory_space<vmem>>
        %dma_start3A_127 = arith.constant 0 : i32
        %dma_start3A_128 = arith.constant 0 : i32
        %dma_start3A_129 = tpu.memref_slice %arg10[%dma_start3A_127, %dma_start3A_128] : memref<10240x128xf32, #tpu.memory_space<vmem_shared>> -> memref<10240x128xf32, #tpu.memory_space<vmem_shared>>
        tpu.enqueue_indirect_dma source(%arg8 : memref<128x128xf32, #tpu.memory_space<vmem>>) target(%dma_start3A_129 : memref<10240x128xf32, #tpu.memory_space<vmem_shared>>) offsets(%dma_start3A_126 : memref<128xi32, #tpu.memory_space<vmem>>) semaphore(%run_scoped3A : memref<!tpu.dma_semaphore, #tpu.memory_space<semaphore_mem>>) {add = true}
        %dma_wait3A_130 = arith.constant 0 : i32
        %dma_wait3A_131 = tpu.memref_slice %arg7[%mul3A_89, %dma_wait3A_130] : memref<40x128xi32, #tpu.memory_space<vmem>> -> memref<1x128xi32, #tpu.memory_space<vmem>>
        %dma_wait3A_132 = tpu.memref_squeeze %dma_wait3A_131 : memref<1x128xi32, #tpu.memory_space<vmem>> -> memref<128xi32, #tpu.memory_space<vmem>>
        %dma_wait3A_133 = arith.constant 0 : i32
        %dma_wait3A_134 = arith.constant 0 : i32
        %dma_wait3A_135 = tpu.memref_slice %arg10[%dma_wait3A_133, %dma_wait3A_134] : memref<10240x128xf32, #tpu.memory_space<vmem_shared>> -> memref<10240x128xf32, #tpu.memory_space<vmem_shared>>
        tpu.wait_indirect_dma semaphore(%run_scoped3A : memref<!tpu.dma_semaphore, #tpu.memory_space<semaphore_mem>>) src(%arg8 : memref<128x128xf32, #tpu.memory_space<vmem>>) dst(%dma_wait3A_135 : memref<10240x128xf32, #tpu.memory_space<vmem_shared>>)
        tpu.yield
      }) : () -> ()
      %add3A_104 = arith.constant 2 : i32
      %add3A_105 = arith.addi %mul3A_89, %add3A_104 : i32
      %min3A = arith.constant 39 : i32
      %min3A_106 = arith.minsi %add3A_105, %min3A : i32
      %dma_start3A_107 = arith.constant 0 : i32
      %dma_start3A_108 = tpu.memref_slice %arg6[%min3A_106, %dma_start3A_107] : memref<40x128xi32, #tpu.memory_space<vmem>> -> memref<1x128xi32, #tpu.memory_space<vmem>>
      %dma_start3A_109 = tpu.memref_squeeze %dma_start3A_108 : memref<1x128xi32, #tpu.memory_space<vmem>> -> memref<128xi32, #tpu.memory_space<vmem>>
      %dma_start3A_110 = arith.constant 0 : i32
      %dma_start3A_111 = arith.constant 0 : i32
      %dma_start3A_112 = tpu.memref_slice %arg2[%dma_start3A_110, %dma_start3A_111] : memref<10000x128xf32, #tpu.memory_space<hbm>> -> memref<10000x128xf32, #tpu.memory_space<hbm>>
      tpu.enqueue_indirect_dma source(%dma_start3A_112 : memref<10000x128xf32, #tpu.memory_space<hbm>>) target(%arg8 : memref<128x128xf32, #tpu.memory_space<vmem>>) offsets(%dma_start3A_109 : memref<128xi32, #tpu.memory_space<vmem>>) semaphore(%arg11 : memref<!tpu.dma_semaphore, #tpu.memory_space<semaphore_mem>>)
      %add3A_113 = arith.constant 1 : i32
      %add3A_114 = arith.addi %mul3A_89, %add3A_113 : i32
      %dma_wait3A_115 = arith.constant 0 : i32
      %dma_wait3A_116 = tpu.memref_slice %arg6[%add3A_114, %dma_wait3A_115] : memref<40x128xi32, #tpu.memory_space<vmem>> -> memref<1x128xi32, #tpu.memory_space<vmem>>
      %dma_wait3A_117 = tpu.memref_squeeze %dma_wait3A_116 : memref<1x128xi32, #tpu.memory_space<vmem>> -> memref<128xi32, #tpu.memory_space<vmem>>
      %dma_wait3A_118 = arith.constant 0 : i32
      %dma_wait3A_119 = arith.constant 0 : i32
      %dma_wait3A_120 = tpu.memref_slice %arg2[%dma_wait3A_118, %dma_wait3A_119] : memref<10000x128xf32, #tpu.memory_space<hbm>> -> memref<10000x128xf32, #tpu.memory_space<hbm>>
      tpu.wait_indirect_dma semaphore(%arg12 : memref<!tpu.dma_semaphore, #tpu.memory_space<semaphore_mem>>) src(%dma_wait3A_120 : memref<10000x128xf32, #tpu.memory_space<hbm>>) dst(%arg9 : memref<128x128xf32, #tpu.memory_space<vmem>>)
      %add3A_121 = arith.constant 1 : i32
      %add3A_122 = arith.addi %mul3A_89, %add3A_121 : i32
      "tpu.region"() ({
        %run_scoped3A = tpu.sem_alloc : memref<!tpu.dma_semaphore, #tpu.memory_space<semaphore_mem>>
        %dma_start3A_124 = arith.constant 0 : i32
        %dma_start3A_125 = tpu.memref_slice %arg7[%add3A_122, %dma_start3A_124] : memref<40x128xi32, #tpu.memory_space<vmem>> -> memref<1x128xi32, #tpu.memory_space<vmem>>
        %dma_start3A_126 = tpu.memref_squeeze %dma_start3A_125 : memref<1x128xi32, #tpu.memory_space<vmem>> -> memref<128xi32, #tpu.memory_space<vmem>>
        %dma_start3A_127 = arith.constant 0 : i32
        %dma_start3A_128 = arith.constant 0 : i32
        %dma_start3A_129 = tpu.memref_slice %arg10[%dma_start3A_127, %dma_start3A_128] : memref<10240x128xf32, #tpu.memory_space<vmem_shared>> -> memref<10240x128xf32, #tpu.memory_space<vmem_shared>>
        tpu.enqueue_indirect_dma source(%arg9 : memref<128x128xf32, #tpu.memory_space<vmem>>) target(%dma_start3A_129 : memref<10240x128xf32, #tpu.memory_space<vmem_shared>>) offsets(%dma_start3A_126 : memref<128xi32, #tpu.memory_space<vmem>>) semaphore(%run_scoped3A : memref<!tpu.dma_semaphore, #tpu.memory_space<semaphore_mem>>) {add = true}
        %dma_wait3A_130 = arith.constant 0 : i32
        %dma_wait3A_131 = tpu.memref_slice %arg7[%add3A_122, %dma_wait3A_130] : memref<40x128xi32, #tpu.memory_space<vmem>> -> memref<1x128xi32, #tpu.memory_space<vmem>>
        %dma_wait3A_132 = tpu.memref_squeeze %dma_wait3A_131 : memref<1x128xi32, #tpu.memory_space<vmem>> -> memref<128xi32, #tpu.memory_space<vmem>>
        %dma_wait3A_133 = arith.constant 0 : i32
        %dma_wait3A_134 = arith.constant 0 : i32
        %dma_wait3A_135 = tpu.memref_slice %arg10[%dma_wait3A_133, %dma_wait3A_134] : memref<10240x128xf32, #tpu.memory_space<vmem_shared>> -> memref<10240x128xf32, #tpu.memory_space<vmem_shared>>
        tpu.wait_indirect_dma semaphore(%run_scoped3A : memref<!tpu.dma_semaphore, #tpu.memory_space<semaphore_mem>>) src(%arg9 : memref<128x128xf32, #tpu.memory_space<vmem>>) dst(%dma_wait3A_135 : memref<10240x128xf32, #tpu.memory_space<vmem_shared>>)
        tpu.yield
      }) : () -> ()
      %scan3A_123 = arith.constant 0 : i32
      scf.yield %scan3A_123 : i32
    }
    %scan3A_57 = arith.constant 20 : i32
    %dma_wait3A_58 = arith.constant 39 : i32
    %dma_wait3A_59 = arith.constant 0 : i32
    %dma_wait3A_60 = tpu.memref_slice %arg6[%dma_wait3A_58, %dma_wait3A_59] : memref<40x128xi32, #tpu.memory_space<vmem>> -> memref<1x128xi32, #tpu.memory_space<vmem>>
    %dma_wait3A_61 = tpu.memref_squeeze %dma_wait3A_60 : memref<1x128xi32, #tpu.memory_space<vmem>> -> memref<128xi32, #tpu.memory_space<vmem>>
    %dma_wait3A_62 = arith.constant 0 : i32
    %dma_wait3A_63 = arith.constant 0 : i32
    %dma_wait3A_64 = tpu.memref_slice %arg2[%dma_wait3A_62, %dma_wait3A_63] : memref<10000x128xf32, #tpu.memory_space<hbm>> -> memref<10000x128xf32, #tpu.memory_space<hbm>>
    tpu.wait_indirect_dma semaphore(%arg11 : memref<!tpu.dma_semaphore, #tpu.memory_space<semaphore_mem>>) src(%dma_wait3A_64 : memref<10000x128xf32, #tpu.memory_space<hbm>>) dst(%arg8 : memref<128x128xf32, #tpu.memory_space<vmem>>)
    %barrier3A_65 = arith.constant 0 : index
    tpu.barrier barrier_id(%barrier3A_65)
    %add3A_66 = arith.constant 0 : i32
    %add3A_67 = arith.addi %mul3A_0, %add3A_66 : i32
    "tpu.region"() ({
      %run_scoped3A = tpu.sem_alloc : memref<!tpu.dma_semaphore, #tpu.memory_space<semaphore_mem>>
      %dma_start3A_86 = arith.constant 0 : i32
      %dma_start3A_87 = tpu.memref_slice %arg10[%add3A_67, %dma_start3A_86] : memref<10240x128xf32, #tpu.memory_space<vmem_shared>> -> memref<128x128xf32, #tpu.memory_space<vmem_shared>>
      %dma_start3A_88 = arith.constant 0 : i32
      %dma_start3A_89 = tpu.memref_slice %arg10[%add3A_67, %dma_start3A_88] : memref<10240x128xf32, #tpu.memory_space<vmem_shared>> -> memref<128x128xf32, #tpu.memory_space<vmem_shared>>
      tpu.enqueue_dma source(%dma_start3A_89 : memref<128x128xf32, #tpu.memory_space<vmem_shared>>) target(%arg8 : memref<128x128xf32, #tpu.memory_space<vmem>>) target_semaphore(%run_scoped3A : memref<!tpu.dma_semaphore, #tpu.memory_space<semaphore_mem>>)
      %dma_wait3A_90 = arith.constant 0 : i32
      %dma_wait3A_91 = tpu.memref_slice %arg10[%add3A_67, %dma_wait3A_90] : memref<10240x128xf32, #tpu.memory_space<vmem_shared>> -> memref<128x128xf32, #tpu.memory_space<vmem_shared>>
      %dma_wait3A_92 = arith.constant 0 : i32
      %dma_wait3A_93 = tpu.memref_slice %arg10[%add3A_67, %dma_wait3A_92] : memref<10240x128xf32, #tpu.memory_space<vmem_shared>> -> memref<128x128xf32, #tpu.memory_space<vmem_shared>>
      tpu.wait_dma2 semaphore(%run_scoped3A : memref<!tpu.dma_semaphore, #tpu.memory_space<semaphore_mem>>) src(%dma_wait3A_93 : memref<128x128xf32, #tpu.memory_space<vmem_shared>>) dst(%arg8 : memref<128x128xf32, #tpu.memory_space<vmem>>)
      tpu.yield
    }) : () -> ()
    %add3A_68 = arith.constant 0 : i32
    %add3A_69 = arith.addi %mul3A_0, %add3A_68 : i32
    "tpu.region"() ({
      %run_scoped3A = tpu.sem_alloc : memref<!tpu.dma_semaphore, #tpu.memory_space<semaphore_mem>>
      %dma_start3A_86 = arith.constant 0 : i32
      %dma_start3A_87 = tpu.memref_slice %arg5[%arg0, %add3A_69, %dma_start3A_86] : memref<2x10240x128xf32, #tpu.memory_space<hbm>> -> memref<1x128x128xf32, #tpu.memory_space<hbm>>
      %dma_start3A_88 = tpu.memref_squeeze %dma_start3A_87 : memref<1x128x128xf32, #tpu.memory_space<hbm>> -> memref<128x128xf32, #tpu.memory_space<hbm>>
      %dma_start3A_89 = arith.constant 0 : i32
      %dma_start3A_90 = tpu.memref_slice %arg5[%arg0, %add3A_69, %dma_start3A_89] : memref<2x10240x128xf32, #tpu.memory_space<hbm>> -> memref<1x128x128xf32, #tpu.memory_space<hbm>>
      %dma_start3A_91 = tpu.memref_squeeze %dma_start3A_90 : memref<1x128x128xf32, #tpu.memory_space<hbm>> -> memref<128x128xf32, #tpu.memory_space<hbm>>
      tpu.enqueue_dma source(%arg8 : memref<128x128xf32, #tpu.memory_space<vmem>>) target(%dma_start3A_91 : memref<128x128xf32, #tpu.memory_space<hbm>>) target_semaphore(%run_scoped3A : memref<!tpu.dma_semaphore, #tpu.memory_space<semaphore_mem>>)
      %dma_wait3A_92 = arith.constant 0 : i32
      %dma_wait3A_93 = tpu.memref_slice %arg5[%arg0, %add3A_69, %dma_wait3A_92] : memref<2x10240x128xf32, #tpu.memory_space<hbm>> -> memref<1x128x128xf32, #tpu.memory_space<hbm>>
      %dma_wait3A_94 = tpu.memref_squeeze %dma_wait3A_93 : memref<1x128x128xf32, #tpu.memory_space<hbm>> -> memref<128x128xf32, #tpu.memory_space<hbm>>
      %dma_wait3A_95 = arith.constant 0 : i32
      %dma_wait3A_96 = tpu.memref_slice %arg5[%arg0, %add3A_69, %dma_wait3A_95] : memref<2x10240x128xf32, #tpu.memory_space<hbm>> -> memref<1x128x128xf32, #tpu.memory_space<hbm>>
      %dma_wait3A_97 = tpu.memref_squeeze %dma_wait3A_96 : memref<1x128x128xf32, #tpu.memory_space<hbm>> -> memref<128x128xf32, #tpu.memory_space<hbm>>
      tpu.wait_dma2 semaphore(%run_scoped3A : memref<!tpu.dma_semaphore, #tpu.memory_space<semaphore_mem>>) src(%arg8 : memref<128x128xf32, #tpu.memory_space<vmem>>) dst(%dma_wait3A_97 : memref<128x128xf32, #tpu.memory_space<hbm>>)
      tpu.yield
    }) : () -> ()
    %add3A_70 = arith.constant 128 : i32
    %add3A_71 = arith.addi %mul3A_0, %add3A_70 : i32
    "tpu.region"() ({
      %run_scoped3A = tpu.sem_alloc : memref<!tpu.dma_semaphore, #tpu.memory_space<semaphore_mem>>
      %dma_start3A_86 = arith.constant 0 : i32
      %dma_start3A_87 = tpu.memref_slice %arg10[%add3A_71, %dma_start3A_86] : memref<10240x128xf32, #tpu.memory_space<vmem_shared>> -> memref<128x128xf32, #tpu.memory_space<vmem_shared>>
      %dma_start3A_88 = arith.constant 0 : i32
      %dma_start3A_89 = tpu.memref_slice %arg10[%add3A_71, %dma_start3A_88] : memref<10240x128xf32, #tpu.memory_space<vmem_shared>> -> memref<128x128xf32, #tpu.memory_space<vmem_shared>>
      tpu.enqueue_dma source(%dma_start3A_89 : memref<128x128xf32, #tpu.memory_space<vmem_shared>>) target(%arg8 : memref<128x128xf32, #tpu.memory_space<vmem>>) target_semaphore(%run_scoped3A : memref<!tpu.dma_semaphore, #tpu.memory_space<semaphore_mem>>)
      %dma_wait3A_90 = arith.constant 0 : i32
      %dma_wait3A_91 = tpu.memref_slice %arg10[%add3A_71, %dma_wait3A_90] : memref<10240x128xf32, #tpu.memory_space<vmem_shared>> -> memref<128x128xf32, #tpu.memory_space<vmem_shared>>
      %dma_wait3A_92 = arith.constant 0 : i32
      %dma_wait3A_93 = tpu.memref_slice %arg10[%add3A_71, %dma_wait3A_92] : memref<10240x128xf32, #tpu.memory_space<vmem_shared>> -> memref<128x128xf32, #tpu.memory_space<vmem_shared>>
      tpu.wait_dma2 semaphore(%run_scoped3A : memref<!tpu.dma_semaphore, #tpu.memory_space<semaphore_mem>>) src(%dma_wait3A_93 : memref<128x128xf32, #tpu.memory_space<vmem_shared>>) dst(%arg8 : memref<128x128xf32, #tpu.memory_space<vmem>>)
      tpu.yield
    }) : () -> ()
    %add3A_72 = arith.constant 128 : i32
    %add3A_73 = arith.addi %mul3A_0, %add3A_72 : i32
    "tpu.region"() ({
      %run_scoped3A = tpu.sem_alloc : memref<!tpu.dma_semaphore, #tpu.memory_space<semaphore_mem>>
      %dma_start3A_86 = arith.constant 0 : i32
      %dma_start3A_87 = tpu.memref_slice %arg5[%arg0, %add3A_73, %dma_start3A_86] : memref<2x10240x128xf32, #tpu.memory_space<hbm>> -> memref<1x128x128xf32, #tpu.memory_space<hbm>>
      %dma_start3A_88 = tpu.memref_squeeze %dma_start3A_87 : memref<1x128x128xf32, #tpu.memory_space<hbm>> -> memref<128x128xf32, #tpu.memory_space<hbm>>
      %dma_start3A_89 = arith.constant 0 : i32
      %dma_start3A_90 = tpu.memref_slice %arg5[%arg0, %add3A_73, %dma_start3A_89] : memref<2x10240x128xf32, #tpu.memory_space<hbm>> -> memref<1x128x128xf32, #tpu.memory_space<hbm>>
      %dma_start3A_91 = tpu.memref_squeeze %dma_start3A_90 : memref<1x128x128xf32, #tpu.memory_space<hbm>> -> memref<128x128xf32, #tpu.memory_space<hbm>>
      tpu.enqueue_dma source(%arg8 : memref<128x128xf32, #tpu.memory_space<vmem>>) target(%dma_start3A_91 : memref<128x128xf32, #tpu.memory_space<hbm>>) target_semaphore(%run_scoped3A : memref<!tpu.dma_semaphore, #tpu.memory_space<semaphore_mem>>)
      %dma_wait3A_92 = arith.constant 0 : i32
      %dma_wait3A_93 = tpu.memref_slice %arg5[%arg0, %add3A_73, %dma_wait3A_92] : memref<2x10240x128xf32, #tpu.memory_space<hbm>> -> memref<1x128x128xf32, #tpu.memory_space<hbm>>
      %dma_wait3A_94 = tpu.memref_squeeze %dma_wait3A_93 : memref<1x128x128xf32, #tpu.memory_space<hbm>> -> memref<128x128xf32, #tpu.memory_space<hbm>>
      %dma_wait3A_95 = arith.constant 0 : i32
      %dma_wait3A_96 = tpu.memref_slice %arg5[%arg0, %add3A_73, %dma_wait3A_95] : memref<2x10240x128xf32, #tpu.memory_space<hbm>> -> memref<1x128x128xf32, #tpu.memory_space<hbm>>
      %dma_wait3A_97 = tpu.memref_squeeze %dma_wait3A_96 : memref<1x128x128xf32, #tpu.memory_space<hbm>> -> memref<128x128xf32, #tpu.memory_space<hbm>>
      tpu.wait_dma2 semaphore(%run_scoped3A : memref<!tpu.dma_semaphore, #tpu.memory_space<semaphore_mem>>) src(%arg8 : memref<128x128xf32, #tpu.memory_space<vmem>>) dst(%dma_wait3A_97 : memref<128x128xf32, #tpu.memory_space<hbm>>)
      tpu.yield
    }) : () -> ()
    %add3A_74 = arith.constant 256 : i32
    %add3A_75 = arith.addi %mul3A_0, %add3A_74 : i32
    "tpu.region"() ({
      %run_scoped3A = tpu.sem_alloc : memref<!tpu.dma_semaphore, #tpu.memory_space<semaphore_mem>>
      %dma_start3A_86 = arith.constant 0 : i32
      %dma_start3A_87 = tpu.memref_slice %arg10[%add3A_75, %dma_start3A_86] : memref<10240x128xf32, #tpu.memory_space<vmem_shared>> -> memref<128x128xf32, #tpu.memory_space<vmem_shared>>
      %dma_start3A_88 = arith.constant 0 : i32
      %dma_start3A_89 = tpu.memref_slice %arg10[%add3A_75, %dma_start3A_88] : memref<10240x128xf32, #tpu.memory_space<vmem_shared>> -> memref<128x128xf32, #tpu.memory_space<vmem_shared>>
      tpu.enqueue_dma source(%dma_start3A_89 : memref<128x128xf32, #tpu.memory_space<vmem_shared>>) target(%arg8 : memref<128x128xf32, #tpu.memory_space<vmem>>) target_semaphore(%run_scoped3A : memref<!tpu.dma_semaphore, #tpu.memory_space<semaphore_mem>>)
      %dma_wait3A_90 = arith.constant 0 : i32
      %dma_wait3A_91 = tpu.memref_slice %arg10[%add3A_75, %dma_wait3A_90] : memref<10240x128xf32, #tpu.memory_space<vmem_shared>> -> memref<128x128xf32, #tpu.memory_space<vmem_shared>>
      %dma_wait3A_92 = arith.constant 0 : i32
      %dma_wait3A_93 = tpu.memref_slice %arg10[%add3A_75, %dma_wait3A_92] : memref<10240x128xf32, #tpu.memory_space<vmem_shared>> -> memref<128x128xf32, #tpu.memory_space<vmem_shared>>
      tpu.wait_dma2 semaphore(%run_scoped3A : memref<!tpu.dma_semaphore, #tpu.memory_space<semaphore_mem>>) src(%dma_wait3A_93 : memref<128x128xf32, #tpu.memory_space<vmem_shared>>) dst(%arg8 : memref<128x128xf32, #tpu.memory_space<vmem>>)
      tpu.yield
    }) : () -> ()
    %add3A_76 = arith.constant 256 : i32
    %add3A_77 = arith.addi %mul3A_0, %add3A_76 : i32
    "tpu.region"() ({
      %run_scoped3A = tpu.sem_alloc : memref<!tpu.dma_semaphore, #tpu.memory_space<semaphore_mem>>
      %dma_start3A_86 = arith.constant 0 : i32
      %dma_start3A_87 = tpu.memref_slice %arg5[%arg0, %add3A_77, %dma_start3A_86] : memref<2x10240x128xf32, #tpu.memory_space<hbm>> -> memref<1x128x128xf32, #tpu.memory_space<hbm>>
      %dma_start3A_88 = tpu.memref_squeeze %dma_start3A_87 : memref<1x128x128xf32, #tpu.memory_space<hbm>> -> memref<128x128xf32, #tpu.memory_space<hbm>>
      %dma_start3A_89 = arith.constant 0 : i32
      %dma_start3A_90 = tpu.memref_slice %arg5[%arg0, %add3A_77, %dma_start3A_89] : memref<2x10240x128xf32, #tpu.memory_space<hbm>> -> memref<1x128x128xf32, #tpu.memory_space<hbm>>
      %dma_start3A_91 = tpu.memref_squeeze %dma_start3A_90 : memref<1x128x128xf32, #tpu.memory_space<hbm>> -> memref<128x128xf32, #tpu.memory_space<hbm>>
      tpu.enqueue_dma source(%arg8 : memref<128x128xf32, #tpu.memory_space<vmem>>) target(%dma_start3A_91 : memref<128x128xf32, #tpu.memory_space<hbm>>) target_semaphore(%run_scoped3A : memref<!tpu.dma_semaphore, #tpu.memory_space<semaphore_mem>>)
      %dma_wait3A_92 = arith.constant 0 : i32
      %dma_wait3A_93 = tpu.memref_slice %arg5[%arg0, %add3A_77, %dma_wait3A_92] : memref<2x10240x128xf32, #tpu.memory_space<hbm>> -> memref<1x128x128xf32, #tpu.memory_space<hbm>>
      %dma_wait3A_94 = tpu.memref_squeeze %dma_wait3A_93 : memref<1x128x128xf32, #tpu.memory_space<hbm>> -> memref<128x128xf32, #tpu.memory_space<hbm>>
      %dma_wait3A_95 = arith.constant 0 : i32
      %dma_wait3A_96 = tpu.memref_slice %arg5[%arg0, %add3A_77, %dma_wait3A_95] : memref<2x10240x128xf32, #tpu.memory_space<hbm>> -> memref<1x128x128xf32, #tpu.memory_space<hbm>>
      %dma_wait3A_97 = tpu.memref_squeeze %dma_wait3A_96 : memref<1x128x128xf32, #tpu.memory_space<hbm>> -> memref<128x128xf32, #tpu.memory_space<hbm>>
      tpu.wait_dma2 semaphore(%run_scoped3A : memref<!tpu.dma_semaphore, #tpu.memory_space<semaphore_mem>>) src(%arg8 : memref<128x128xf32, #tpu.memory_space<vmem>>) dst(%dma_wait3A_97 : memref<128x128xf32, #tpu.memory_space<hbm>>)
      tpu.yield
    }) : () -> ()
    %add3A_78 = arith.constant 384 : i32
    %add3A_79 = arith.addi %mul3A_0, %add3A_78 : i32
    "tpu.region"() ({
      %run_scoped3A = tpu.sem_alloc : memref<!tpu.dma_semaphore, #tpu.memory_space<semaphore_mem>>
      %dma_start3A_86 = arith.constant 0 : i32
      %dma_start3A_87 = tpu.memref_slice %arg10[%add3A_79, %dma_start3A_86] : memref<10240x128xf32, #tpu.memory_space<vmem_shared>> -> memref<128x128xf32, #tpu.memory_space<vmem_shared>>
      %dma_start3A_88 = arith.constant 0 : i32
      %dma_start3A_89 = tpu.memref_slice %arg10[%add3A_79, %dma_start3A_88] : memref<10240x128xf32, #tpu.memory_space<vmem_shared>> -> memref<128x128xf32, #tpu.memory_space<vmem_shared>>
      tpu.enqueue_dma source(%dma_start3A_89 : memref<128x128xf32, #tpu.memory_space<vmem_shared>>) target(%arg8 : memref<128x128xf32, #tpu.memory_space<vmem>>) target_semaphore(%run_scoped3A : memref<!tpu.dma_semaphore, #tpu.memory_space<semaphore_mem>>)
      %dma_wait3A_90 = arith.constant 0 : i32
      %dma_wait3A_91 = tpu.memref_slice %arg10[%add3A_79, %dma_wait3A_90] : memref<10240x128xf32, #tpu.memory_space<vmem_shared>> -> memref<128x128xf32, #tpu.memory_space<vmem_shared>>
      %dma_wait3A_92 = arith.constant 0 : i32
      %dma_wait3A_93 = tpu.memref_slice %arg10[%add3A_79, %dma_wait3A_92] : memref<10240x128xf32, #tpu.memory_space<vmem_shared>> -> memref<128x128xf32, #tpu.memory_space<vmem_shared>>
      tpu.wait_dma2 semaphore(%run_scoped3A : memref<!tpu.dma_semaphore, #tpu.memory_space<semaphore_mem>>) src(%dma_wait3A_93 : memref<128x128xf32, #tpu.memory_space<vmem_shared>>) dst(%arg8 : memref<128x128xf32, #tpu.memory_space<vmem>>)
      tpu.yield
    }) : () -> ()
    %add3A_80 = arith.constant 384 : i32
    %add3A_81 = arith.addi %mul3A_0, %add3A_80 : i32
    "tpu.region"() ({
      %run_scoped3A = tpu.sem_alloc : memref<!tpu.dma_semaphore, #tpu.memory_space<semaphore_mem>>
      %dma_start3A_86 = arith.constant 0 : i32
      %dma_start3A_87 = tpu.memref_slice %arg5[%arg0, %add3A_81, %dma_start3A_86] : memref<2x10240x128xf32, #tpu.memory_space<hbm>> -> memref<1x128x128xf32, #tpu.memory_space<hbm>>
      %dma_start3A_88 = tpu.memref_squeeze %dma_start3A_87 : memref<1x128x128xf32, #tpu.memory_space<hbm>> -> memref<128x128xf32, #tpu.memory_space<hbm>>
      %dma_start3A_89 = arith.constant 0 : i32
      %dma_start3A_90 = tpu.memref_slice %arg5[%arg0, %add3A_81, %dma_start3A_89] : memref<2x10240x128xf32, #tpu.memory_space<hbm>> -> memref<1x128x128xf32, #tpu.memory_space<hbm>>
      %dma_start3A_91 = tpu.memref_squeeze %dma_start3A_90 : memref<1x128x128xf32, #tpu.memory_space<hbm>> -> memref<128x128xf32, #tpu.memory_space<hbm>>
      tpu.enqueue_dma source(%arg8 : memref<128x128xf32, #tpu.memory_space<vmem>>) target(%dma_start3A_91 : memref<128x128xf32, #tpu.memory_space<hbm>>) target_semaphore(%run_scoped3A : memref<!tpu.dma_semaphore, #tpu.memory_space<semaphore_mem>>)
      %dma_wait3A_92 = arith.constant 0 : i32
      %dma_wait3A_93 = tpu.memref_slice %arg5[%arg0, %add3A_81, %dma_wait3A_92] : memref<2x10240x128xf32, #tpu.memory_space<hbm>> -> memref<1x128x128xf32, #tpu.memory_space<hbm>>
      %dma_wait3A_94 = tpu.memref_squeeze %dma_wait3A_93 : memref<1x128x128xf32, #tpu.memory_space<hbm>> -> memref<128x128xf32, #tpu.memory_space<hbm>>
      %dma_wait3A_95 = arith.constant 0 : i32
      %dma_wait3A_96 = tpu.memref_slice %arg5[%arg0, %add3A_81, %dma_wait3A_95] : memref<2x10240x128xf32, #tpu.memory_space<hbm>> -> memref<1x128x128xf32, #tpu.memory_space<hbm>>
      %dma_wait3A_97 = tpu.memref_squeeze %dma_wait3A_96 : memref<1x128x128xf32, #tpu.memory_space<hbm>> -> memref<128x128xf32, #tpu.memory_space<hbm>>
      tpu.wait_dma2 semaphore(%run_scoped3A : memref<!tpu.dma_semaphore, #tpu.memory_space<semaphore_mem>>) src(%arg8 : memref<128x128xf32, #tpu.memory_space<vmem>>) dst(%dma_wait3A_97 : memref<128x128xf32, #tpu.memory_space<hbm>>)
      tpu.yield
    }) : () -> ()
    %add3A_82 = arith.constant 512 : i32
    %add3A_83 = arith.addi %mul3A_0, %add3A_82 : i32
    "tpu.region"() ({
      %run_scoped3A = tpu.sem_alloc : memref<!tpu.dma_semaphore, #tpu.memory_space<semaphore_mem>>
      %dma_start3A_86 = arith.constant 0 : i32
      %dma_start3A_87 = tpu.memref_slice %arg10[%add3A_83, %dma_start3A_86] : memref<10240x128xf32, #tpu.memory_space<vmem_shared>> -> memref<128x128xf32, #tpu.memory_space<vmem_shared>>
      %dma_start3A_88 = arith.constant 0 : i32
      %dma_start3A_89 = tpu.memref_slice %arg10[%add3A_83, %dma_start3A_88] : memref<10240x128xf32, #tpu.memory_space<vmem_shared>> -> memref<128x128xf32, #tpu.memory_space<vmem_shared>>
      tpu.enqueue_dma source(%dma_start3A_89 : memref<128x128xf32, #tpu.memory_space<vmem_shared>>) target(%arg8 : memref<128x128xf32, #tpu.memory_space<vmem>>) target_semaphore(%run_scoped3A : memref<!tpu.dma_semaphore, #tpu.memory_space<semaphore_mem>>)
      %dma_wait3A_90 = arith.constant 0 : i32
      %dma_wait3A_91 = tpu.memref_slice %arg10[%add3A_83, %dma_wait3A_90] : memref<10240x128xf32, #tpu.memory_space<vmem_shared>> -> memref<128x128xf32, #tpu.memory_space<vmem_shared>>
      %dma_wait3A_92 = arith.constant 0 : i32
      %dma_wait3A_93 = tpu.memref_slice %arg10[%add3A_83, %dma_wait3A_92] : memref<10240x128xf32, #tpu.memory_space<vmem_shared>> -> memref<128x128xf32, #tpu.memory_space<vmem_shared>>
      tpu.wait_dma2 semaphore(%run_scoped3A : memref<!tpu.dma_semaphore, #tpu.memory_space<semaphore_mem>>) src(%dma_wait3A_93 : memref<128x128xf32, #tpu.memory_space<vmem_shared>>) dst(%arg8 : memref<128x128xf32, #tpu.memory_space<vmem>>)
      tpu.yield
    }) : () -> ()
    %add3A_84 = arith.constant 512 : i32
    %add3A_85 = arith.addi %mul3A_0, %add3A_84 : i32
    "tpu.region"() ({
      %run_scoped3A = tpu.sem_alloc : memref<!tpu.dma_semaphore, #tpu.memory_space<semaphore_mem>>
      %dma_start3A_86 = arith.constant 0 : i32
      %dma_start3A_87 = tpu.memref_slice %arg5[%arg0, %add3A_85, %dma_start3A_86] : memref<2x10240x128xf32, #tpu.memory_space<hbm>> -> memref<1x128x128xf32, #tpu.memory_space<hbm>>
      %dma_start3A_88 = tpu.memref_squeeze %dma_start3A_87 : memref<1x128x128xf32, #tpu.memory_space<hbm>> -> memref<128x128xf32, #tpu.memory_space<hbm>>
      %dma_start3A_89 = arith.constant 0 : i32
      %dma_start3A_90 = tpu.memref_slice %arg5[%arg0, %add3A_85, %dma_start3A_89] : memref<2x10240x128xf32, #tpu.memory_space<hbm>> -> memref<1x128x128xf32, #tpu.memory_space<hbm>>
      %dma_start3A_91 = tpu.memref_squeeze %dma_start3A_90 : memref<1x128x128xf32, #tpu.memory_space<hbm>> -> memref<128x128xf32, #tpu.memory_space<hbm>>
      tpu.enqueue_dma source(%arg8 : memref<128x128xf32, #tpu.memory_space<vmem>>) target(%dma_start3A_91 : memref<128x128xf32, #tpu.memory_space<hbm>>) target_semaphore(%run_scoped3A : memref<!tpu.dma_semaphore, #tpu.memory_space<semaphore_mem>>)
      %dma_wait3A_92 = arith.constant 0 : i32
      %dma_wait3A_93 = tpu.memref_slice %arg5[%arg0, %add3A_85, %dma_wait3A_92] : memref<2x10240x128xf32, #tpu.memory_space<hbm>> -> memref<1x128x128xf32, #tpu.memory_space<hbm>>
      %dma_wait3A_94 = tpu.memref_squeeze %dma_wait3A_93 : memref<1x128x128xf32, #tpu.memory_space<hbm>> -> memref<128x128xf32, #tpu.memory_space<hbm>>
      %dma_wait3A_95 = arith.constant 0 : i32
      %dma_wait3A_96 = tpu.memref_slice %arg5[%arg0, %add3A_85, %dma_wait3A_95] : memref<2x10240x128xf32, #tpu.memory_space<hbm>> -> memref<1x128x128xf32, #tpu.memory_space<hbm>>
      %dma_wait3A_97 = tpu.memref_squeeze %dma_wait3A_96 : memref<1x128x128xf32, #tpu.memory_space<hbm>> -> memref<128x128xf32, #tpu.memory_space<hbm>>
      tpu.wait_dma2 semaphore(%run_scoped3A : memref<!tpu.dma_semaphore, #tpu.memory_space<semaphore_mem>>) src(%arg8 : memref<128x128xf32, #tpu.memory_space<vmem>>) dst(%dma_wait3A_97 : memref<128x128xf32, #tpu.memory_space<hbm>>)
      tpu.yield
    }) : () -> ()
    return
  }
}

#map = affine_map<(d0, d1) -> (0, 0)>
#map1 = affine_map<(d0, d1) -> (0, 0, 0)>
module attributes {stable_mosaic.version = 14 : i64} {
  func.func @_sc_scatter(%arg0: i32, %arg1: i32, %arg2: memref<10000x128xf32, #tpu.memory_space<hbm>>, %arg3: memref<2560x128xi32, #tpu.memory_space<hbm>>, %arg4: memref<2560x128xi32, #tpu.memory_space<hbm>>, %arg5: memref<2x10240x128xf32, #tpu.memory_space<hbm>>, %arg6: memref<40x128xi32, #tpu.memory_space<vmem>>, %arg7: memref<40x128xi32, #tpu.memory_space<vmem>>, %arg8: memref<128x128xf32, #tpu.memory_space<vmem>>, %arg9: memref<128x128xf32, #tpu.memory_space<vmem>>, %arg10: memref<10240x128xf32, #tpu.memory_space<vmem_shared>>, %arg11: memref<!tpu.dma_semaphore, #tpu.memory_space<semaphore_mem>>, %arg12: memref<!tpu.dma_semaphore, #tpu.memory_space<semaphore_mem>>) attributes {dimension_semantics = [#tpu.dimension_semantics<core_parallel>, #tpu.dimension_semantics<subcore_parallel>], iteration_bounds = array<i64: 2, 16>, scalar_prefetch = 0 : i64, scratch_operands = 7 : i64, tpu.core_type = #tpu.core_type<sc_vector_subcore>, window_params = [{transform_indices = #map}, {transform_indices = #map}, {transform_indices = #map}, {transform_indices = #map1}]} {
    %mul3A = arith.constant 640 : i32
    %mul3A_0 = arith.muli %arg1, %mul3A : i32
    %scan3A = arith.constant 0 : i32
    %scan3A_1 = arith.constant 0 : i32
    %scan3A_2 = arith.constant 128 : i32
    %scan3A_3 = arith.addi %scan3A_1, %scan3A_2 : i32
    %scan3A_4 = arith.constant 1 : i32
    %scan3A_5 = scf.for %scan3A_86 = %scan3A_1 to %scan3A_3 step %scan3A_4 iter_args(%scan3A_87 = %scan3A) -> (i32)  : i32 {
      %broadcast_in_dim3A = arith.constant 0.000000e+00 : f32
      %broadcast_in_dim3A_88 = vector.broadcast %broadcast_in_dim3A : f32 to vector<16xf32>
      %swap3A = arith.index_cast %scan3A_86 : i32 to index
      %swap3A_89 = arith.constant 0 : index
      %swap3A_90 = tpu.vector_load %arg8[%swap3A, %swap3A_89] {strides = array<i32>} : memref<128x128xf32, #tpu.memory_space<vmem>>, vector<1x16xf32>,
      %swap3A_91 = vector.shape_cast %swap3A_90 : vector<1x16xf32> to vector<16xf32>
      %swap3A_92 = vector.shape_cast %broadcast_in_dim3A_88 : vector<16xf32> to vector<1x16xf32>
      tpu.vector_store %arg8[%swap3A, %swap3A_89], %swap3A_92 {strides = array<i32>} : memref<128x128xf32, #tpu.memory_space<vmem>>, vector<1x16xf32>,
      %broadcast_in_dim3A_93 = arith.constant 0.000000e+00 : f32
      %broadcast_in_dim3A_94 = vector.broadcast %broadcast_in_dim3A_93 : f32 to vector<16xf32>
      %swap3A_95 = arith.index_cast %scan3A_86 : i32 to index
      %swap3A_96 = arith.constant 16 : index
      %swap3A_97 = tpu.vector_load %arg8[%swap3A_95, %swap3A_96] {strides = array<i32>} : memref<128x128xf32, #tpu.memory_space<vmem>>, vector<1x16xf32>,
      %swap3A_98 = vector.shape_cast %swap3A_97 : vector<1x16xf32> to vector<16xf32>
      %swap3A_99 = vector.shape_cast %broadcast_in_dim3A_94 : vector<16xf32> to vector<1x16xf32>
      tpu.vector_store %arg8[%swap3A_95, %swap3A_96], %swap3A_99 {strides = array<i32>} : memref<128x128xf32, #tpu.memory_space<vmem>>, vector<1x16xf32>,
      %broadcast_in_dim3A_100 = arith.constant 0.000000e+00 : f32
      %broadcast_in_dim3A_101 = vector.broadcast %broadcast_in_dim3A_100 : f32 to vector<16xf32>
      %swap3A_102 = arith.index_cast %scan3A_86 : i32 to index
      %swap3A_103 = arith.constant 32 : index
      %swap3A_104 = tpu.vector_load %arg8[%swap3A_102, %swap3A_103] {strides = array<i32>} : memref<128x128xf32, #tpu.memory_space<vmem>>, vector<1x16xf32>,
      %swap3A_105 = vector.shape_cast %swap3A_104 : vector<1x16xf32> to vector<16xf32>
      %swap3A_106 = vector.shape_cast %broadcast_in_dim3A_101 : vector<16xf32> to vector<1x16xf32>
      tpu.vector_store %arg8[%swap3A_102, %swap3A_103], %swap3A_106 {strides = array<i32>} : memref<128x128xf32, #tpu.memory_space<vmem>>, vector<1x16xf32>,
      %broadcast_in_dim3A_107 = arith.constant 0.000000e+00 : f32
      %broadcast_in_dim3A_108 = vector.broadcast %broadcast_in_dim3A_107 : f32 to vector<16xf32>
      %swap3A_109 = arith.index_cast %scan3A_86 : i32 to index
      %swap3A_110 = arith.constant 48 : index
      %swap3A_111 = tpu.vector_load %arg8[%swap3A_109, %swap3A_110] {strides = array<i32>} : memref<128x128xf32, #tpu.memory_space<vmem>>, vector<1x16xf32>,
      %swap3A_112 = vector.shape_cast %swap3A_111 : vector<1x16xf32> to vector<16xf32>
      %swap3A_113 = vector.shape_cast %broadcast_in_dim3A_108 : vector<16xf32> to vector<1x16xf32>
      tpu.vector_store %arg8[%swap3A_109, %swap3A_110], %swap3A_113 {strides = array<i32>} : memref<128x128xf32, #tpu.memory_space<vmem>>, vector<1x16xf32>,
      %broadcast_in_dim3A_114 = arith.constant 0.000000e+00 : f32
      %broadcast_in_dim3A_115 = vector.broadcast %broadcast_in_dim3A_114 : f32 to vector<16xf32>
      %swap3A_116 = arith.index_cast %scan3A_86 : i32 to index
      %swap3A_117 = arith.constant 64 : index
      %swap3A_118 = tpu.vector_load %arg8[%swap3A_116, %swap3A_117] {strides = array<i32>} : memref<128x128xf32, #tpu.memory_space<vmem>>, vector<1x16xf32>,
      %swap3A_119 = vector.shape_cast %swap3A_118 : vector<1x16xf32> to vector<16xf32>
      %swap3A_120 = vector.shape_cast %broadcast_in_dim3A_115 : vector<16xf32> to vector<1x16xf32>
      tpu.vector_store %arg8[%swap3A_116, %swap3A_117], %swap3A_120 {strides = array<i32>} : memref<128x128xf32, #tpu.memory_space<vmem>>, vector<1x16xf32>,
      %broadcast_in_dim3A_121 = arith.constant 0.000000e+00 : f32
      %broadcast_in_dim3A_122 = vector.broadcast %broadcast_in_dim3A_121 : f32 to vector<16xf32>
      %swap3A_123 = arith.index_cast %scan3A_86 : i32 to index
      %swap3A_124 = arith.constant 80 : index
      %swap3A_125 = tpu.vector_load %arg8[%swap3A_123, %swap3A_124] {strides = array<i32>} : memref<128x128xf32, #tpu.memory_space<vmem>>, vector<1x16xf32>,
      %swap3A_126 = vector.shape_cast %swap3A_125 : vector<1x16xf32> to vector<16xf32>
      %swap3A_127 = vector.shape_cast %broadcast_in_dim3A_122 : vector<16xf32> to vector<1x16xf32>
      tpu.vector_store %arg8[%swap3A_123, %swap3A_124], %swap3A_127 {strides = array<i32>} : memref<128x128xf32, #tpu.memory_space<vmem>>, vector<1x16xf32>,
      %broadcast_in_dim3A_128 = arith.constant 0.000000e+00 : f32
      %broadcast_in_dim3A_129 = vector.broadcast %broadcast_in_dim3A_128 : f32 to vector<16xf32>
      %swap3A_130 = arith.index_cast %scan3A_86 : i32 to index
      %swap3A_131 = arith.constant 96 : index
      %swap3A_132 = tpu.vector_load %arg8[%swap3A_130, %swap3A_131] {strides = array<i32>} : memref<128x128xf32, #tpu.memory_space<vmem>>, vector<1x16xf32>,
      %swap3A_133 = vector.shape_cast %swap3A_132 : vector<1x16xf32> to vector<16xf32>
      %swap3A_134 = vector.shape_cast %broadcast_in_dim3A_129 : vector<16xf32> to vector<1x16xf32>
      tpu.vector_store %arg8[%swap3A_130, %swap3A_131], %swap3A_134 {strides = array<i32>} : memref<128x128xf32, #tpu.memory_space<vmem>>, vector<1x16xf32>,
      %broadcast_in_dim3A_135 = arith.constant 0.000000e+00 : f32
      %broadcast_in_dim3A_136 = vector.broadcast %broadcast_in_dim3A_135 : f32 to vector<16xf32>
      %swap3A_137 = arith.index_cast %scan3A_86 : i32 to index
      %swap3A_138 = arith.constant 112 : index
      %swap3A_139 = tpu.vector_load %arg8[%swap3A_137, %swap3A_138] {strides = array<i32>} : memref<128x128xf32, #tpu.memory_space<vmem>>, vector<1x16xf32>,
      %swap3A_140 = vector.shape_cast %swap3A_139 : vector<1x16xf32> to vector<16xf32>
      %swap3A_141 = vector.shape_cast %broadcast_in_dim3A_136 : vector<16xf32> to vector<1x16xf32>
      tpu.vector_store %arg8[%swap3A_137, %swap3A_138], %swap3A_141 {strides = array<i32>} : memref<128x128xf32, #tpu.memory_space<vmem>>, vector<1x16xf32>,
      %scan3A_142 = arith.constant 0 : i32
      scf.yield %scan3A_142 : i32
    }
    %scan3A_6 = arith.constant 128 : i32
    %add3A = arith.constant 0 : i32
    %add3A_7 = arith.addi %mul3A_0, %add3A : i32
    "tpu.region"() ({
      %run_scoped3A = tpu.sem_alloc : memref<!tpu.dma_semaphore, #tpu.memory_space<semaphore_mem>>
      %dma_start3A_86 = arith.constant 0 : i32
      %dma_start3A_87 = tpu.memref_slice %arg10[%add3A_7, %dma_start3A_86] : memref<10240x128xf32, #tpu.memory_space<vmem_shared>> -> memref<128x128xf32, #tpu.memory_space<vmem_shared>>
      %dma_start3A_88 = arith.constant 0 : i32
      %dma_start3A_89 = tpu.memref_slice %arg10[%add3A_7, %dma_start3A_88] : memref<10240x128xf32, #tpu.memory_space<vmem_shared>> -> memref<128x128xf32, #tpu.memory_space<vmem_shared>>
      tpu.enqueue_dma source(%arg8 : memref<128x128xf32, #tpu.memory_space<vmem>>) target(%dma_start3A_89 : memref<128x128xf32, #tpu.memory_space<vmem_shared>>) target_semaphore(%run_scoped3A : memref<!tpu.dma_semaphore, #tpu.memory_space<semaphore_mem>>)
      %dma_wait3A_90 = arith.constant 0 : i32
      %dma_wait3A_91 = tpu.memref_slice %arg10[%add3A_7, %dma_wait3A_90] : memref<10240x128xf32, #tpu.memory_space<vmem_shared>> -> memref<128x128xf32, #tpu.memory_space<vmem_shared>>
      %dma_wait3A_92 = arith.constant 0 : i32
      %dma_wait3A_93 = tpu.memref_slice %arg10[%add3A_7, %dma_wait3A_92] : memref<10240x128xf32, #tpu.memory_space<vmem_shared>> -> memref<128x128xf32, #tpu.memory_space<vmem_shared>>
      tpu.wait_dma2 semaphore(%run_scoped3A : memref<!tpu.dma_semaphore, #tpu.memory_space<semaphore_mem>>) src(%arg8 : memref<128x128xf32, #tpu.memory_space<vmem>>) dst(%dma_wait3A_93 : memref<128x128xf32, #tpu.memory_space<vmem_shared>>)
      tpu.yield
    }) : () -> ()
    %add3A_8 = arith.constant 128 : i32
    %add3A_9 = arith.addi %mul3A_0, %add3A_8 : i32
    "tpu.region"() ({
      %run_scoped3A = tpu.sem_alloc : memref<!tpu.dma_semaphore, #tpu.memory_space<semaphore_mem>>
      %dma_start3A_86 = arith.constant 0 : i32
      %dma_start3A_87 = tpu.memref_slice %arg10[%add3A_9, %dma_start3A_86] : memref<10240x128xf32, #tpu.memory_space<vmem_shared>> -> memref<128x128xf32, #tpu.memory_space<vmem_shared>>
      %dma_start3A_88 = arith.constant 0 : i32
      %dma_start3A_89 = tpu.memref_slice %arg10[%add3A_9, %dma_start3A_88] : memref<10240x128xf32, #tpu.memory_space<vmem_shared>> -> memref<128x128xf32, #tpu.memory_space<vmem_shared>>
      tpu.enqueue_dma source(%arg8 : memref<128x128xf32, #tpu.memory_space<vmem>>) target(%dma_start3A_89 : memref<128x128xf32, #tpu.memory_space<vmem_shared>>) target_semaphore(%run_scoped3A : memref<!tpu.dma_semaphore, #tpu.memory_space<semaphore_mem>>)
      %dma_wait3A_90 = arith.constant 0 : i32
      %dma_wait3A_91 = tpu.memref_slice %arg10[%add3A_9, %dma_wait3A_90] : memref<10240x128xf32, #tpu.memory_space<vmem_shared>> -> memref<128x128xf32, #tpu.memory_space<vmem_shared>>
      %dma_wait3A_92 = arith.constant 0 : i32
      %dma_wait3A_93 = tpu.memref_slice %arg10[%add3A_9, %dma_wait3A_92] : memref<10240x128xf32, #tpu.memory_space<vmem_shared>> -> memref<128x128xf32, #tpu.memory_space<vmem_shared>>
      tpu.wait_dma2 semaphore(%run_scoped3A : memref<!tpu.dma_semaphore, #tpu.memory_space<semaphore_mem>>) src(%arg8 : memref<128x128xf32, #tpu.memory_space<vmem>>) dst(%dma_wait3A_93 : memref<128x128xf32, #tpu.memory_space<vmem_shared>>)
      tpu.yield
    }) : () -> ()
    %add3A_10 = arith.constant 256 : i32
    %add3A_11 = arith.addi %mul3A_0, %add3A_10 : i32
    "tpu.region"() ({
      %run_scoped3A = tpu.sem_alloc : memref<!tpu.dma_semaphore, #tpu.memory_space<semaphore_mem>>
      %dma_start3A_86 = arith.constant 0 : i32
      %dma_start3A_87 = tpu.memref_slice %arg10[%add3A_11, %dma_start3A_86] : memref<10240x128xf32, #tpu.memory_space<vmem_shared>> -> memref<128x128xf32, #tpu.memory_space<vmem_shared>>
      %dma_start3A_88 = arith.constant 0 : i32
      %dma_start3A_89 = tpu.memref_slice %arg10[%add3A_11, %dma_start3A_88] : memref<10240x128xf32, #tpu.memory_space<vmem_shared>> -> memref<128x128xf32, #tpu.memory_space<vmem_shared>>
      tpu.enqueue_dma source(%arg8 : memref<128x128xf32, #tpu.memory_space<vmem>>) target(%dma_start3A_89 : memref<128x128xf32, #tpu.memory_space<vmem_shared>>) target_semaphore(%run_scoped3A : memref<!tpu.dma_semaphore, #tpu.memory_space<semaphore_mem>>)
      %dma_wait3A_90 = arith.constant 0 : i32
      %dma_wait3A_91 = tpu.memref_slice %arg10[%add3A_11, %dma_wait3A_90] : memref<10240x128xf32, #tpu.memory_space<vmem_shared>> -> memref<128x128xf32, #tpu.memory_space<vmem_shared>>
      %dma_wait3A_92 = arith.constant 0 : i32
      %dma_wait3A_93 = tpu.memref_slice %arg10[%add3A_11, %dma_wait3A_92] : memref<10240x128xf32, #tpu.memory_space<vmem_shared>> -> memref<128x128xf32, #tpu.memory_space<vmem_shared>>
      tpu.wait_dma2 semaphore(%run_scoped3A : memref<!tpu.dma_semaphore, #tpu.memory_space<semaphore_mem>>) src(%arg8 : memref<128x128xf32, #tpu.memory_space<vmem>>) dst(%dma_wait3A_93 : memref<128x128xf32, #tpu.memory_space<vmem_shared>>)
      tpu.yield
    }) : () -> ()
    %add3A_12 = arith.constant 384 : i32
    %add3A_13 = arith.addi %mul3A_0, %add3A_12 : i32
    "tpu.region"() ({
      %run_scoped3A = tpu.sem_alloc : memref<!tpu.dma_semaphore, #tpu.memory_space<semaphore_mem>>
      %dma_start3A_86 = arith.constant 0 : i32
      %dma_start3A_87 = tpu.memref_slice %arg10[%add3A_13, %dma_start3A_86] : memref<10240x128xf32, #tpu.memory_space<vmem_shared>> -> memref<128x128xf32, #tpu.memory_space<vmem_shared>>
      %dma_start3A_88 = arith.constant 0 : i32
      %dma_start3A_89 = tpu.memref_slice %arg10[%add3A_13, %dma_start3A_88] : memref<10240x128xf32, #tpu.memory_space<vmem_shared>> -> memref<128x128xf32, #tpu.memory_space<vmem_shared>>
      tpu.enqueue_dma source(%arg8 : memref<128x128xf32, #tpu.memory_space<vmem>>) target(%dma_start3A_89 : memref<128x128xf32, #tpu.memory_space<vmem_shared>>) target_semaphore(%run_scoped3A : memref<!tpu.dma_semaphore, #tpu.memory_space<semaphore_mem>>)
      %dma_wait3A_90 = arith.constant 0 : i32
      %dma_wait3A_91 = tpu.memref_slice %arg10[%add3A_13, %dma_wait3A_90] : memref<10240x128xf32, #tpu.memory_space<vmem_shared>> -> memref<128x128xf32, #tpu.memory_space<vmem_shared>>
      %dma_wait3A_92 = arith.constant 0 : i32
      %dma_wait3A_93 = tpu.memref_slice %arg10[%add3A_13, %dma_wait3A_92] : memref<10240x128xf32, #tpu.memory_space<vmem_shared>> -> memref<128x128xf32, #tpu.memory_space<vmem_shared>>
      tpu.wait_dma2 semaphore(%run_scoped3A : memref<!tpu.dma_semaphore, #tpu.memory_space<semaphore_mem>>) src(%arg8 : memref<128x128xf32, #tpu.memory_space<vmem>>) dst(%dma_wait3A_93 : memref<128x128xf32, #tpu.memory_space<vmem_shared>>)
      tpu.yield
    }) : () -> ()
    %add3A_14 = arith.constant 512 : i32
    %add3A_15 = arith.addi %mul3A_0, %add3A_14 : i32
    "tpu.region"() ({
      %run_scoped3A = tpu.sem_alloc : memref<!tpu.dma_semaphore, #tpu.memory_space<semaphore_mem>>
      %dma_start3A_86 = arith.constant 0 : i32
      %dma_start3A_87 = tpu.memref_slice %arg10[%add3A_15, %dma_start3A_86] : memref<10240x128xf32, #tpu.memory_space<vmem_shared>> -> memref<128x128xf32, #tpu.memory_space<vmem_shared>>
      %dma_start3A_88 = arith.constant 0 : i32
      %dma_start3A_89 = tpu.memref_slice %arg10[%add3A_15, %dma_start3A_88] : memref<10240x128xf32, #tpu.memory_space<vmem_shared>> -> memref<128x128xf32, #tpu.memory_space<vmem_shared>>
      tpu.enqueue_dma source(%arg8 : memref<128x128xf32, #tpu.memory_space<vmem>>) target(%dma_start3A_89 : memref<128x128xf32, #tpu.memory_space<vmem_shared>>) target_semaphore(%run_scoped3A : memref<!tpu.dma_semaphore, #tpu.memory_space<semaphore_mem>>)
      %dma_wait3A_90 = arith.constant 0 : i32
      %dma_wait3A_91 = tpu.memref_slice %arg10[%add3A_15, %dma_wait3A_90] : memref<10240x128xf32, #tpu.memory_space<vmem_shared>> -> memref<128x128xf32, #tpu.memory_space<vmem_shared>>
      %dma_wait3A_92 = arith.constant 0 : i32
      %dma_wait3A_93 = tpu.memref_slice %arg10[%add3A_15, %dma_wait3A_92] : memref<10240x128xf32, #tpu.memory_space<vmem_shared>> -> memref<128x128xf32, #tpu.memory_space<vmem_shared>>
      tpu.wait_dma2 semaphore(%run_scoped3A : memref<!tpu.dma_semaphore, #tpu.memory_space<semaphore_mem>>) src(%arg8 : memref<128x128xf32, #tpu.memory_space<vmem>>) dst(%dma_wait3A_93 : memref<128x128xf32, #tpu.memory_space<vmem_shared>>)
      tpu.yield
    }) : () -> ()
    %barrier3A = arith.constant 0 : index
    tpu.barrier barrier_id(%barrier3A)
    %mul3A_16 = arith.constant 16 : i32
    %mul3A_17 = arith.muli %arg0, %mul3A_16 : i32
    %add3A_18 = arith.addi %mul3A_17, %arg1 : i32
    %mul3A_19 = arith.constant 80 : i32
    %mul3A_20 = arith.muli %add3A_18, %mul3A_19 : i32
    %add3A_21 = arith.constant 0 : i32
    %add3A_22 = arith.addi %mul3A_20, %add3A_21 : i32
    "tpu.region"() ({
      %run_scoped3A = tpu.sem_alloc : memref<!tpu.dma_semaphore, #tpu.memory_space<semaphore_mem>>
      %dma_start3A_86 = arith.constant 0 : i32
      %dma_start3A_87 = tpu.memref_slice %arg3[%add3A_22, %dma_start3A_86] : memref<2560x128xi32, #tpu.memory_space<hbm>> -> memref<40x128xi32, #tpu.memory_space<hbm>>
      %dma_start3A_88 = arith.constant 0 : i32
      %dma_start3A_89 = tpu.memref_slice %arg3[%add3A_22, %dma_start3A_88] : memref<2560x128xi32, #tpu.memory_space<hbm>> -> memref<40x128xi32, #tpu.memory_space<hbm>>
      tpu.enqueue_dma source(%dma_start3A_89 : memref<40x128xi32, #tpu.memory_space<hbm>>) target(%arg6 : memref<40x128xi32, #tpu.memory_space<vmem>>) target_semaphore(%run_scoped3A : memref<!tpu.dma_semaphore, #tpu.memory_space<semaphore_mem>>)
      %dma_wait3A_90 = arith.constant 0 : i32
      %dma_wait3A_91 = tpu.memref_slice %arg3[%add3A_22, %dma_wait3A_90] : memref<2560x128xi32, #tpu.memory_space<hbm>> -> memref<40x128xi32, #tpu.memory_space<hbm>>
      %dma_wait3A_92 = arith.constant 0 : i32
      %dma_wait3A_93 = tpu.memref_slice %arg3[%add3A_22, %dma_wait3A_92] : memref<2560x128xi32, #tpu.memory_space<hbm>> -> memref<40x128xi32, #tpu.memory_space<hbm>>
      tpu.wait_dma2 semaphore(%run_scoped3A : memref<!tpu.dma_semaphore, #tpu.memory_space<semaphore_mem>>) src(%dma_wait3A_93 : memref<40x128xi32, #tpu.memory_space<hbm>>) dst(%arg6 : memref<40x128xi32, #tpu.memory_space<vmem>>)
      tpu.yield
    }) : () -> ()
    "tpu.region"() ({
      %run_scoped3A = tpu.sem_alloc : memref<!tpu.dma_semaphore, #tpu.memory_space<semaphore_mem>>
      %dma_start3A_86 = arith.constant 0 : i32
      %dma_start3A_87 = tpu.memref_slice %arg4[%add3A_22, %dma_start3A_86] : memref<2560x128xi32, #tpu.memory_space<hbm>> -> memref<40x128xi32, #tpu.memory_space<hbm>>
      %dma_start3A_88 = arith.constant 0 : i32
      %dma_start3A_89 = tpu.memref_slice %arg4[%add3A_22, %dma_start3A_88] : memref<2560x128xi32, #tpu.memory_space<hbm>> -> memref<40x128xi32, #tpu.memory_space<hbm>>
      tpu.enqueue_dma source(%dma_start3A_89 : memref<40x128xi32, #tpu.memory_space<hbm>>) target(%arg7 : memref<40x128xi32, #tpu.memory_space<vmem>>) target_semaphore(%run_scoped3A : memref<!tpu.dma_semaphore, #tpu.memory_space<semaphore_mem>>)
      %dma_wait3A_90 = arith.constant 0 : i32
      %dma_wait3A_91 = tpu.memref_slice %arg4[%add3A_22, %dma_wait3A_90] : memref<2560x128xi32, #tpu.memory_space<hbm>> -> memref<40x128xi32, #tpu.memory_space<hbm>>
      %dma_wait3A_92 = arith.constant 0 : i32
      %dma_wait3A_93 = tpu.memref_slice %arg4[%add3A_22, %dma_wait3A_92] : memref<2560x128xi32, #tpu.memory_space<hbm>> -> memref<40x128xi32, #tpu.memory_space<hbm>>
      tpu.wait_dma2 semaphore(%run_scoped3A : memref<!tpu.dma_semaphore, #tpu.memory_space<semaphore_mem>>) src(%dma_wait3A_93 : memref<40x128xi32, #tpu.memory_space<hbm>>) dst(%arg7 : memref<40x128xi32, #tpu.memory_space<vmem>>)
      tpu.yield
    }) : () -> ()
    %dma_start3A = arith.constant 0 : i32
    %dma_start3A_23 = arith.constant 0 : i32
    %dma_start3A_24 = tpu.memref_slice %arg6[%dma_start3A, %dma_start3A_23] : memref<40x128xi32, #tpu.memory_space<vmem>> -> memref<1x128xi32, #tpu.memory_space<vmem>>
    %dma_start3A_25 = tpu.memref_squeeze %dma_start3A_24 : memref<1x128xi32, #tpu.memory_space<vmem>> -> memref<128xi32, #tpu.memory_space<vmem>>
    %dma_start3A_26 = arith.constant 0 : i32
    %dma_start3A_27 = arith.constant 0 : i32
    %dma_start3A_28 = tpu.memref_slice %arg2[%dma_start3A_26, %dma_start3A_27] : memref<10000x128xf32, #tpu.memory_space<hbm>> -> memref<10000x128xf32, #tpu.memory_space<hbm>>
    tpu.enqueue_indirect_dma source(%dma_start3A_28 : memref<10000x128xf32, #tpu.memory_space<hbm>>) target(%arg8 : memref<128x128xf32, #tpu.memory_space<vmem>>) offsets(%dma_start3A_25 : memref<128xi32, #tpu.memory_space<vmem>>) semaphore(%arg11 : memref<!tpu.dma_semaphore, #tpu.memory_space<semaphore_mem>>)
    %scan3A_29 = arith.constant 0 : i32
    %scan3A_30 = arith.constant 0 : i32
    %scan3A_31 = arith.constant 20 : i32
    %scan3A_32 = arith.addi %scan3A_30, %scan3A_31 : i32
    %scan3A_33 = arith.constant 1 : i32
    %scan3A_34 = scf.for %scan3A_86 = %scan3A_30 to %scan3A_32 step %scan3A_33 iter_args(%scan3A_87 = %scan3A_29) -> (i32)  : i32 {
      %mul3A_88 = arith.constant 2 : i32
      %mul3A_89 = arith.muli %scan3A_86, %mul3A_88 : i32
      %add3A_90 = arith.constant 1 : i32
      %add3A_91 = arith.addi %mul3A_89, %add3A_90 : i32
      %dma_start3A_92 = arith.constant 0 : i32
      %dma_start3A_93 = tpu.memref_slice %arg6[%add3A_91, %dma_start3A_92] : memref<40x128xi32, #tpu.memory_space<vmem>> -> memref<1x128xi32, #tpu.memory_space<vmem>>
      %dma_start3A_94 = tpu.memref_squeeze %dma_start3A_93 : memref<1x128xi32, #tpu.memory_space<vmem>> -> memref<128xi32, #tpu.memory_space<vmem>>
      %dma_start3A_95 = arith.constant 0 : i32
      %dma_start3A_96 = arith.constant 0 : i32
      %dma_start3A_97 = tpu.memref_slice %arg2[%dma_start3A_95, %dma_start3A_96] : memref<10000x128xf32, #tpu.memory_space<hbm>> -> memref<10000x128xf32, #tpu.memory_space<hbm>>
      tpu.enqueue_indirect_dma source(%dma_start3A_97 : memref<10000x128xf32, #tpu.memory_space<hbm>>) target(%arg9 : memref<128x128xf32, #tpu.memory_space<vmem>>) offsets(%dma_start3A_94 : memref<128xi32, #tpu.memory_space<vmem>>) semaphore(%arg12 : memref<!tpu.dma_semaphore, #tpu.memory_space<semaphore_mem>>)
      %dma_wait3A_98 = arith.constant 0 : i32
      %dma_wait3A_99 = tpu.memref_slice %arg6[%mul3A_89, %dma_wait3A_98] : memref<40x128xi32, #tpu.memory_space<vmem>> -> memref<1x128xi32, #tpu.memory_space<vmem>>
      %dma_wait3A_100 = tpu.memref_squeeze %dma_wait3A_99 : memref<1x128xi32, #tpu.memory_space<vmem>> -> memref<128xi32, #tpu.memory_space<vmem>>
      %dma_wait3A_101 = arith.constant 0 : i32
      %dma_wait3A_102 = arith.constant 0 : i32
      %dma_wait3A_103 = tpu.memref_slice %arg2[%dma_wait3A_101, %dma_wait3A_102] : memref<10000x128xf32, #tpu.memory_space<hbm>> -> memref<10000x128xf32, #tpu.memory_space<hbm>>
      tpu.wait_indirect_dma semaphore(%arg11 : memref<!tpu.dma_semaphore, #tpu.memory_space<semaphore_mem>>) src(%dma_wait3A_103 : memref<10000x128xf32, #tpu.memory_space<hbm>>) dst(%arg8 : memref<128x128xf32, #tpu.memory_space<vmem>>)
      "tpu.region"() ({
        %run_scoped3A = tpu.sem_alloc : memref<!tpu.dma_semaphore, #tpu.memory_space<semaphore_mem>>
        %dma_start3A_124 = arith.constant 0 : i32
        %dma_start3A_125 = tpu.memref_slice %arg7[%mul3A_89, %dma_start3A_124] : memref<40x128xi32, #tpu.memory_space<vmem>> -> memref<1x128xi32, #tpu.memory_space<vmem>>
        %dma_start3A_126 = tpu.memref_squeeze %dma_start3A_125 : memref<1x128xi32, #tpu.memory_space<vmem>> -> memref<128xi32, #tpu.memory_space<vmem>>
        %dma_start3A_127 = arith.constant 0 : i32
        %dma_start3A_128 = arith.constant 0 : i32
        %dma_start3A_129 = tpu.memref_slice %arg10[%dma_start3A_127, %dma_start3A_128] : memref<10240x128xf32, #tpu.memory_space<vmem_shared>> -> memref<10240x128xf32, #tpu.memory_space<vmem_shared>>
        tpu.enqueue_indirect_dma source(%arg8 : memref<128x128xf32, #tpu.memory_space<vmem>>) target(%dma_start3A_129 : memref<10240x128xf32, #tpu.memory_space<vmem_shared>>) offsets(%dma_start3A_126 : memref<128xi32, #tpu.memory_space<vmem>>) semaphore(%run_scoped3A : memref<!tpu.dma_semaphore, #tpu.memory_space<semaphore_mem>>) {add = true}
        %dma_wait3A_130 = arith.constant 0 : i32
        %dma_wait3A_131 = tpu.memref_slice %arg7[%mul3A_89, %dma_wait3A_130] : memref<40x128xi32, #tpu.memory_space<vmem>> -> memref<1x128xi32, #tpu.memory_space<vmem>>
        %dma_wait3A_132 = tpu.memref_squeeze %dma_wait3A_131 : memref<1x128xi32, #tpu.memory_space<vmem>> -> memref<128xi32, #tpu.memory_space<vmem>>
        %dma_wait3A_133 = arith.constant 0 : i32
        %dma_wait3A_134 = arith.constant 0 : i32
        %dma_wait3A_135 = tpu.memref_slice %arg10[%dma_wait3A_133, %dma_wait3A_134] : memref<10240x128xf32, #tpu.memory_space<vmem_shared>> -> memref<10240x128xf32, #tpu.memory_space<vmem_shared>>
        tpu.wait_indirect_dma semaphore(%run_scoped3A : memref<!tpu.dma_semaphore, #tpu.memory_space<semaphore_mem>>) src(%arg8 : memref<128x128xf32, #tpu.memory_space<vmem>>) dst(%dma_wait3A_135 : memref<10240x128xf32, #tpu.memory_space<vmem_shared>>)
        tpu.yield
      }) : () -> ()
      %add3A_104 = arith.constant 2 : i32
      %add3A_105 = arith.addi %mul3A_89, %add3A_104 : i32
      %min3A = arith.constant 39 : i32
      %min3A_106 = arith.minsi %add3A_105, %min3A : i32
      %dma_start3A_107 = arith.constant 0 : i32
      %dma_start3A_108 = tpu.memref_slice %arg6[%min3A_106, %dma_start3A_107] : memref<40x128xi32, #tpu.memory_space<vmem>> -> memref<1x128xi32, #tpu.memory_space<vmem>>
      %dma_start3A_109 = tpu.memref_squeeze %dma_start3A_108 : memref<1x128xi32, #tpu.memory_space<vmem>> -> memref<128xi32, #tpu.memory_space<vmem>>
      %dma_start3A_110 = arith.constant 0 : i32
      %dma_start3A_111 = arith.constant 0 : i32
      %dma_start3A_112 = tpu.memref_slice %arg2[%dma_start3A_110, %dma_start3A_111] : memref<10000x128xf32, #tpu.memory_space<hbm>> -> memref<10000x128xf32, #tpu.memory_space<hbm>>
      tpu.enqueue_indirect_dma source(%dma_start3A_112 : memref<10000x128xf32, #tpu.memory_space<hbm>>) target(%arg8 : memref<128x128xf32, #tpu.memory_space<vmem>>) offsets(%dma_start3A_109 : memref<128xi32, #tpu.memory_space<vmem>>) semaphore(%arg11 : memref<!tpu.dma_semaphore, #tpu.memory_space<semaphore_mem>>)
      %add3A_113 = arith.constant 1 : i32
      %add3A_114 = arith.addi %mul3A_89, %add3A_113 : i32
      %dma_wait3A_115 = arith.constant 0 : i32
      %dma_wait3A_116 = tpu.memref_slice %arg6[%add3A_114, %dma_wait3A_115] : memref<40x128xi32, #tpu.memory_space<vmem>> -> memref<1x128xi32, #tpu.memory_space<vmem>>
      %dma_wait3A_117 = tpu.memref_squeeze %dma_wait3A_116 : memref<1x128xi32, #tpu.memory_space<vmem>> -> memref<128xi32, #tpu.memory_space<vmem>>
      %dma_wait3A_118 = arith.constant 0 : i32
      %dma_wait3A_119 = arith.constant 0 : i32
      %dma_wait3A_120 = tpu.memref_slice %arg2[%dma_wait3A_118, %dma_wait3A_119] : memref<10000x128xf32, #tpu.memory_space<hbm>> -> memref<10000x128xf32, #tpu.memory_space<hbm>>
      tpu.wait_indirect_dma semaphore(%arg12 : memref<!tpu.dma_semaphore, #tpu.memory_space<semaphore_mem>>) src(%dma_wait3A_120 : memref<10000x128xf32, #tpu.memory_space<hbm>>) dst(%arg9 : memref<128x128xf32, #tpu.memory_space<vmem>>)
      %add3A_121 = arith.constant 1 : i32
      %add3A_122 = arith.addi %mul3A_89, %add3A_121 : i32
      "tpu.region"() ({
        %run_scoped3A = tpu.sem_alloc : memref<!tpu.dma_semaphore, #tpu.memory_space<semaphore_mem>>
        %dma_start3A_124 = arith.constant 0 : i32
        %dma_start3A_125 = tpu.memref_slice %arg7[%add3A_122, %dma_start3A_124] : memref<40x128xi32, #tpu.memory_space<vmem>> -> memref<1x128xi32, #tpu.memory_space<vmem>>
        %dma_start3A_126 = tpu.memref_squeeze %dma_start3A_125 : memref<1x128xi32, #tpu.memory_space<vmem>> -> memref<128xi32, #tpu.memory_space<vmem>>
        %dma_start3A_127 = arith.constant 0 : i32
        %dma_start3A_128 = arith.constant 0 : i32
        %dma_start3A_129 = tpu.memref_slice %arg10[%dma_start3A_127, %dma_start3A_128] : memref<10240x128xf32, #tpu.memory_space<vmem_shared>> -> memref<10240x128xf32, #tpu.memory_space<vmem_shared>>
        tpu.enqueue_indirect_dma source(%arg9 : memref<128x128xf32, #tpu.memory_space<vmem>>) target(%dma_start3A_129 : memref<10240x128xf32, #tpu.memory_space<vmem_shared>>) offsets(%dma_start3A_126 : memref<128xi32, #tpu.memory_space<vmem>>) semaphore(%run_scoped3A : memref<!tpu.dma_semaphore, #tpu.memory_space<semaphore_mem>>) {add = true}
        %dma_wait3A_130 = arith.constant 0 : i32
        %dma_wait3A_131 = tpu.memref_slice %arg7[%add3A_122, %dma_wait3A_130] : memref<40x128xi32, #tpu.memory_space<vmem>> -> memref<1x128xi32, #tpu.memory_space<vmem>>
        %dma_wait3A_132 = tpu.memref_squeeze %dma_wait3A_131 : memref<1x128xi32, #tpu.memory_space<vmem>> -> memref<128xi32, #tpu.memory_space<vmem>>
        %dma_wait3A_133 = arith.constant 0 : i32
        %dma_wait3A_134 = arith.constant 0 : i32
        %dma_wait3A_135 = tpu.memref_slice %arg10[%dma_wait3A_133, %dma_wait3A_134] : memref<10240x128xf32, #tpu.memory_space<vmem_shared>> -> memref<10240x128xf32, #tpu.memory_space<vmem_shared>>
        tpu.wait_indirect_dma semaphore(%run_scoped3A : memref<!tpu.dma_semaphore, #tpu.memory_space<semaphore_mem>>) src(%arg9 : memref<128x128xf32, #tpu.memory_space<vmem>>) dst(%dma_wait3A_135 : memref<10240x128xf32, #tpu.memory_space<vmem_shared>>)
        tpu.yield
      }) : () -> ()
      %scan3A_123 = arith.constant 0 : i32
      scf.yield %scan3A_123 : i32
    }
    %scan3A_35 = arith.constant 20 : i32
    %dma_wait3A = arith.constant 39 : i32
    %dma_wait3A_36 = arith.constant 0 : i32
    %dma_wait3A_37 = tpu.memref_slice %arg6[%dma_wait3A, %dma_wait3A_36] : memref<40x128xi32, #tpu.memory_space<vmem>> -> memref<1x128xi32, #tpu.memory_space<vmem>>
    %dma_wait3A_38 = tpu.memref_squeeze %dma_wait3A_37 : memref<1x128xi32, #tpu.memory_space<vmem>> -> memref<128xi32, #tpu.memory_space<vmem>>
    %dma_wait3A_39 = arith.constant 0 : i32
    %dma_wait3A_40 = arith.constant 0 : i32
    %dma_wait3A_41 = tpu.memref_slice %arg2[%dma_wait3A_39, %dma_wait3A_40] : memref<10000x128xf32, #tpu.memory_space<hbm>> -> memref<10000x128xf32, #tpu.memory_space<hbm>>
    tpu.wait_indirect_dma semaphore(%arg11 : memref<!tpu.dma_semaphore, #tpu.memory_space<semaphore_mem>>) src(%dma_wait3A_41 : memref<10000x128xf32, #tpu.memory_space<hbm>>) dst(%arg8 : memref<128x128xf32, #tpu.memory_space<vmem>>)
    %add3A_42 = arith.constant 40 : i32
    %add3A_43 = arith.addi %mul3A_20, %add3A_42 : i32
    "tpu.region"() ({
      %run_scoped3A = tpu.sem_alloc : memref<!tpu.dma_semaphore, #tpu.memory_space<semaphore_mem>>
      %dma_start3A_86 = arith.constant 0 : i32
      %dma_start3A_87 = tpu.memref_slice %arg3[%add3A_43, %dma_start3A_86] : memref<2560x128xi32, #tpu.memory_space<hbm>> -> memref<40x128xi32, #tpu.memory_space<hbm>>
      %dma_start3A_88 = arith.constant 0 : i32
      %dma_start3A_89 = tpu.memref_slice %arg3[%add3A_43, %dma_start3A_88] : memref<2560x128xi32, #tpu.memory_space<hbm>> -> memref<40x128xi32, #tpu.memory_space<hbm>>
      tpu.enqueue_dma source(%dma_start3A_89 : memref<40x128xi32, #tpu.memory_space<hbm>>) target(%arg6 : memref<40x128xi32, #tpu.memory_space<vmem>>) target_semaphore(%run_scoped3A : memref<!tpu.dma_semaphore, #tpu.memory_space<semaphore_mem>>)
      %dma_wait3A_90 = arith.constant 0 : i32
      %dma_wait3A_91 = tpu.memref_slice %arg3[%add3A_43, %dma_wait3A_90] : memref<2560x128xi32, #tpu.memory_space<hbm>> -> memref<40x128xi32, #tpu.memory_space<hbm>>
      %dma_wait3A_92 = arith.constant 0 : i32
      %dma_wait3A_93 = tpu.memref_slice %arg3[%add3A_43, %dma_wait3A_92] : memref<2560x128xi32, #tpu.memory_space<hbm>> -> memref<40x128xi32, #tpu.memory_space<hbm>>
      tpu.wait_dma2 semaphore(%run_scoped3A : memref<!tpu.dma_semaphore, #tpu.memory_space<semaphore_mem>>) src(%dma_wait3A_93 : memref<40x128xi32, #tpu.memory_space<hbm>>) dst(%arg6 : memref<40x128xi32, #tpu.memory_space<vmem>>)
      tpu.yield
    }) : () -> ()
    "tpu.region"() ({
      %run_scoped3A = tpu.sem_alloc : memref<!tpu.dma_semaphore, #tpu.memory_space<semaphore_mem>>
      %dma_start3A_86 = arith.constant 0 : i32
      %dma_start3A_87 = tpu.memref_slice %arg4[%add3A_43, %dma_start3A_86] : memref<2560x128xi32, #tpu.memory_space<hbm>> -> memref<40x128xi32, #tpu.memory_space<hbm>>
      %dma_start3A_88 = arith.constant 0 : i32
      %dma_start3A_89 = tpu.memref_slice %arg4[%add3A_43, %dma_start3A_88] : memref<2560x128xi32, #tpu.memory_space<hbm>> -> memref<40x128xi32, #tpu.memory_space<hbm>>
      tpu.enqueue_dma source(%dma_start3A_89 : memref<40x128xi32, #tpu.memory_space<hbm>>) target(%arg7 : memref<40x128xi32, #tpu.memory_space<vmem>>) target_semaphore(%run_scoped3A : memref<!tpu.dma_semaphore, #tpu.memory_space<semaphore_mem>>)
      %dma_wait3A_90 = arith.constant 0 : i32
      %dma_wait3A_91 = tpu.memref_slice %arg4[%add3A_43, %dma_wait3A_90] : memref<2560x128xi32, #tpu.memory_space<hbm>> -> memref<40x128xi32, #tpu.memory_space<hbm>>
      %dma_wait3A_92 = arith.constant 0 : i32
      %dma_wait3A_93 = tpu.memref_slice %arg4[%add3A_43, %dma_wait3A_92] : memref<2560x128xi32, #tpu.memory_space<hbm>> -> memref<40x128xi32, #tpu.memory_space<hbm>>
      tpu.wait_dma2 semaphore(%run_scoped3A : memref<!tpu.dma_semaphore, #tpu.memory_space<semaphore_mem>>) src(%dma_wait3A_93 : memref<40x128xi32, #tpu.memory_space<hbm>>) dst(%arg7 : memref<40x128xi32, #tpu.memory_space<vmem>>)
      tpu.yield
    }) : () -> ()
    %dma_start3A_44 = arith.constant 0 : i32
    %dma_start3A_45 = arith.constant 0 : i32
    %dma_start3A_46 = tpu.memref_slice %arg6[%dma_start3A_44, %dma_start3A_45] : memref<40x128xi32, #tpu.memory_space<vmem>> -> memref<1x128xi32, #tpu.memory_space<vmem>>
    %dma_start3A_47 = tpu.memref_squeeze %dma_start3A_46 : memref<1x128xi32, #tpu.memory_space<vmem>> -> memref<128xi32, #tpu.memory_space<vmem>>
    %dma_start3A_48 = arith.constant 0 : i32
    %dma_start3A_49 = arith.constant 0 : i32
    %dma_start3A_50 = tpu.memref_slice %arg2[%dma_start3A_48, %dma_start3A_49] : memref<10000x128xf32, #tpu.memory_space<hbm>> -> memref<10000x128xf32, #tpu.memory_space<hbm>>
    tpu.enqueue_indirect_dma source(%dma_start3A_50 : memref<10000x128xf32, #tpu.memory_space<hbm>>) target(%arg8 : memref<128x128xf32, #tpu.memory_space<vmem>>) offsets(%dma_start3A_47 : memref<128xi32, #tpu.memory_space<vmem>>) semaphore(%arg11 : memref<!tpu.dma_semaphore, #tpu.memory_space<semaphore_mem>>)
    %scan3A_51 = arith.constant 0 : i32
    %scan3A_52 = arith.constant 0 : i32
    %scan3A_53 = arith.constant 20 : i32
    %scan3A_54 = arith.addi %scan3A_52, %scan3A_53 : i32
    %scan3A_55 = arith.constant 1 : i32
    %scan3A_56 = scf.for %scan3A_86 = %scan3A_52 to %scan3A_54 step %scan3A_55 iter_args(%scan3A_87 = %scan3A_51) -> (i32)  : i32 {
      %mul3A_88 = arith.constant 2 : i32
      %mul3A_89 = arith.muli %scan3A_86, %mul3A_88 : i32
      %add3A_90 = arith.constant 1 : i32
      %add3A_91 = arith.addi %mul3A_89, %add3A_90 : i32
      %dma_start3A_92 = arith.constant 0 : i32
      %dma_start3A_93 = tpu.memref_slice %arg6[%add3A_91, %dma_start3A_92] : memref<40x128xi32, #tpu.memory_space<vmem>> -> memref<1x128xi32, #tpu.memory_space<vmem>>
      %dma_start3A_94 = tpu.memref_squeeze %dma_start3A_93 : memref<1x128xi32, #tpu.memory_space<vmem>> -> memref<128xi32, #tpu.memory_space<vmem>>
      %dma_start3A_95 = arith.constant 0 : i32
      %dma_start3A_96 = arith.constant 0 : i32
      %dma_start3A_97 = tpu.memref_slice %arg2[%dma_start3A_95, %dma_start3A_96] : memref<10000x128xf32, #tpu.memory_space<hbm>> -> memref<10000x128xf32, #tpu.memory_space<hbm>>
      tpu.enqueue_indirect_dma source(%dma_start3A_97 : memref<10000x128xf32, #tpu.memory_space<hbm>>) target(%arg9 : memref<128x128xf32, #tpu.memory_space<vmem>>) offsets(%dma_start3A_94 : memref<128xi32, #tpu.memory_space<vmem>>) semaphore(%arg12 : memref<!tpu.dma_semaphore, #tpu.memory_space<semaphore_mem>>)
      %dma_wait3A_98 = arith.constant 0 : i32
      %dma_wait3A_99 = tpu.memref_slice %arg6[%mul3A_89, %dma_wait3A_98] : memref<40x128xi32, #tpu.memory_space<vmem>> -> memref<1x128xi32, #tpu.memory_space<vmem>>
      %dma_wait3A_100 = tpu.memref_squeeze %dma_wait3A_99 : memref<1x128xi32, #tpu.memory_space<vmem>> -> memref<128xi32, #tpu.memory_space<vmem>>
      %dma_wait3A_101 = arith.constant 0 : i32
      %dma_wait3A_102 = arith.constant 0 : i32
      %dma_wait3A_103 = tpu.memref_slice %arg2[%dma_wait3A_101, %dma_wait3A_102] : memref<10000x128xf32, #tpu.memory_space<hbm>> -> memref<10000x128xf32, #tpu.memory_space<hbm>>
      tpu.wait_indirect_dma semaphore(%arg11 : memref<!tpu.dma_semaphore, #tpu.memory_space<semaphore_mem>>) src(%dma_wait3A_103 : memref<10000x128xf32, #tpu.memory_space<hbm>>) dst(%arg8 : memref<128x128xf32, #tpu.memory_space<vmem>>)
      "tpu.region"() ({
        %run_scoped3A = tpu.sem_alloc : memref<!tpu.dma_semaphore, #tpu.memory_space<semaphore_mem>>
        %dma_start3A_124 = arith.constant 0 : i32
        %dma_start3A_125 = tpu.memref_slice %arg7[%mul3A_89, %dma_start3A_124] : memref<40x128xi32, #tpu.memory_space<vmem>> -> memref<1x128xi32, #tpu.memory_space<vmem>>
        %dma_start3A_126 = tpu.memref_squeeze %dma_start3A_125 : memref<1x128xi32, #tpu.memory_space<vmem>> -> memref<128xi32, #tpu.memory_space<vmem>>
        %dma_start3A_127 = arith.constant 0 : i32
        %dma_start3A_128 = arith.constant 0 : i32
        %dma_start3A_129 = tpu.memref_slice %arg10[%dma_start3A_127, %dma_start3A_128] : memref<10240x128xf32, #tpu.memory_space<vmem_shared>> -> memref<10240x128xf32, #tpu.memory_space<vmem_shared>>
        tpu.enqueue_indirect_dma source(%arg8 : memref<128x128xf32, #tpu.memory_space<vmem>>) target(%dma_start3A_129 : memref<10240x128xf32, #tpu.memory_space<vmem_shared>>) offsets(%dma_start3A_126 : memref<128xi32, #tpu.memory_space<vmem>>) semaphore(%run_scoped3A : memref<!tpu.dma_semaphore, #tpu.memory_space<semaphore_mem>>) {add = true}
        %dma_wait3A_130 = arith.constant 0 : i32
        %dma_wait3A_131 = tpu.memref_slice %arg7[%mul3A_89, %dma_wait3A_130] : memref<40x128xi32, #tpu.memory_space<vmem>> -> memref<1x128xi32, #tpu.memory_space<vmem>>
        %dma_wait3A_132 = tpu.memref_squeeze %dma_wait3A_131 : memref<1x128xi32, #tpu.memory_space<vmem>> -> memref<128xi32, #tpu.memory_space<vmem>>
        %dma_wait3A_133 = arith.constant 0 : i32
        %dma_wait3A_134 = arith.constant 0 : i32
        %dma_wait3A_135 = tpu.memref_slice %arg10[%dma_wait3A_133, %dma_wait3A_134] : memref<10240x128xf32, #tpu.memory_space<vmem_shared>> -> memref<10240x128xf32, #tpu.memory_space<vmem_shared>>
        tpu.wait_indirect_dma semaphore(%run_scoped3A : memref<!tpu.dma_semaphore, #tpu.memory_space<semaphore_mem>>) src(%arg8 : memref<128x128xf32, #tpu.memory_space<vmem>>) dst(%dma_wait3A_135 : memref<10240x128xf32, #tpu.memory_space<vmem_shared>>)
        tpu.yield
      }) : () -> ()
      %add3A_104 = arith.constant 2 : i32
      %add3A_105 = arith.addi %mul3A_89, %add3A_104 : i32
      %min3A = arith.constant 39 : i32
      %min3A_106 = arith.minsi %add3A_105, %min3A : i32
      %dma_start3A_107 = arith.constant 0 : i32
      %dma_start3A_108 = tpu.memref_slice %arg6[%min3A_106, %dma_start3A_107] : memref<40x128xi32, #tpu.memory_space<vmem>> -> memref<1x128xi32, #tpu.memory_space<vmem>>
      %dma_start3A_109 = tpu.memref_squeeze %dma_start3A_108 : memref<1x128xi32, #tpu.memory_space<vmem>> -> memref<128xi32, #tpu.memory_space<vmem>>
      %dma_start3A_110 = arith.constant 0 : i32
      %dma_start3A_111 = arith.constant 0 : i32
      %dma_start3A_112 = tpu.memref_slice %arg2[%dma_start3A_110, %dma_start3A_111] : memref<10000x128xf32, #tpu.memory_space<hbm>> -> memref<10000x128xf32, #tpu.memory_space<hbm>>
      tpu.enqueue_indirect_dma source(%dma_start3A_112 : memref<10000x128xf32, #tpu.memory_space<hbm>>) target(%arg8 : memref<128x128xf32, #tpu.memory_space<vmem>>) offsets(%dma_start3A_109 : memref<128xi32, #tpu.memory_space<vmem>>) semaphore(%arg11 : memref<!tpu.dma_semaphore, #tpu.memory_space<semaphore_mem>>)
      %add3A_113 = arith.constant 1 : i32
      %add3A_114 = arith.addi %mul3A_89, %add3A_113 : i32
      %dma_wait3A_115 = arith.constant 0 : i32
      %dma_wait3A_116 = tpu.memref_slice %arg6[%add3A_114, %dma_wait3A_115] : memref<40x128xi32, #tpu.memory_space<vmem>> -> memref<1x128xi32, #tpu.memory_space<vmem>>
      %dma_wait3A_117 = tpu.memref_squeeze %dma_wait3A_116 : memref<1x128xi32, #tpu.memory_space<vmem>> -> memref<128xi32, #tpu.memory_space<vmem>>
      %dma_wait3A_118 = arith.constant 0 : i32
      %dma_wait3A_119 = arith.constant 0 : i32
      %dma_wait3A_120 = tpu.memref_slice %arg2[%dma_wait3A_118, %dma_wait3A_119] : memref<10000x128xf32, #tpu.memory_space<hbm>> -> memref<10000x128xf32, #tpu.memory_space<hbm>>
      tpu.wait_indirect_dma semaphore(%arg12 : memref<!tpu.dma_semaphore, #tpu.memory_space<semaphore_mem>>) src(%dma_wait3A_120 : memref<10000x128xf32, #tpu.memory_space<hbm>>) dst(%arg9 : memref<128x128xf32, #tpu.memory_space<vmem>>)
      %add3A_121 = arith.constant 1 : i32
      %add3A_122 = arith.addi %mul3A_89, %add3A_121 : i32
      "tpu.region"() ({
        %run_scoped3A = tpu.sem_alloc : memref<!tpu.dma_semaphore, #tpu.memory_space<semaphore_mem>>
        %dma_start3A_124 = arith.constant 0 : i32
        %dma_start3A_125 = tpu.memref_slice %arg7[%add3A_122, %dma_start3A_124] : memref<40x128xi32, #tpu.memory_space<vmem>> -> memref<1x128xi32, #tpu.memory_space<vmem>>
        %dma_start3A_126 = tpu.memref_squeeze %dma_start3A_125 : memref<1x128xi32, #tpu.memory_space<vmem>> -> memref<128xi32, #tpu.memory_space<vmem>>
        %dma_start3A_127 = arith.constant 0 : i32
        %dma_start3A_128 = arith.constant 0 : i32
        %dma_start3A_129 = tpu.memref_slice %arg10[%dma_start3A_127, %dma_start3A_128] : memref<10240x128xf32, #tpu.memory_space<vmem_shared>> -> memref<10240x128xf32, #tpu.memory_space<vmem_shared>>
        tpu.enqueue_indirect_dma source(%arg9 : memref<128x128xf32, #tpu.memory_space<vmem>>) target(%dma_start3A_129 : memref<10240x128xf32, #tpu.memory_space<vmem_shared>>) offsets(%dma_start3A_126 : memref<128xi32, #tpu.memory_space<vmem>>) semaphore(%run_scoped3A : memref<!tpu.dma_semaphore, #tpu.memory_space<semaphore_mem>>) {add = true}
        %dma_wait3A_130 = arith.constant 0 : i32
        %dma_wait3A_131 = tpu.memref_slice %arg7[%add3A_122, %dma_wait3A_130] : memref<40x128xi32, #tpu.memory_space<vmem>> -> memref<1x128xi32, #tpu.memory_space<vmem>>
        %dma_wait3A_132 = tpu.memref_squeeze %dma_wait3A_131 : memref<1x128xi32, #tpu.memory_space<vmem>> -> memref<128xi32, #tpu.memory_space<vmem>>
        %dma_wait3A_133 = arith.constant 0 : i32
        %dma_wait3A_134 = arith.constant 0 : i32
        %dma_wait3A_135 = tpu.memref_slice %arg10[%dma_wait3A_133, %dma_wait3A_134] : memref<10240x128xf32, #tpu.memory_space<vmem_shared>> -> memref<10240x128xf32, #tpu.memory_space<vmem_shared>>
        tpu.wait_indirect_dma semaphore(%run_scoped3A : memref<!tpu.dma_semaphore, #tpu.memory_space<semaphore_mem>>) src(%arg9 : memref<128x128xf32, #tpu.memory_space<vmem>>) dst(%dma_wait3A_135 : memref<10240x128xf32, #tpu.memory_space<vmem_shared>>)
        tpu.yield
      }) : () -> ()
      %scan3A_123 = arith.constant 0 : i32
      scf.yield %scan3A_123 : i32
    }
    %scan3A_57 = arith.constant 20 : i32
    %dma_wait3A_58 = arith.constant 39 : i32
    %dma_wait3A_59 = arith.constant 0 : i32
    %dma_wait3A_60 = tpu.memref_slice %arg6[%dma_wait3A_58, %dma_wait3A_59] : memref<40x128xi32, #tpu.memory_space<vmem>> -> memref<1x128xi32, #tpu.memory_space<vmem>>
    %dma_wait3A_61 = tpu.memref_squeeze %dma_wait3A_60 : memref<1x128xi32, #tpu.memory_space<vmem>> -> memref<128xi32, #tpu.memory_space<vmem>>
    %dma_wait3A_62 = arith.constant 0 : i32
    %dma_wait3A_63 = arith.constant 0 : i32
    %dma_wait3A_64 = tpu.memref_slice %arg2[%dma_wait3A_62, %dma_wait3A_63] : memref<10000x128xf32, #tpu.memory_space<hbm>> -> memref<10000x128xf32, #tpu.memory_space<hbm>>
    tpu.wait_indirect_dma semaphore(%arg11 : memref<!tpu.dma_semaphore, #tpu.memory_space<semaphore_mem>>) src(%dma_wait3A_64 : memref<10000x128xf32, #tpu.memory_space<hbm>>) dst(%arg8 : memref<128x128xf32, #tpu.memory_space<vmem>>)
    %barrier3A_65 = arith.constant 0 : index
    tpu.barrier barrier_id(%barrier3A_65)
    %add3A_66 = arith.constant 0 : i32
    %add3A_67 = arith.addi %mul3A_0, %add3A_66 : i32
    "tpu.region"() ({
      %run_scoped3A = tpu.sem_alloc : memref<!tpu.dma_semaphore, #tpu.memory_space<semaphore_mem>>
      %dma_start3A_86 = arith.constant 0 : i32
      %dma_start3A_87 = tpu.memref_slice %arg10[%add3A_67, %dma_start3A_86] : memref<10240x128xf32, #tpu.memory_space<vmem_shared>> -> memref<128x128xf32, #tpu.memory_space<vmem_shared>>
      %dma_start3A_88 = arith.constant 0 : i32
      %dma_start3A_89 = tpu.memref_slice %arg10[%add3A_67, %dma_start3A_88] : memref<10240x128xf32, #tpu.memory_space<vmem_shared>> -> memref<128x128xf32, #tpu.memory_space<vmem_shared>>
      tpu.enqueue_dma source(%dma_start3A_89 : memref<128x128xf32, #tpu.memory_space<vmem_shared>>) target(%arg8 : memref<128x128xf32, #tpu.memory_space<vmem>>) target_semaphore(%run_scoped3A : memref<!tpu.dma_semaphore, #tpu.memory_space<semaphore_mem>>)
      %dma_wait3A_90 = arith.constant 0 : i32
      %dma_wait3A_91 = tpu.memref_slice %arg10[%add3A_67, %dma_wait3A_90] : memref<10240x128xf32, #tpu.memory_space<vmem_shared>> -> memref<128x128xf32, #tpu.memory_space<vmem_shared>>
      %dma_wait3A_92 = arith.constant 0 : i32
      %dma_wait3A_93 = tpu.memref_slice %arg10[%add3A_67, %dma_wait3A_92] : memref<10240x128xf32, #tpu.memory_space<vmem_shared>> -> memref<128x128xf32, #tpu.memory_space<vmem_shared>>
      tpu.wait_dma2 semaphore(%run_scoped3A : memref<!tpu.dma_semaphore, #tpu.memory_space<semaphore_mem>>) src(%dma_wait3A_93 : memref<128x128xf32, #tpu.memory_space<vmem_shared>>) dst(%arg8 : memref<128x128xf32, #tpu.memory_space<vmem>>)
      tpu.yield
    }) : () -> ()
    %add3A_68 = arith.constant 0 : i32
    %add3A_69 = arith.addi %mul3A_0, %add3A_68 : i32
    "tpu.region"() ({
      %run_scoped3A = tpu.sem_alloc : memref<!tpu.dma_semaphore, #tpu.memory_space<semaphore_mem>>
      %dma_start3A_86 = arith.constant 0 : i32
      %dma_start3A_87 = tpu.memref_slice %arg5[%arg0, %add3A_69, %dma_start3A_86] : memref<2x10240x128xf32, #tpu.memory_space<hbm>> -> memref<1x128x128xf32, #tpu.memory_space<hbm>>
      %dma_start3A_88 = tpu.memref_squeeze %dma_start3A_87 : memref<1x128x128xf32, #tpu.memory_space<hbm>> -> memref<128x128xf32, #tpu.memory_space<hbm>>
      %dma_start3A_89 = arith.constant 0 : i32
      %dma_start3A_90 = tpu.memref_slice %arg5[%arg0, %add3A_69, %dma_start3A_89] : memref<2x10240x128xf32, #tpu.memory_space<hbm>> -> memref<1x128x128xf32, #tpu.memory_space<hbm>>
      %dma_start3A_91 = tpu.memref_squeeze %dma_start3A_90 : memref<1x128x128xf32, #tpu.memory_space<hbm>> -> memref<128x128xf32, #tpu.memory_space<hbm>>
      tpu.enqueue_dma source(%arg8 : memref<128x128xf32, #tpu.memory_space<vmem>>) target(%dma_start3A_91 : memref<128x128xf32, #tpu.memory_space<hbm>>) target_semaphore(%run_scoped3A : memref<!tpu.dma_semaphore, #tpu.memory_space<semaphore_mem>>)
      %dma_wait3A_92 = arith.constant 0 : i32
      %dma_wait3A_93 = tpu.memref_slice %arg5[%arg0, %add3A_69, %dma_wait3A_92] : memref<2x10240x128xf32, #tpu.memory_space<hbm>> -> memref<1x128x128xf32, #tpu.memory_space<hbm>>
      %dma_wait3A_94 = tpu.memref_squeeze %dma_wait3A_93 : memref<1x128x128xf32, #tpu.memory_space<hbm>> -> memref<128x128xf32, #tpu.memory_space<hbm>>
      %dma_wait3A_95 = arith.constant 0 : i32
      %dma_wait3A_96 = tpu.memref_slice %arg5[%arg0, %add3A_69, %dma_wait3A_95] : memref<2x10240x128xf32, #tpu.memory_space<hbm>> -> memref<1x128x128xf32, #tpu.memory_space<hbm>>
      %dma_wait3A_97 = tpu.memref_squeeze %dma_wait3A_96 : memref<1x128x128xf32, #tpu.memory_space<hbm>> -> memref<128x128xf32, #tpu.memory_space<hbm>>
      tpu.wait_dma2 semaphore(%run_scoped3A : memref<!tpu.dma_semaphore, #tpu.memory_space<semaphore_mem>>) src(%arg8 : memref<128x128xf32, #tpu.memory_space<vmem>>) dst(%dma_wait3A_97 : memref<128x128xf32, #tpu.memory_space<hbm>>)
      tpu.yield
    }) : () -> ()
    %add3A_70 = arith.constant 128 : i32
    %add3A_71 = arith.addi %mul3A_0, %add3A_70 : i32
    "tpu.region"() ({
      %run_scoped3A = tpu.sem_alloc : memref<!tpu.dma_semaphore, #tpu.memory_space<semaphore_mem>>
      %dma_start3A_86 = arith.constant 0 : i32
      %dma_start3A_87 = tpu.memref_slice %arg10[%add3A_71, %dma_start3A_86] : memref<10240x128xf32, #tpu.memory_space<vmem_shared>> -> memref<128x128xf32, #tpu.memory_space<vmem_shared>>
      %dma_start3A_88 = arith.constant 0 : i32
      %dma_start3A_89 = tpu.memref_slice %arg10[%add3A_71, %dma_start3A_88] : memref<10240x128xf32, #tpu.memory_space<vmem_shared>> -> memref<128x128xf32, #tpu.memory_space<vmem_shared>>
      tpu.enqueue_dma source(%dma_start3A_89 : memref<128x128xf32, #tpu.memory_space<vmem_shared>>) target(%arg8 : memref<128x128xf32, #tpu.memory_space<vmem>>) target_semaphore(%run_scoped3A : memref<!tpu.dma_semaphore, #tpu.memory_space<semaphore_mem>>)
      %dma_wait3A_90 = arith.constant 0 : i32
      %dma_wait3A_91 = tpu.memref_slice %arg10[%add3A_71, %dma_wait3A_90] : memref<10240x128xf32, #tpu.memory_space<vmem_shared>> -> memref<128x128xf32, #tpu.memory_space<vmem_shared>>
      %dma_wait3A_92 = arith.constant 0 : i32
      %dma_wait3A_93 = tpu.memref_slice %arg10[%add3A_71, %dma_wait3A_92] : memref<10240x128xf32, #tpu.memory_space<vmem_shared>> -> memref<128x128xf32, #tpu.memory_space<vmem_shared>>
      tpu.wait_dma2 semaphore(%run_scoped3A : memref<!tpu.dma_semaphore, #tpu.memory_space<semaphore_mem>>) src(%dma_wait3A_93 : memref<128x128xf32, #tpu.memory_space<vmem_shared>>) dst(%arg8 : memref<128x128xf32, #tpu.memory_space<vmem>>)
      tpu.yield
    }) : () -> ()
    %add3A_72 = arith.constant 128 : i32
    %add3A_73 = arith.addi %mul3A_0, %add3A_72 : i32
    "tpu.region"() ({
      %run_scoped3A = tpu.sem_alloc : memref<!tpu.dma_semaphore, #tpu.memory_space<semaphore_mem>>
      %dma_start3A_86 = arith.constant 0 : i32
      %dma_start3A_87 = tpu.memref_slice %arg5[%arg0, %add3A_73, %dma_start3A_86] : memref<2x10240x128xf32, #tpu.memory_space<hbm>> -> memref<1x128x128xf32, #tpu.memory_space<hbm>>
      %dma_start3A_88 = tpu.memref_squeeze %dma_start3A_87 : memref<1x128x128xf32, #tpu.memory_space<hbm>> -> memref<128x128xf32, #tpu.memory_space<hbm>>
      %dma_start3A_89 = arith.constant 0 : i32
      %dma_start3A_90 = tpu.memref_slice %arg5[%arg0, %add3A_73, %dma_start3A_89] : memref<2x10240x128xf32, #tpu.memory_space<hbm>> -> memref<1x128x128xf32, #tpu.memory_space<hbm>>
      %dma_start3A_91 = tpu.memref_squeeze %dma_start3A_90 : memref<1x128x128xf32, #tpu.memory_space<hbm>> -> memref<128x128xf32, #tpu.memory_space<hbm>>
      tpu.enqueue_dma source(%arg8 : memref<128x128xf32, #tpu.memory_space<vmem>>) target(%dma_start3A_91 : memref<128x128xf32, #tpu.memory_space<hbm>>) target_semaphore(%run_scoped3A : memref<!tpu.dma_semaphore, #tpu.memory_space<semaphore_mem>>)
      %dma_wait3A_92 = arith.constant 0 : i32
      %dma_wait3A_93 = tpu.memref_slice %arg5[%arg0, %add3A_73, %dma_wait3A_92] : memref<2x10240x128xf32, #tpu.memory_space<hbm>> -> memref<1x128x128xf32, #tpu.memory_space<hbm>>
      %dma_wait3A_94 = tpu.memref_squeeze %dma_wait3A_93 : memref<1x128x128xf32, #tpu.memory_space<hbm>> -> memref<128x128xf32, #tpu.memory_space<hbm>>
      %dma_wait3A_95 = arith.constant 0 : i32
      %dma_wait3A_96 = tpu.memref_slice %arg5[%arg0, %add3A_73, %dma_wait3A_95] : memref<2x10240x128xf32, #tpu.memory_space<hbm>> -> memref<1x128x128xf32, #tpu.memory_space<hbm>>
      %dma_wait3A_97 = tpu.memref_squeeze %dma_wait3A_96 : memref<1x128x128xf32, #tpu.memory_space<hbm>> -> memref<128x128xf32, #tpu.memory_space<hbm>>
      tpu.wait_dma2 semaphore(%run_scoped3A : memref<!tpu.dma_semaphore, #tpu.memory_space<semaphore_mem>>) src(%arg8 : memref<128x128xf32, #tpu.memory_space<vmem>>) dst(%dma_wait3A_97 : memref<128x128xf32, #tpu.memory_space<hbm>>)
      tpu.yield
    }) : () -> ()
    %add3A_74 = arith.constant 256 : i32
    %add3A_75 = arith.addi %mul3A_0, %add3A_74 : i32
    "tpu.region"() ({
      %run_scoped3A = tpu.sem_alloc : memref<!tpu.dma_semaphore, #tpu.memory_space<semaphore_mem>>
      %dma_start3A_86 = arith.constant 0 : i32
      %dma_start3A_87 = tpu.memref_slice %arg10[%add3A_75, %dma_start3A_86] : memref<10240x128xf32, #tpu.memory_space<vmem_shared>> -> memref<128x128xf32, #tpu.memory_space<vmem_shared>>
      %dma_start3A_88 = arith.constant 0 : i32
      %dma_start3A_89 = tpu.memref_slice %arg10[%add3A_75, %dma_start3A_88] : memref<10240x128xf32, #tpu.memory_space<vmem_shared>> -> memref<128x128xf32, #tpu.memory_space<vmem_shared>>
      tpu.enqueue_dma source(%dma_start3A_89 : memref<128x128xf32, #tpu.memory_space<vmem_shared>>) target(%arg8 : memref<128x128xf32, #tpu.memory_space<vmem>>) target_semaphore(%run_scoped3A : memref<!tpu.dma_semaphore, #tpu.memory_space<semaphore_mem>>)
      %dma_wait3A_90 = arith.constant 0 : i32
      %dma_wait3A_91 = tpu.memref_slice %arg10[%add3A_75, %dma_wait3A_90] : memref<10240x128xf32, #tpu.memory_space<vmem_shared>> -> memref<128x128xf32, #tpu.memory_space<vmem_shared>>
      %dma_wait3A_92 = arith.constant 0 : i32
      %dma_wait3A_93 = tpu.memref_slice %arg10[%add3A_75, %dma_wait3A_92] : memref<10240x128xf32, #tpu.memory_space<vmem_shared>> -> memref<128x128xf32, #tpu.memory_space<vmem_shared>>
      tpu.wait_dma2 semaphore(%run_scoped3A : memref<!tpu.dma_semaphore, #tpu.memory_space<semaphore_mem>>) src(%dma_wait3A_93 : memref<128x128xf32, #tpu.memory_space<vmem_shared>>) dst(%arg8 : memref<128x128xf32, #tpu.memory_space<vmem>>)
      tpu.yield
    }) : () -> ()
    %add3A_76 = arith.constant 256 : i32
    %add3A_77 = arith.addi %mul3A_0, %add3A_76 : i32
    "tpu.region"() ({
      %run_scoped3A = tpu.sem_alloc : memref<!tpu.dma_semaphore, #tpu.memory_space<semaphore_mem>>
      %dma_start3A_86 = arith.constant 0 : i32
      %dma_start3A_87 = tpu.memref_slice %arg5[%arg0, %add3A_77, %dma_start3A_86] : memref<2x10240x128xf32, #tpu.memory_space<hbm>> -> memref<1x128x128xf32, #tpu.memory_space<hbm>>
      %dma_start3A_88 = tpu.memref_squeeze %dma_start3A_87 : memref<1x128x128xf32, #tpu.memory_space<hbm>> -> memref<128x128xf32, #tpu.memory_space<hbm>>
      %dma_start3A_89 = arith.constant 0 : i32
      %dma_start3A_90 = tpu.memref_slice %arg5[%arg0, %add3A_77, %dma_start3A_89] : memref<2x10240x128xf32, #tpu.memory_space<hbm>> -> memref<1x128x128xf32, #tpu.memory_space<hbm>>
      %dma_start3A_91 = tpu.memref_squeeze %dma_start3A_90 : memref<1x128x128xf32, #tpu.memory_space<hbm>> -> memref<128x128xf32, #tpu.memory_space<hbm>>
      tpu.enqueue_dma source(%arg8 : memref<128x128xf32, #tpu.memory_space<vmem>>) target(%dma_start3A_91 : memref<128x128xf32, #tpu.memory_space<hbm>>) target_semaphore(%run_scoped3A : memref<!tpu.dma_semaphore, #tpu.memory_space<semaphore_mem>>)
      %dma_wait3A_92 = arith.constant 0 : i32
      %dma_wait3A_93 = tpu.memref_slice %arg5[%arg0, %add3A_77, %dma_wait3A_92] : memref<2x10240x128xf32, #tpu.memory_space<hbm>> -> memref<1x128x128xf32, #tpu.memory_space<hbm>>
      %dma_wait3A_94 = tpu.memref_squeeze %dma_wait3A_93 : memref<1x128x128xf32, #tpu.memory_space<hbm>> -> memref<128x128xf32, #tpu.memory_space<hbm>>
      %dma_wait3A_95 = arith.constant 0 : i32
      %dma_wait3A_96 = tpu.memref_slice %arg5[%arg0, %add3A_77, %dma_wait3A_95] : memref<2x10240x128xf32, #tpu.memory_space<hbm>> -> memref<1x128x128xf32, #tpu.memory_space<hbm>>
      %dma_wait3A_97 = tpu.memref_squeeze %dma_wait3A_96 : memref<1x128x128xf32, #tpu.memory_space<hbm>> -> memref<128x128xf32, #tpu.memory_space<hbm>>
      tpu.wait_dma2 semaphore(%run_scoped3A : memref<!tpu.dma_semaphore, #tpu.memory_space<semaphore_mem>>) src(%arg8 : memref<128x128xf32, #tpu.memory_space<vmem>>) dst(%dma_wait3A_97 : memref<128x128xf32, #tpu.memory_space<hbm>>)
      tpu.yield
    }) : () -> ()
    %add3A_78 = arith.constant 384 : i32
    %add3A_79 = arith.addi %mul3A_0, %add3A_78 : i32
    "tpu.region"() ({
      %run_scoped3A = tpu.sem_alloc : memref<!tpu.dma_semaphore, #tpu.memory_space<semaphore_mem>>
      %dma_start3A_86 = arith.constant 0 : i32
      %dma_start3A_87 = tpu.memref_slice %arg10[%add3A_79, %dma_start3A_86] : memref<10240x128xf32, #tpu.memory_space<vmem_shared>> -> memref<128x128xf32, #tpu.memory_space<vmem_shared>>
      %dma_start3A_88 = arith.constant 0 : i32
      %dma_start3A_89 = tpu.memref_slice %arg10[%add3A_79, %dma_start3A_88] : memref<10240x128xf32, #tpu.memory_space<vmem_shared>> -> memref<128x128xf32, #tpu.memory_space<vmem_shared>>
      tpu.enqueue_dma source(%dma_start3A_89 : memref<128x128xf32, #tpu.memory_space<vmem_shared>>) target(%arg8 : memref<128x128xf32, #tpu.memory_space<vmem>>) target_semaphore(%run_scoped3A : memref<!tpu.dma_semaphore, #tpu.memory_space<semaphore_mem>>)
      %dma_wait3A_90 = arith.constant 0 : i32
      %dma_wait3A_91 = tpu.memref_slice %arg10[%add3A_79, %dma_wait3A_90] : memref<10240x128xf32, #tpu.memory_space<vmem_shared>> -> memref<128x128xf32, #tpu.memory_space<vmem_shared>>
      %dma_wait3A_92 = arith.constant 0 : i32
      %dma_wait3A_93 = tpu.memref_slice %arg10[%add3A_79, %dma_wait3A_92] : memref<10240x128xf32, #tpu.memory_space<vmem_shared>> -> memref<128x128xf32, #tpu.memory_space<vmem_shared>>
      tpu.wait_dma2 semaphore(%run_scoped3A : memref<!tpu.dma_semaphore, #tpu.memory_space<semaphore_mem>>) src(%dma_wait3A_93 : memref<128x128xf32, #tpu.memory_space<vmem_shared>>) dst(%arg8 : memref<128x128xf32, #tpu.memory_space<vmem>>)
      tpu.yield
    }) : () -> ()
    %add3A_80 = arith.constant 384 : i32
    %add3A_81 = arith.addi %mul3A_0, %add3A_80 : i32
    "tpu.region"() ({
      %run_scoped3A = tpu.sem_alloc : memref<!tpu.dma_semaphore, #tpu.memory_space<semaphore_mem>>
      %dma_start3A_86 = arith.constant 0 : i32
      %dma_start3A_87 = tpu.memref_slice %arg5[%arg0, %add3A_81, %dma_start3A_86] : memref<2x10240x128xf32, #tpu.memory_space<hbm>> -> memref<1x128x128xf32, #tpu.memory_space<hbm>>
      %dma_start3A_88 = tpu.memref_squeeze %dma_start3A_87 : memref<1x128x128xf32, #tpu.memory_space<hbm>> -> memref<128x128xf32, #tpu.memory_space<hbm>>
      %dma_start3A_89 = arith.constant 0 : i32
      %dma_start3A_90 = tpu.memref_slice %arg5[%arg0, %add3A_81, %dma_start3A_89] : memref<2x10240x128xf32, #tpu.memory_space<hbm>> -> memref<1x128x128xf32, #tpu.memory_space<hbm>>
      %dma_start3A_91 = tpu.memref_squeeze %dma_start3A_90 : memref<1x128x128xf32, #tpu.memory_space<hbm>> -> memref<128x128xf32, #tpu.memory_space<hbm>>
      tpu.enqueue_dma source(%arg8 : memref<128x128xf32, #tpu.memory_space<vmem>>) target(%dma_start3A_91 : memref<128x128xf32, #tpu.memory_space<hbm>>) target_semaphore(%run_scoped3A : memref<!tpu.dma_semaphore, #tpu.memory_space<semaphore_mem>>)
      %dma_wait3A_92 = arith.constant 0 : i32
      %dma_wait3A_93 = tpu.memref_slice %arg5[%arg0, %add3A_81, %dma_wait3A_92] : memref<2x10240x128xf32, #tpu.memory_space<hbm>> -> memref<1x128x128xf32, #tpu.memory_space<hbm>>
      %dma_wait3A_94 = tpu.memref_squeeze %dma_wait3A_93 : memref<1x128x128xf32, #tpu.memory_space<hbm>> -> memref<128x128xf32, #tpu.memory_space<hbm>>
      %dma_wait3A_95 = arith.constant 0 : i32
      %dma_wait3A_96 = tpu.memref_slice %arg5[%arg0, %add3A_81, %dma_wait3A_95] : memref<2x10240x128xf32, #tpu.memory_space<hbm>> -> memref<1x128x128xf32, #tpu.memory_space<hbm>>
      %dma_wait3A_97 = tpu.memref_squeeze %dma_wait3A_96 : memref<1x128x128xf32, #tpu.memory_space<hbm>> -> memref<128x128xf32, #tpu.memory_space<hbm>>
      tpu.wait_dma2 semaphore(%run_scoped3A : memref<!tpu.dma_semaphore, #tpu.memory_space<semaphore_mem>>) src(%arg8 : memref<128x128xf32, #tpu.memory_space<vmem>>) dst(%dma_wait3A_97 : memref<128x128xf32, #tpu.memory_space<hbm>>)
      tpu.yield
    }) : () -> ()
    %add3A_82 = arith.constant 512 : i32
    %add3A_83 = arith.addi %mul3A_0, %add3A_82 : i32
    "tpu.region"() ({
      %run_scoped3A = tpu.sem_alloc : memref<!tpu.dma_semaphore, #tpu.memory_space<semaphore_mem>>
      %dma_start3A_86 = arith.constant 0 : i32
      %dma_start3A_87 = tpu.memref_slice %arg10[%add3A_83, %dma_start3A_86] : memref<10240x128xf32, #tpu.memory_space<vmem_shared>> -> memref<128x128xf32, #tpu.memory_space<vmem_shared>>
      %dma_start3A_88 = arith.constant 0 : i32
      %dma_start3A_89 = tpu.memref_slice %arg10[%add3A_83, %dma_start3A_88] : memref<10240x128xf32, #tpu.memory_space<vmem_shared>> -> memref<128x128xf32, #tpu.memory_space<vmem_shared>>
      tpu.enqueue_dma source(%dma_start3A_89 : memref<128x128xf32, #tpu.memory_space<vmem_shared>>) target(%arg8 : memref<128x128xf32, #tpu.memory_space<vmem>>) target_semaphore(%run_scoped3A : memref<!tpu.dma_semaphore, #tpu.memory_space<semaphore_mem>>)
      %dma_wait3A_90 = arith.constant 0 : i32
      %dma_wait3A_91 = tpu.memref_slice %arg10[%add3A_83, %dma_wait3A_90] : memref<10240x128xf32, #tpu.memory_space<vmem_shared>> -> memref<128x128xf32, #tpu.memory_space<vmem_shared>>
      %dma_wait3A_92 = arith.constant 0 : i32
      %dma_wait3A_93 = tpu.memref_slice %arg10[%add3A_83, %dma_wait3A_92] : memref<10240x128xf32, #tpu.memory_space<vmem_shared>> -> memref<128x128xf32, #tpu.memory_space<vmem_shared>>
      tpu.wait_dma2 semaphore(%run_scoped3A : memref<!tpu.dma_semaphore, #tpu.memory_space<semaphore_mem>>) src(%dma_wait3A_93 : memref<128x128xf32, #tpu.memory_space<vmem_shared>>) dst(%arg8 : memref<128x128xf32, #tpu.memory_space<vmem>>)
      tpu.yield
    }) : () -> ()
    %add3A_84 = arith.constant 512 : i32
    %add3A_85 = arith.addi %mul3A_0, %add3A_84 : i32
    "tpu.region"() ({
      %run_scoped3A = tpu.sem_alloc : memref<!tpu.dma_semaphore, #tpu.memory_space<semaphore_mem>>
      %dma_start3A_86 = arith.constant 0 : i32
      %dma_start3A_87 = tpu.memref_slice %arg5[%arg0, %add3A_85, %dma_start3A_86] : memref<2x10240x128xf32, #tpu.memory_space<hbm>> -> memref<1x128x128xf32, #tpu.memory_space<hbm>>
      %dma_start3A_88 = tpu.memref_squeeze %dma_start3A_87 : memref<1x128x128xf32, #tpu.memory_space<hbm>> -> memref<128x128xf32, #tpu.memory_space<hbm>>
      %dma_start3A_89 = arith.constant 0 : i32
      %dma_start3A_90 = tpu.memref_slice %arg5[%arg0, %add3A_85, %dma_start3A_89] : memref<2x10240x128xf32, #tpu.memory_space<hbm>> -> memref<1x128x128xf32, #tpu.memory_space<hbm>>
      %dma_start3A_91 = tpu.memref_squeeze %dma_start3A_90 : memref<1x128x128xf32, #tpu.memory_space<hbm>> -> memref<128x128xf32, #tpu.memory_space<hbm>>
      tpu.enqueue_dma source(%arg8 : memref<128x128xf32, #tpu.memory_space<vmem>>) target(%dma_start3A_91 : memref<128x128xf32, #tpu.memory_space<hbm>>) target_semaphore(%run_scoped3A : memref<!tpu.dma_semaphore, #tpu.memory_space<semaphore_mem>>)
      %dma_wait3A_92 = arith.constant 0 : i32
      %dma_wait3A_93 = tpu.memref_slice %arg5[%arg0, %add3A_85, %dma_wait3A_92] : memref<2x10240x128xf32, #tpu.memory_space<hbm>> -> memref<1x128x128xf32, #tpu.memory_space<hbm>>
      %dma_wait3A_94 = tpu.memref_squeeze %dma_wait3A_93 : memref<1x128x128xf32, #tpu.memory_space<hbm>> -> memref<128x128xf32, #tpu.memory_space<hbm>>
      %dma_wait3A_95 = arith.constant 0 : i32
      %dma_wait3A_96 = tpu.memref_slice %arg5[%arg0, %add3A_85, %dma_wait3A_95] : memref<2x10240x128xf32, #tpu.memory_space<hbm>> -> memref<1x128x128xf32, #tpu.memory_space<hbm>>
      %dma_wait3A_97 = tpu.memref_squeeze %dma_wait3A_96 : memref<1x128x128xf32, #tpu.memory_space<hbm>> -> memref<128x128xf32, #tpu.memory_space<hbm>>
      tpu.wait_dma2 semaphore(%run_scoped3A : memref<!tpu.dma_semaphore, #tpu.memory_space<semaphore_mem>>) src(%arg8 : memref<128x128xf32, #tpu.memory_space<vmem>>) dst(%dma_wait3A_97 : memref<128x128xf32, #tpu.memory_space<hbm>>)
      tpu.yield
    }) : () -> ()
    return
  }
}

#map = affine_map<(d0, d1) -> (0, 0)>
#map1 = affine_map<(d0, d1) -> (0, 0, 0)>
module attributes {stable_mosaic.version = 14 : i64} {
  func.func @_sc_count(%arg0: i32, %arg1: i32, %arg2: memref<2560x128xi32, #tpu.memory_space<hbm>>, %arg3: memref<2x10240x128xf32, #tpu.memory_space<hbm>>, %arg4: memref<80x128xi32, #tpu.memory_space<vmem>>, %arg5: memref<128x128xf32, #tpu.memory_space<vmem>>, %arg6: memref<10240x128xf32, #tpu.memory_space<vmem_shared>>) attributes {dimension_semantics = [#tpu.dimension_semantics<core_parallel>, #tpu.dimension_semantics<subcore_parallel>], iteration_bounds = array<i64: 2, 16>, scalar_prefetch = 0 : i64, scratch_operands = 3 : i64, tpu.core_type = #tpu.core_type<sc_vector_subcore>, window_params = [{transform_indices = #map}, {transform_indices = #map1}]} {
    %mul3A = arith.constant 640 : i32
    %mul3A_0 = arith.muli %arg1, %mul3A : i32
    %scan3A = arith.constant 0 : i32
    %scan3A_1 = arith.constant 0 : i32
    %scan3A_2 = arith.constant 128 : i32
    %scan3A_3 = arith.addi %scan3A_1, %scan3A_2 : i32
    %scan3A_4 = arith.constant 1 : i32
    %scan3A_5 = scf.for %scan3A_56 = %scan3A_1 to %scan3A_3 step %scan3A_4 iter_args(%scan3A_57 = %scan3A) -> (i32)  : i32 {
      %broadcast_in_dim3A = arith.constant 0.000000e+00 : f32
      %broadcast_in_dim3A_58 = vector.broadcast %broadcast_in_dim3A : f32 to vector<16xf32>
      %swap3A = arith.index_cast %scan3A_56 : i32 to index
      %swap3A_59 = arith.constant 0 : index
      %swap3A_60 = tpu.vector_load %arg5[%swap3A, %swap3A_59] {strides = array<i32>} : memref<128x128xf32, #tpu.memory_space<vmem>>, vector<1x16xf32>,
      %swap3A_61 = vector.shape_cast %swap3A_60 : vector<1x16xf32> to vector<16xf32>
      %swap3A_62 = vector.shape_cast %broadcast_in_dim3A_58 : vector<16xf32> to vector<1x16xf32>
      tpu.vector_store %arg5[%swap3A, %swap3A_59], %swap3A_62 {strides = array<i32>} : memref<128x128xf32, #tpu.memory_space<vmem>>, vector<1x16xf32>,
      %broadcast_in_dim3A_63 = arith.constant 0.000000e+00 : f32
      %broadcast_in_dim3A_64 = vector.broadcast %broadcast_in_dim3A_63 : f32 to vector<16xf32>
      %swap3A_65 = arith.index_cast %scan3A_56 : i32 to index
      %swap3A_66 = arith.constant 16 : index
      %swap3A_67 = tpu.vector_load %arg5[%swap3A_65, %swap3A_66] {strides = array<i32>} : memref<128x128xf32, #tpu.memory_space<vmem>>, vector<1x16xf32>,
      %swap3A_68 = vector.shape_cast %swap3A_67 : vector<1x16xf32> to vector<16xf32>
      %swap3A_69 = vector.shape_cast %broadcast_in_dim3A_64 : vector<16xf32> to vector<1x16xf32>
      tpu.vector_store %arg5[%swap3A_65, %swap3A_66], %swap3A_69 {strides = array<i32>} : memref<128x128xf32, #tpu.memory_space<vmem>>, vector<1x16xf32>,
      %broadcast_in_dim3A_70 = arith.constant 0.000000e+00 : f32
      %broadcast_in_dim3A_71 = vector.broadcast %broadcast_in_dim3A_70 : f32 to vector<16xf32>
      %swap3A_72 = arith.index_cast %scan3A_56 : i32 to index
      %swap3A_73 = arith.constant 32 : index
      %swap3A_74 = tpu.vector_load %arg5[%swap3A_72, %swap3A_73] {strides = array<i32>} : memref<128x128xf32, #tpu.memory_space<vmem>>, vector<1x16xf32>,
      %swap3A_75 = vector.shape_cast %swap3A_74 : vector<1x16xf32> to vector<16xf32>
      %swap3A_76 = vector.shape_cast %broadcast_in_dim3A_71 : vector<16xf32> to vector<1x16xf32>
      tpu.vector_store %arg5[%swap3A_72, %swap3A_73], %swap3A_76 {strides = array<i32>} : memref<128x128xf32, #tpu.memory_space<vmem>>, vector<1x16xf32>,
      %broadcast_in_dim3A_77 = arith.constant 0.000000e+00 : f32
      %broadcast_in_dim3A_78 = vector.broadcast %broadcast_in_dim3A_77 : f32 to vector<16xf32>
      %swap3A_79 = arith.index_cast %scan3A_56 : i32 to index
      %swap3A_80 = arith.constant 48 : index
      %swap3A_81 = tpu.vector_load %arg5[%swap3A_79, %swap3A_80] {strides = array<i32>} : memref<128x128xf32, #tpu.memory_space<vmem>>, vector<1x16xf32>,
      %swap3A_82 = vector.shape_cast %swap3A_81 : vector<1x16xf32> to vector<16xf32>
      %swap3A_83 = vector.shape_cast %broadcast_in_dim3A_78 : vector<16xf32> to vector<1x16xf32>
      tpu.vector_store %arg5[%swap3A_79, %swap3A_80], %swap3A_83 {strides = array<i32>} : memref<128x128xf32, #tpu.memory_space<vmem>>, vector<1x16xf32>,
      %broadcast_in_dim3A_84 = arith.constant 0.000000e+00 : f32
      %broadcast_in_dim3A_85 = vector.broadcast %broadcast_in_dim3A_84 : f32 to vector<16xf32>
      %swap3A_86 = arith.index_cast %scan3A_56 : i32 to index
      %swap3A_87 = arith.constant 64 : index
      %swap3A_88 = tpu.vector_load %arg5[%swap3A_86, %swap3A_87] {strides = array<i32>} : memref<128x128xf32, #tpu.memory_space<vmem>>, vector<1x16xf32>,
      %swap3A_89 = vector.shape_cast %swap3A_88 : vector<1x16xf32> to vector<16xf32>
      %swap3A_90 = vector.shape_cast %broadcast_in_dim3A_85 : vector<16xf32> to vector<1x16xf32>
      tpu.vector_store %arg5[%swap3A_86, %swap3A_87], %swap3A_90 {strides = array<i32>} : memref<128x128xf32, #tpu.memory_space<vmem>>, vector<1x16xf32>,
      %broadcast_in_dim3A_91 = arith.constant 0.000000e+00 : f32
      %broadcast_in_dim3A_92 = vector.broadcast %broadcast_in_dim3A_91 : f32 to vector<16xf32>
      %swap3A_93 = arith.index_cast %scan3A_56 : i32 to index
      %swap3A_94 = arith.constant 80 : index
      %swap3A_95 = tpu.vector_load %arg5[%swap3A_93, %swap3A_94] {strides = array<i32>} : memref<128x128xf32, #tpu.memory_space<vmem>>, vector<1x16xf32>,
      %swap3A_96 = vector.shape_cast %swap3A_95 : vector<1x16xf32> to vector<16xf32>
      %swap3A_97 = vector.shape_cast %broadcast_in_dim3A_92 : vector<16xf32> to vector<1x16xf32>
      tpu.vector_store %arg5[%swap3A_93, %swap3A_94], %swap3A_97 {strides = array<i32>} : memref<128x128xf32, #tpu.memory_space<vmem>>, vector<1x16xf32>,
      %broadcast_in_dim3A_98 = arith.constant 0.000000e+00 : f32
      %broadcast_in_dim3A_99 = vector.broadcast %broadcast_in_dim3A_98 : f32 to vector<16xf32>
      %swap3A_100 = arith.index_cast %scan3A_56 : i32 to index
      %swap3A_101 = arith.constant 96 : index
      %swap3A_102 = tpu.vector_load %arg5[%swap3A_100, %swap3A_101] {strides = array<i32>} : memref<128x128xf32, #tpu.memory_space<vmem>>, vector<1x16xf32>,
      %swap3A_103 = vector.shape_cast %swap3A_102 : vector<1x16xf32> to vector<16xf32>
      %swap3A_104 = vector.shape_cast %broadcast_in_dim3A_99 : vector<16xf32> to vector<1x16xf32>
      tpu.vector_store %arg5[%swap3A_100, %swap3A_101], %swap3A_104 {strides = array<i32>} : memref<128x128xf32, #tpu.memory_space<vmem>>, vector<1x16xf32>,
      %broadcast_in_dim3A_105 = arith.constant 0.000000e+00 : f32
      %broadcast_in_dim3A_106 = vector.broadcast %broadcast_in_dim3A_105 : f32 to vector<16xf32>
      %swap3A_107 = arith.index_cast %scan3A_56 : i32 to index
      %swap3A_108 = arith.constant 112 : index
      %swap3A_109 = tpu.vector_load %arg5[%swap3A_107, %swap3A_108] {strides = array<i32>} : memref<128x128xf32, #tpu.memory_space<vmem>>, vector<1x16xf32>,
      %swap3A_110 = vector.shape_cast %swap3A_109 : vector<1x16xf32> to vector<16xf32>
      %swap3A_111 = vector.shape_cast %broadcast_in_dim3A_106 : vector<16xf32> to vector<1x16xf32>
      tpu.vector_store %arg5[%swap3A_107, %swap3A_108], %swap3A_111 {strides = array<i32>} : memref<128x128xf32, #tpu.memory_space<vmem>>, vector<1x16xf32>,
      %scan3A_112 = arith.constant 0 : i32
      scf.yield %scan3A_112 : i32
    }
    %scan3A_6 = arith.constant 128 : i32
    %add3A = arith.constant 0 : i32
    %add3A_7 = arith.addi %mul3A_0, %add3A : i32
    "tpu.region"() ({
      %run_scoped3A = tpu.sem_alloc : memref<!tpu.dma_semaphore, #tpu.memory_space<semaphore_mem>>
      %dma_start3A = arith.constant 0 : i32
      %dma_start3A_56 = tpu.memref_slice %arg6[%add3A_7, %dma_start3A] : memref<10240x128xf32, #tpu.memory_space<vmem_shared>> -> memref<128x128xf32, #tpu.memory_space<vmem_shared>>
      %dma_start3A_57 = arith.constant 0 : i32
      %dma_start3A_58 = tpu.memref_slice %arg6[%add3A_7, %dma_start3A_57] : memref<10240x128xf32, #tpu.memory_space<vmem_shared>> -> memref<128x128xf32, #tpu.memory_space<vmem_shared>>
      tpu.enqueue_dma source(%arg5 : memref<128x128xf32, #tpu.memory_space<vmem>>) target(%dma_start3A_58 : memref<128x128xf32, #tpu.memory_space<vmem_shared>>) target_semaphore(%run_scoped3A : memref<!tpu.dma_semaphore, #tpu.memory_space<semaphore_mem>>)
      %dma_wait3A = arith.constant 0 : i32
      %dma_wait3A_59 = tpu.memref_slice %arg6[%add3A_7, %dma_wait3A] : memref<10240x128xf32, #tpu.memory_space<vmem_shared>> -> memref<128x128xf32, #tpu.memory_space<vmem_shared>>
      %dma_wait3A_60 = arith.constant 0 : i32
      %dma_wait3A_61 = tpu.memref_slice %arg6[%add3A_7, %dma_wait3A_60] : memref<10240x128xf32, #tpu.memory_space<vmem_shared>> -> memref<128x128xf32, #tpu.memory_space<vmem_shared>>
      tpu.wait_dma2 semaphore(%run_scoped3A : memref<!tpu.dma_semaphore, #tpu.memory_space<semaphore_mem>>) src(%arg5 : memref<128x128xf32, #tpu.memory_space<vmem>>) dst(%dma_wait3A_61 : memref<128x128xf32, #tpu.memory_space<vmem_shared>>)
      tpu.yield
    }) : () -> ()
    %add3A_8 = arith.constant 128 : i32
    %add3A_9 = arith.addi %mul3A_0, %add3A_8 : i32
    "tpu.region"() ({
      %run_scoped3A = tpu.sem_alloc : memref<!tpu.dma_semaphore, #tpu.memory_space<semaphore_mem>>
      %dma_start3A = arith.constant 0 : i32
      %dma_start3A_56 = tpu.memref_slice %arg6[%add3A_9, %dma_start3A] : memref<10240x128xf32, #tpu.memory_space<vmem_shared>> -> memref<128x128xf32, #tpu.memory_space<vmem_shared>>
      %dma_start3A_57 = arith.constant 0 : i32
      %dma_start3A_58 = tpu.memref_slice %arg6[%add3A_9, %dma_start3A_57] : memref<10240x128xf32, #tpu.memory_space<vmem_shared>> -> memref<128x128xf32, #tpu.memory_space<vmem_shared>>
      tpu.enqueue_dma source(%arg5 : memref<128x128xf32, #tpu.memory_space<vmem>>) target(%dma_start3A_58 : memref<128x128xf32, #tpu.memory_space<vmem_shared>>) target_semaphore(%run_scoped3A : memref<!tpu.dma_semaphore, #tpu.memory_space<semaphore_mem>>)
      %dma_wait3A = arith.constant 0 : i32
      %dma_wait3A_59 = tpu.memref_slice %arg6[%add3A_9, %dma_wait3A] : memref<10240x128xf32, #tpu.memory_space<vmem_shared>> -> memref<128x128xf32, #tpu.memory_space<vmem_shared>>
      %dma_wait3A_60 = arith.constant 0 : i32
      %dma_wait3A_61 = tpu.memref_slice %arg6[%add3A_9, %dma_wait3A_60] : memref<10240x128xf32, #tpu.memory_space<vmem_shared>> -> memref<128x128xf32, #tpu.memory_space<vmem_shared>>
      tpu.wait_dma2 semaphore(%run_scoped3A : memref<!tpu.dma_semaphore, #tpu.memory_space<semaphore_mem>>) src(%arg5 : memref<128x128xf32, #tpu.memory_space<vmem>>) dst(%dma_wait3A_61 : memref<128x128xf32, #tpu.memory_space<vmem_shared>>)
      tpu.yield
    }) : () -> ()
    %add3A_10 = arith.constant 256 : i32
    %add3A_11 = arith.addi %mul3A_0, %add3A_10 : i32
    "tpu.region"() ({
      %run_scoped3A = tpu.sem_alloc : memref<!tpu.dma_semaphore, #tpu.memory_space<semaphore_mem>>
      %dma_start3A = arith.constant 0 : i32
      %dma_start3A_56 = tpu.memref_slice %arg6[%add3A_11, %dma_start3A] : memref<10240x128xf32, #tpu.memory_space<vmem_shared>> -> memref<128x128xf32, #tpu.memory_space<vmem_shared>>
      %dma_start3A_57 = arith.constant 0 : i32
      %dma_start3A_58 = tpu.memref_slice %arg6[%add3A_11, %dma_start3A_57] : memref<10240x128xf32, #tpu.memory_space<vmem_shared>> -> memref<128x128xf32, #tpu.memory_space<vmem_shared>>
      tpu.enqueue_dma source(%arg5 : memref<128x128xf32, #tpu.memory_space<vmem>>) target(%dma_start3A_58 : memref<128x128xf32, #tpu.memory_space<vmem_shared>>) target_semaphore(%run_scoped3A : memref<!tpu.dma_semaphore, #tpu.memory_space<semaphore_mem>>)
      %dma_wait3A = arith.constant 0 : i32
      %dma_wait3A_59 = tpu.memref_slice %arg6[%add3A_11, %dma_wait3A] : memref<10240x128xf32, #tpu.memory_space<vmem_shared>> -> memref<128x128xf32, #tpu.memory_space<vmem_shared>>
      %dma_wait3A_60 = arith.constant 0 : i32
      %dma_wait3A_61 = tpu.memref_slice %arg6[%add3A_11, %dma_wait3A_60] : memref<10240x128xf32, #tpu.memory_space<vmem_shared>> -> memref<128x128xf32, #tpu.memory_space<vmem_shared>>
      tpu.wait_dma2 semaphore(%run_scoped3A : memref<!tpu.dma_semaphore, #tpu.memory_space<semaphore_mem>>) src(%arg5 : memref<128x128xf32, #tpu.memory_space<vmem>>) dst(%dma_wait3A_61 : memref<128x128xf32, #tpu.memory_space<vmem_shared>>)
      tpu.yield
    }) : () -> ()
    %add3A_12 = arith.constant 384 : i32
    %add3A_13 = arith.addi %mul3A_0, %add3A_12 : i32
    "tpu.region"() ({
      %run_scoped3A = tpu.sem_alloc : memref<!tpu.dma_semaphore, #tpu.memory_space<semaphore_mem>>
      %dma_start3A = arith.constant 0 : i32
      %dma_start3A_56 = tpu.memref_slice %arg6[%add3A_13, %dma_start3A] : memref<10240x128xf32, #tpu.memory_space<vmem_shared>> -> memref<128x128xf32, #tpu.memory_space<vmem_shared>>
      %dma_start3A_57 = arith.constant 0 : i32
      %dma_start3A_58 = tpu.memref_slice %arg6[%add3A_13, %dma_start3A_57] : memref<10240x128xf32, #tpu.memory_space<vmem_shared>> -> memref<128x128xf32, #tpu.memory_space<vmem_shared>>
      tpu.enqueue_dma source(%arg5 : memref<128x128xf32, #tpu.memory_space<vmem>>) target(%dma_start3A_58 : memref<128x128xf32, #tpu.memory_space<vmem_shared>>) target_semaphore(%run_scoped3A : memref<!tpu.dma_semaphore, #tpu.memory_space<semaphore_mem>>)
      %dma_wait3A = arith.constant 0 : i32
      %dma_wait3A_59 = tpu.memref_slice %arg6[%add3A_13, %dma_wait3A] : memref<10240x128xf32, #tpu.memory_space<vmem_shared>> -> memref<128x128xf32, #tpu.memory_space<vmem_shared>>
      %dma_wait3A_60 = arith.constant 0 : i32
      %dma_wait3A_61 = tpu.memref_slice %arg6[%add3A_13, %dma_wait3A_60] : memref<10240x128xf32, #tpu.memory_space<vmem_shared>> -> memref<128x128xf32, #tpu.memory_space<vmem_shared>>
      tpu.wait_dma2 semaphore(%run_scoped3A : memref<!tpu.dma_semaphore, #tpu.memory_space<semaphore_mem>>) src(%arg5 : memref<128x128xf32, #tpu.memory_space<vmem>>) dst(%dma_wait3A_61 : memref<128x128xf32, #tpu.memory_space<vmem_shared>>)
      tpu.yield
    }) : () -> ()
    %add3A_14 = arith.constant 512 : i32
    %add3A_15 = arith.addi %mul3A_0, %add3A_14 : i32
    "tpu.region"() ({
      %run_scoped3A = tpu.sem_alloc : memref<!tpu.dma_semaphore, #tpu.memory_space<semaphore_mem>>
      %dma_start3A = arith.constant 0 : i32
      %dma_start3A_56 = tpu.memref_slice %arg6[%add3A_15, %dma_start3A] : memref<10240x128xf32, #tpu.memory_space<vmem_shared>> -> memref<128x128xf32, #tpu.memory_space<vmem_shared>>
      %dma_start3A_57 = arith.constant 0 : i32
      %dma_start3A_58 = tpu.memref_slice %arg6[%add3A_15, %dma_start3A_57] : memref<10240x128xf32, #tpu.memory_space<vmem_shared>> -> memref<128x128xf32, #tpu.memory_space<vmem_shared>>
      tpu.enqueue_dma source(%arg5 : memref<128x128xf32, #tpu.memory_space<vmem>>) target(%dma_start3A_58 : memref<128x128xf32, #tpu.memory_space<vmem_shared>>) target_semaphore(%run_scoped3A : memref<!tpu.dma_semaphore, #tpu.memory_space<semaphore_mem>>)
      %dma_wait3A = arith.constant 0 : i32
      %dma_wait3A_59 = tpu.memref_slice %arg6[%add3A_15, %dma_wait3A] : memref<10240x128xf32, #tpu.memory_space<vmem_shared>> -> memref<128x128xf32, #tpu.memory_space<vmem_shared>>
      %dma_wait3A_60 = arith.constant 0 : i32
      %dma_wait3A_61 = tpu.memref_slice %arg6[%add3A_15, %dma_wait3A_60] : memref<10240x128xf32, #tpu.memory_space<vmem_shared>> -> memref<128x128xf32, #tpu.memory_space<vmem_shared>>
      tpu.wait_dma2 semaphore(%run_scoped3A : memref<!tpu.dma_semaphore, #tpu.memory_space<semaphore_mem>>) src(%arg5 : memref<128x128xf32, #tpu.memory_space<vmem>>) dst(%dma_wait3A_61 : memref<128x128xf32, #tpu.memory_space<vmem_shared>>)
      tpu.yield
    }) : () -> ()
    %scan3A_16 = arith.constant 0 : i32
    %scan3A_17 = arith.constant 0 : i32
    %scan3A_18 = arith.constant 128 : i32
    %scan3A_19 = arith.addi %scan3A_17, %scan3A_18 : i32
    %scan3A_20 = arith.constant 1 : i32
    %scan3A_21 = scf.for %scan3A_56 = %scan3A_17 to %scan3A_19 step %scan3A_20 iter_args(%scan3A_57 = %scan3A_16) -> (i32)  : i32 {
      %broadcast_in_dim3A = arith.constant 1.000000e+00 : f32
      %broadcast_in_dim3A_58 = vector.broadcast %broadcast_in_dim3A : f32 to vector<16xf32>
      %swap3A = arith.index_cast %scan3A_56 : i32 to index
      %swap3A_59 = arith.constant 0 : index
      %swap3A_60 = tpu.vector_load %arg5[%swap3A, %swap3A_59] {strides = array<i32>} : memref<128x128xf32, #tpu.memory_space<vmem>>, vector<1x16xf32>,
      %swap3A_61 = vector.shape_cast %swap3A_60 : vector<1x16xf32> to vector<16xf32>
      %swap3A_62 = vector.shape_cast %broadcast_in_dim3A_58 : vector<16xf32> to vector<1x16xf32>
      tpu.vector_store %arg5[%swap3A, %swap3A_59], %swap3A_62 {strides = array<i32>} : memref<128x128xf32, #tpu.memory_space<vmem>>, vector<1x16xf32>,
      %broadcast_in_dim3A_63 = arith.constant 1.000000e+00 : f32
      %broadcast_in_dim3A_64 = vector.broadcast %broadcast_in_dim3A_63 : f32 to vector<16xf32>
      %swap3A_65 = arith.index_cast %scan3A_56 : i32 to index
      %swap3A_66 = arith.constant 16 : index
      %swap3A_67 = tpu.vector_load %arg5[%swap3A_65, %swap3A_66] {strides = array<i32>} : memref<128x128xf32, #tpu.memory_space<vmem>>, vector<1x16xf32>,
      %swap3A_68 = vector.shape_cast %swap3A_67 : vector<1x16xf32> to vector<16xf32>
      %swap3A_69 = vector.shape_cast %broadcast_in_dim3A_64 : vector<16xf32> to vector<1x16xf32>
      tpu.vector_store %arg5[%swap3A_65, %swap3A_66], %swap3A_69 {strides = array<i32>} : memref<128x128xf32, #tpu.memory_space<vmem>>, vector<1x16xf32>,
      %broadcast_in_dim3A_70 = arith.constant 1.000000e+00 : f32
      %broadcast_in_dim3A_71 = vector.broadcast %broadcast_in_dim3A_70 : f32 to vector<16xf32>
      %swap3A_72 = arith.index_cast %scan3A_56 : i32 to index
      %swap3A_73 = arith.constant 32 : index
      %swap3A_74 = tpu.vector_load %arg5[%swap3A_72, %swap3A_73] {strides = array<i32>} : memref<128x128xf32, #tpu.memory_space<vmem>>, vector<1x16xf32>,
      %swap3A_75 = vector.shape_cast %swap3A_74 : vector<1x16xf32> to vector<16xf32>
      %swap3A_76 = vector.shape_cast %broadcast_in_dim3A_71 : vector<16xf32> to vector<1x16xf32>
      tpu.vector_store %arg5[%swap3A_72, %swap3A_73], %swap3A_76 {strides = array<i32>} : memref<128x128xf32, #tpu.memory_space<vmem>>, vector<1x16xf32>,
      %broadcast_in_dim3A_77 = arith.constant 1.000000e+00 : f32
      %broadcast_in_dim3A_78 = vector.broadcast %broadcast_in_dim3A_77 : f32 to vector<16xf32>
      %swap3A_79 = arith.index_cast %scan3A_56 : i32 to index
      %swap3A_80 = arith.constant 48 : index
      %swap3A_81 = tpu.vector_load %arg5[%swap3A_79, %swap3A_80] {strides = array<i32>} : memref<128x128xf32, #tpu.memory_space<vmem>>, vector<1x16xf32>,
      %swap3A_82 = vector.shape_cast %swap3A_81 : vector<1x16xf32> to vector<16xf32>
      %swap3A_83 = vector.shape_cast %broadcast_in_dim3A_78 : vector<16xf32> to vector<1x16xf32>
      tpu.vector_store %arg5[%swap3A_79, %swap3A_80], %swap3A_83 {strides = array<i32>} : memref<128x128xf32, #tpu.memory_space<vmem>>, vector<1x16xf32>,
      %broadcast_in_dim3A_84 = arith.constant 1.000000e+00 : f32
      %broadcast_in_dim3A_85 = vector.broadcast %broadcast_in_dim3A_84 : f32 to vector<16xf32>
      %swap3A_86 = arith.index_cast %scan3A_56 : i32 to index
      %swap3A_87 = arith.constant 64 : index
      %swap3A_88 = tpu.vector_load %arg5[%swap3A_86, %swap3A_87] {strides = array<i32>} : memref<128x128xf32, #tpu.memory_space<vmem>>, vector<1x16xf32>,
      %swap3A_89 = vector.shape_cast %swap3A_88 : vector<1x16xf32> to vector<16xf32>
      %swap3A_90 = vector.shape_cast %broadcast_in_dim3A_85 : vector<16xf32> to vector<1x16xf32>
      tpu.vector_store %arg5[%swap3A_86, %swap3A_87], %swap3A_90 {strides = array<i32>} : memref<128x128xf32, #tpu.memory_space<vmem>>, vector<1x16xf32>,
      %broadcast_in_dim3A_91 = arith.constant 1.000000e+00 : f32
      %broadcast_in_dim3A_92 = vector.broadcast %broadcast_in_dim3A_91 : f32 to vector<16xf32>
      %swap3A_93 = arith.index_cast %scan3A_56 : i32 to index
      %swap3A_94 = arith.constant 80 : index
      %swap3A_95 = tpu.vector_load %arg5[%swap3A_93, %swap3A_94] {strides = array<i32>} : memref<128x128xf32, #tpu.memory_space<vmem>>, vector<1x16xf32>,
      %swap3A_96 = vector.shape_cast %swap3A_95 : vector<1x16xf32> to vector<16xf32>
      %swap3A_97 = vector.shape_cast %broadcast_in_dim3A_92 : vector<16xf32> to vector<1x16xf32>
      tpu.vector_store %arg5[%swap3A_93, %swap3A_94], %swap3A_97 {strides = array<i32>} : memref<128x128xf32, #tpu.memory_space<vmem>>, vector<1x16xf32>,
      %broadcast_in_dim3A_98 = arith.constant 1.000000e+00 : f32
      %broadcast_in_dim3A_99 = vector.broadcast %broadcast_in_dim3A_98 : f32 to vector<16xf32>
      %swap3A_100 = arith.index_cast %scan3A_56 : i32 to index
      %swap3A_101 = arith.constant 96 : index
      %swap3A_102 = tpu.vector_load %arg5[%swap3A_100, %swap3A_101] {strides = array<i32>} : memref<128x128xf32, #tpu.memory_space<vmem>>, vector<1x16xf32>,
      %swap3A_103 = vector.shape_cast %swap3A_102 : vector<1x16xf32> to vector<16xf32>
      %swap3A_104 = vector.shape_cast %broadcast_in_dim3A_99 : vector<16xf32> to vector<1x16xf32>
      tpu.vector_store %arg5[%swap3A_100, %swap3A_101], %swap3A_104 {strides = array<i32>} : memref<128x128xf32, #tpu.memory_space<vmem>>, vector<1x16xf32>,
      %broadcast_in_dim3A_105 = arith.constant 1.000000e+00 : f32
      %broadcast_in_dim3A_106 = vector.broadcast %broadcast_in_dim3A_105 : f32 to vector<16xf32>
      %swap3A_107 = arith.index_cast %scan3A_56 : i32 to index
      %swap3A_108 = arith.constant 112 : index
      %swap3A_109 = tpu.vector_load %arg5[%swap3A_107, %swap3A_108] {strides = array<i32>} : memref<128x128xf32, #tpu.memory_space<vmem>>, vector<1x16xf32>,
      %swap3A_110 = vector.shape_cast %swap3A_109 : vector<1x16xf32> to vector<16xf32>
      %swap3A_111 = vector.shape_cast %broadcast_in_dim3A_106 : vector<16xf32> to vector<1x16xf32>
      tpu.vector_store %arg5[%swap3A_107, %swap3A_108], %swap3A_111 {strides = array<i32>} : memref<128x128xf32, #tpu.memory_space<vmem>>, vector<1x16xf32>,
      %scan3A_112 = arith.constant 0 : i32
      scf.yield %scan3A_112 : i32
    }
    %scan3A_22 = arith.constant 128 : i32
    %mul3A_23 = arith.constant 16 : i32
    %mul3A_24 = arith.muli %arg0, %mul3A_23 : i32
    %add3A_25 = arith.addi %mul3A_24, %arg1 : i32
    %mul3A_26 = arith.constant 80 : i32
    %mul3A_27 = arith.muli %add3A_25, %mul3A_26 : i32
    "tpu.region"() ({
      %run_scoped3A = tpu.sem_alloc : memref<!tpu.dma_semaphore, #tpu.memory_space<semaphore_mem>>
      %dma_start3A = arith.constant 0 : i32
      %dma_start3A_56 = tpu.memref_slice %arg2[%mul3A_27, %dma_start3A] : memref<2560x128xi32, #tpu.memory_space<hbm>> -> memref<80x128xi32, #tpu.memory_space<hbm>>
      %dma_start3A_57 = arith.constant 0 : i32
      %dma_start3A_58 = tpu.memref_slice %arg2[%mul3A_27, %dma_start3A_57] : memref<2560x128xi32, #tpu.memory_space<hbm>> -> memref<80x128xi32, #tpu.memory_space<hbm>>
      tpu.enqueue_dma source(%dma_start3A_58 : memref<80x128xi32, #tpu.memory_space<hbm>>) target(%arg4 : memref<80x128xi32, #tpu.memory_space<vmem>>) target_semaphore(%run_scoped3A : memref<!tpu.dma_semaphore, #tpu.memory_space<semaphore_mem>>)
      %dma_wait3A = arith.constant 0 : i32
      %dma_wait3A_59 = tpu.memref_slice %arg2[%mul3A_27, %dma_wait3A] : memref<2560x128xi32, #tpu.memory_space<hbm>> -> memref<80x128xi32, #tpu.memory_space<hbm>>
      %dma_wait3A_60 = arith.constant 0 : i32
      %dma_wait3A_61 = tpu.memref_slice %arg2[%mul3A_27, %dma_wait3A_60] : memref<2560x128xi32, #tpu.memory_space<hbm>> -> memref<80x128xi32, #tpu.memory_space<hbm>>
      tpu.wait_dma2 semaphore(%run_scoped3A : memref<!tpu.dma_semaphore, #tpu.memory_space<semaphore_mem>>) src(%dma_wait3A_61 : memref<80x128xi32, #tpu.memory_space<hbm>>) dst(%arg4 : memref<80x128xi32, #tpu.memory_space<vmem>>)
      tpu.yield
    }) : () -> ()
    %barrier3A = arith.constant 0 : index
    tpu.barrier barrier_id(%barrier3A)
    %scan3A_28 = arith.constant 0 : i32
    %scan3A_29 = arith.constant 0 : i32
    %scan3A_30 = arith.constant 80 : i32
    %scan3A_31 = arith.addi %scan3A_29, %scan3A_30 : i32
    %scan3A_32 = arith.constant 1 : i32
    %scan3A_33 = scf.for %scan3A_56 = %scan3A_29 to %scan3A_31 step %scan3A_32 iter_args(%scan3A_57 = %scan3A_28) -> (i32)  : i32 {
      "tpu.region"() ({
        %run_scoped3A = tpu.sem_alloc : memref<!tpu.dma_semaphore, #tpu.memory_space<semaphore_mem>>
        %dma_start3A = arith.constant 0 : i32
        %dma_start3A_59 = tpu.memref_slice %arg4[%scan3A_56, %dma_start3A] : memref<80x128xi32, #tpu.memory_space<vmem>> -> memref<1x128xi32, #tpu.memory_space<vmem>>
        %dma_start3A_60 = tpu.memref_squeeze %dma_start3A_59 : memref<1x128xi32, #tpu.memory_space<vmem>> -> memref<128xi32, #tpu.memory_space<vmem>>
        %dma_start3A_61 = arith.constant 0 : i32
        %dma_start3A_62 = arith.constant 0 : i32
        %dma_start3A_63 = tpu.memref_slice %arg6[%dma_start3A_61, %dma_start3A_62] : memref<10240x128xf32, #tpu.memory_space<vmem_shared>> -> memref<10240x128xf32, #tpu.memory_space<vmem_shared>>
        tpu.enqueue_indirect_dma source(%arg5 : memref<128x128xf32, #tpu.memory_space<vmem>>) target(%dma_start3A_63 : memref<10240x128xf32, #tpu.memory_space<vmem_shared>>) offsets(%dma_start3A_60 : memref<128xi32, #tpu.memory_space<vmem>>) semaphore(%run_scoped3A : memref<!tpu.dma_semaphore, #tpu.memory_space<semaphore_mem>>) {add = true}
        %dma_wait3A = arith.constant 0 : i32
        %dma_wait3A_64 = tpu.memref_slice %arg4[%scan3A_56, %dma_wait3A] : memref<80x128xi32, #tpu.memory_space<vmem>> -> memref<1x128xi32, #tpu.memory_space<vmem>>
        %dma_wait3A_65 = tpu.memref_squeeze %dma_wait3A_64 : memref<1x128xi32, #tpu.memory_space<vmem>> -> memref<128xi32, #tpu.memory_space<vmem>>
        %dma_wait3A_66 = arith.constant 0 : i32
        %dma_wait3A_67 = arith.constant 0 : i32
        %dma_wait3A_68 = tpu.memref_slice %arg6[%dma_wait3A_66, %dma_wait3A_67] : memref<10240x128xf32, #tpu.memory_space<vmem_shared>> -> memref<10240x128xf32, #tpu.memory_space<vmem_shared>>
        tpu.wait_indirect_dma semaphore(%run_scoped3A : memref<!tpu.dma_semaphore, #tpu.memory_space<semaphore_mem>>) src(%arg5 : memref<128x128xf32, #tpu.memory_space<vmem>>) dst(%dma_wait3A_68 : memref<10240x128xf32, #tpu.memory_space<vmem_shared>>)
        tpu.yield
      }) : () -> ()
      %scan3A_58 = arith.constant 0 : i32
      scf.yield %scan3A_58 : i32
    }
    %scan3A_34 = arith.constant 80 : i32
    %barrier3A_35 = arith.constant 0 : index
    tpu.barrier barrier_id(%barrier3A_35)
    %add3A_36 = arith.constant 0 : i32
    %add3A_37 = arith.addi %mul3A_0, %add3A_36 : i32
    "tpu.region"() ({
      %run_scoped3A = tpu.sem_alloc : memref<!tpu.dma_semaphore, #tpu.memory_space<semaphore_mem>>
      %dma_start3A = arith.constant 0 : i32
      %dma_start3A_56 = tpu.memref_slice %arg6[%add3A_37, %dma_start3A] : memref<10240x128xf32, #tpu.memory_space<vmem_shared>> -> memref<128x128xf32, #tpu.memory_space<vmem_shared>>
      %dma_start3A_57 = arith.constant 0 : i32
      %dma_start3A_58 = tpu.memref_slice %arg6[%add3A_37, %dma_start3A_57] : memref<10240x128xf32, #tpu.memory_space<vmem_shared>> -> memref<128x128xf32, #tpu.memory_space<vmem_shared>>
      tpu.enqueue_dma source(%dma_start3A_58 : memref<128x128xf32, #tpu.memory_space<vmem_shared>>) target(%arg5 : memref<128x128xf32, #tpu.memory_space<vmem>>) target_semaphore(%run_scoped3A : memref<!tpu.dma_semaphore, #tpu.memory_space<semaphore_mem>>)
      %dma_wait3A = arith.constant 0 : i32
      %dma_wait3A_59 = tpu.memref_slice %arg6[%add3A_37, %dma_wait3A] : memref<10240x128xf32, #tpu.memory_space<vmem_shared>> -> memref<128x128xf32, #tpu.memory_space<vmem_shared>>
      %dma_wait3A_60 = arith.constant 0 : i32
      %dma_wait3A_61 = tpu.memref_slice %arg6[%add3A_37, %dma_wait3A_60] : memref<10240x128xf32, #tpu.memory_space<vmem_shared>> -> memref<128x128xf32, #tpu.memory_space<vmem_shared>>
      tpu.wait_dma2 semaphore(%run_scoped3A : memref<!tpu.dma_semaphore, #tpu.memory_space<semaphore_mem>>) src(%dma_wait3A_61 : memref<128x128xf32, #tpu.memory_space<vmem_shared>>) dst(%arg5 : memref<128x128xf32, #tpu.memory_space<vmem>>)
      tpu.yield
    }) : () -> ()
    %add3A_38 = arith.constant 0 : i32
    %add3A_39 = arith.addi %mul3A_0, %add3A_38 : i32
    "tpu.region"() ({
      %run_scoped3A = tpu.sem_alloc : memref<!tpu.dma_semaphore, #tpu.memory_space<semaphore_mem>>
      %dma_start3A = arith.constant 0 : i32
      %dma_start3A_56 = tpu.memref_slice %arg3[%arg0, %add3A_39, %dma_start3A] : memref<2x10240x128xf32, #tpu.memory_space<hbm>> -> memref<1x128x128xf32, #tpu.memory_space<hbm>>
      %dma_start3A_57 = tpu.memref_squeeze %dma_start3A_56 : memref<1x128x128xf32, #tpu.memory_space<hbm>> -> memref<128x128xf32, #tpu.memory_space<hbm>>
      %dma_start3A_58 = arith.constant 0 : i32
      %dma_start3A_59 = tpu.memref_slice %arg3[%arg0, %add3A_39, %dma_start3A_58] : memref<2x10240x128xf32, #tpu.memory_space<hbm>> -> memref<1x128x128xf32, #tpu.memory_space<hbm>>
      %dma_start3A_60 = tpu.memref_squeeze %dma_start3A_59 : memref<1x128x128xf32, #tpu.memory_space<hbm>> -> memref<128x128xf32, #tpu.memory_space<hbm>>
      tpu.enqueue_dma source(%arg5 : memref<128x128xf32, #tpu.memory_space<vmem>>) target(%dma_start3A_60 : memref<128x128xf32, #tpu.memory_space<hbm>>) target_semaphore(%run_scoped3A : memref<!tpu.dma_semaphore, #tpu.memory_space<semaphore_mem>>)
      %dma_wait3A = arith.constant 0 : i32
      %dma_wait3A_61 = tpu.memref_slice %arg3[%arg0, %add3A_39, %dma_wait3A] : memref<2x10240x128xf32, #tpu.memory_space<hbm>> -> memref<1x128x128xf32, #tpu.memory_space<hbm>>
      %dma_wait3A_62 = tpu.memref_squeeze %dma_wait3A_61 : memref<1x128x128xf32, #tpu.memory_space<hbm>> -> memref<128x128xf32, #tpu.memory_space<hbm>>
      %dma_wait3A_63 = arith.constant 0 : i32
      %dma_wait3A_64 = tpu.memref_slice %arg3[%arg0, %add3A_39, %dma_wait3A_63] : memref<2x10240x128xf32, #tpu.memory_space<hbm>> -> memref<1x128x128xf32, #tpu.memory_space<hbm>>
      %dma_wait3A_65 = tpu.memref_squeeze %dma_wait3A_64 : memref<1x128x128xf32, #tpu.memory_space<hbm>> -> memref<128x128xf32, #tpu.memory_space<hbm>>
      tpu.wait_dma2 semaphore(%run_scoped3A : memref<!tpu.dma_semaphore, #tpu.memory_space<semaphore_mem>>) src(%arg5 : memref<128x128xf32, #tpu.memory_space<vmem>>) dst(%dma_wait3A_65 : memref<128x128xf32, #tpu.memory_space<hbm>>)
      tpu.yield
    }) : () -> ()
    %add3A_40 = arith.constant 128 : i32
    %add3A_41 = arith.addi %mul3A_0, %add3A_40 : i32
    "tpu.region"() ({
      %run_scoped3A = tpu.sem_alloc : memref<!tpu.dma_semaphore, #tpu.memory_space<semaphore_mem>>
      %dma_start3A = arith.constant 0 : i32
      %dma_start3A_56 = tpu.memref_slice %arg6[%add3A_41, %dma_start3A] : memref<10240x128xf32, #tpu.memory_space<vmem_shared>> -> memref<128x128xf32, #tpu.memory_space<vmem_shared>>
      %dma_start3A_57 = arith.constant 0 : i32
      %dma_start3A_58 = tpu.memref_slice %arg6[%add3A_41, %dma_start3A_57] : memref<10240x128xf32, #tpu.memory_space<vmem_shared>> -> memref<128x128xf32, #tpu.memory_space<vmem_shared>>
      tpu.enqueue_dma source(%dma_start3A_58 : memref<128x128xf32, #tpu.memory_space<vmem_shared>>) target(%arg5 : memref<128x128xf32, #tpu.memory_space<vmem>>) target_semaphore(%run_scoped3A : memref<!tpu.dma_semaphore, #tpu.memory_space<semaphore_mem>>)
      %dma_wait3A = arith.constant 0 : i32
      %dma_wait3A_59 = tpu.memref_slice %arg6[%add3A_41, %dma_wait3A] : memref<10240x128xf32, #tpu.memory_space<vmem_shared>> -> memref<128x128xf32, #tpu.memory_space<vmem_shared>>
      %dma_wait3A_60 = arith.constant 0 : i32
      %dma_wait3A_61 = tpu.memref_slice %arg6[%add3A_41, %dma_wait3A_60] : memref<10240x128xf32, #tpu.memory_space<vmem_shared>> -> memref<128x128xf32, #tpu.memory_space<vmem_shared>>
      tpu.wait_dma2 semaphore(%run_scoped3A : memref<!tpu.dma_semaphore, #tpu.memory_space<semaphore_mem>>) src(%dma_wait3A_61 : memref<128x128xf32, #tpu.memory_space<vmem_shared>>) dst(%arg5 : memref<128x128xf32, #tpu.memory_space<vmem>>)
      tpu.yield
    }) : () -> ()
    %add3A_42 = arith.constant 128 : i32
    %add3A_43 = arith.addi %mul3A_0, %add3A_42 : i32
    "tpu.region"() ({
      %run_scoped3A = tpu.sem_alloc : memref<!tpu.dma_semaphore, #tpu.memory_space<semaphore_mem>>
      %dma_start3A = arith.constant 0 : i32
      %dma_start3A_56 = tpu.memref_slice %arg3[%arg0, %add3A_43, %dma_start3A] : memref<2x10240x128xf32, #tpu.memory_space<hbm>> -> memref<1x128x128xf32, #tpu.memory_space<hbm>>
      %dma_start3A_57 = tpu.memref_squeeze %dma_start3A_56 : memref<1x128x128xf32, #tpu.memory_space<hbm>> -> memref<128x128xf32, #tpu.memory_space<hbm>>
      %dma_start3A_58 = arith.constant 0 : i32
      %dma_start3A_59 = tpu.memref_slice %arg3[%arg0, %add3A_43, %dma_start3A_58] : memref<2x10240x128xf32, #tpu.memory_space<hbm>> -> memref<1x128x128xf32, #tpu.memory_space<hbm>>
      %dma_start3A_60 = tpu.memref_squeeze %dma_start3A_59 : memref<1x128x128xf32, #tpu.memory_space<hbm>> -> memref<128x128xf32, #tpu.memory_space<hbm>>
      tpu.enqueue_dma source(%arg5 : memref<128x128xf32, #tpu.memory_space<vmem>>) target(%dma_start3A_60 : memref<128x128xf32, #tpu.memory_space<hbm>>) target_semaphore(%run_scoped3A : memref<!tpu.dma_semaphore, #tpu.memory_space<semaphore_mem>>)
      %dma_wait3A = arith.constant 0 : i32
      %dma_wait3A_61 = tpu.memref_slice %arg3[%arg0, %add3A_43, %dma_wait3A] : memref<2x10240x128xf32, #tpu.memory_space<hbm>> -> memref<1x128x128xf32, #tpu.memory_space<hbm>>
      %dma_wait3A_62 = tpu.memref_squeeze %dma_wait3A_61 : memref<1x128x128xf32, #tpu.memory_space<hbm>> -> memref<128x128xf32, #tpu.memory_space<hbm>>
      %dma_wait3A_63 = arith.constant 0 : i32
      %dma_wait3A_64 = tpu.memref_slice %arg3[%arg0, %add3A_43, %dma_wait3A_63] : memref<2x10240x128xf32, #tpu.memory_space<hbm>> -> memref<1x128x128xf32, #tpu.memory_space<hbm>>
      %dma_wait3A_65 = tpu.memref_squeeze %dma_wait3A_64 : memref<1x128x128xf32, #tpu.memory_space<hbm>> -> memref<128x128xf32, #tpu.memory_space<hbm>>
      tpu.wait_dma2 semaphore(%run_scoped3A : memref<!tpu.dma_semaphore, #tpu.memory_space<semaphore_mem>>) src(%arg5 : memref<128x128xf32, #tpu.memory_space<vmem>>) dst(%dma_wait3A_65 : memref<128x128xf32, #tpu.memory_space<hbm>>)
      tpu.yield
    }) : () -> ()
    %add3A_44 = arith.constant 256 : i32
    %add3A_45 = arith.addi %mul3A_0, %add3A_44 : i32
    "tpu.region"() ({
      %run_scoped3A = tpu.sem_alloc : memref<!tpu.dma_semaphore, #tpu.memory_space<semaphore_mem>>
      %dma_start3A = arith.constant 0 : i32
      %dma_start3A_56 = tpu.memref_slice %arg6[%add3A_45, %dma_start3A] : memref<10240x128xf32, #tpu.memory_space<vmem_shared>> -> memref<128x128xf32, #tpu.memory_space<vmem_shared>>
      %dma_start3A_57 = arith.constant 0 : i32
      %dma_start3A_58 = tpu.memref_slice %arg6[%add3A_45, %dma_start3A_57] : memref<10240x128xf32, #tpu.memory_space<vmem_shared>> -> memref<128x128xf32, #tpu.memory_space<vmem_shared>>
      tpu.enqueue_dma source(%dma_start3A_58 : memref<128x128xf32, #tpu.memory_space<vmem_shared>>) target(%arg5 : memref<128x128xf32, #tpu.memory_space<vmem>>) target_semaphore(%run_scoped3A : memref<!tpu.dma_semaphore, #tpu.memory_space<semaphore_mem>>)
      %dma_wait3A = arith.constant 0 : i32
      %dma_wait3A_59 = tpu.memref_slice %arg6[%add3A_45, %dma_wait3A] : memref<10240x128xf32, #tpu.memory_space<vmem_shared>> -> memref<128x128xf32, #tpu.memory_space<vmem_shared>>
      %dma_wait3A_60 = arith.constant 0 : i32
      %dma_wait3A_61 = tpu.memref_slice %arg6[%add3A_45, %dma_wait3A_60] : memref<10240x128xf32, #tpu.memory_space<vmem_shared>> -> memref<128x128xf32, #tpu.memory_space<vmem_shared>>
      tpu.wait_dma2 semaphore(%run_scoped3A : memref<!tpu.dma_semaphore, #tpu.memory_space<semaphore_mem>>) src(%dma_wait3A_61 : memref<128x128xf32, #tpu.memory_space<vmem_shared>>) dst(%arg5 : memref<128x128xf32, #tpu.memory_space<vmem>>)
      tpu.yield
    }) : () -> ()
    %add3A_46 = arith.constant 256 : i32
    %add3A_47 = arith.addi %mul3A_0, %add3A_46 : i32
    "tpu.region"() ({
      %run_scoped3A = tpu.sem_alloc : memref<!tpu.dma_semaphore, #tpu.memory_space<semaphore_mem>>
      %dma_start3A = arith.constant 0 : i32
      %dma_start3A_56 = tpu.memref_slice %arg3[%arg0, %add3A_47, %dma_start3A] : memref<2x10240x128xf32, #tpu.memory_space<hbm>> -> memref<1x128x128xf32, #tpu.memory_space<hbm>>
      %dma_start3A_57 = tpu.memref_squeeze %dma_start3A_56 : memref<1x128x128xf32, #tpu.memory_space<hbm>> -> memref<128x128xf32, #tpu.memory_space<hbm>>
      %dma_start3A_58 = arith.constant 0 : i32
      %dma_start3A_59 = tpu.memref_slice %arg3[%arg0, %add3A_47, %dma_start3A_58] : memref<2x10240x128xf32, #tpu.memory_space<hbm>> -> memref<1x128x128xf32, #tpu.memory_space<hbm>>
      %dma_start3A_60 = tpu.memref_squeeze %dma_start3A_59 : memref<1x128x128xf32, #tpu.memory_space<hbm>> -> memref<128x128xf32, #tpu.memory_space<hbm>>
      tpu.enqueue_dma source(%arg5 : memref<128x128xf32, #tpu.memory_space<vmem>>) target(%dma_start3A_60 : memref<128x128xf32, #tpu.memory_space<hbm>>) target_semaphore(%run_scoped3A : memref<!tpu.dma_semaphore, #tpu.memory_space<semaphore_mem>>)
      %dma_wait3A = arith.constant 0 : i32
      %dma_wait3A_61 = tpu.memref_slice %arg3[%arg0, %add3A_47, %dma_wait3A] : memref<2x10240x128xf32, #tpu.memory_space<hbm>> -> memref<1x128x128xf32, #tpu.memory_space<hbm>>
      %dma_wait3A_62 = tpu.memref_squeeze %dma_wait3A_61 : memref<1x128x128xf32, #tpu.memory_space<hbm>> -> memref<128x128xf32, #tpu.memory_space<hbm>>
      %dma_wait3A_63 = arith.constant 0 : i32
      %dma_wait3A_64 = tpu.memref_slice %arg3[%arg0, %add3A_47, %dma_wait3A_63] : memref<2x10240x128xf32, #tpu.memory_space<hbm>> -> memref<1x128x128xf32, #tpu.memory_space<hbm>>
      %dma_wait3A_65 = tpu.memref_squeeze %dma_wait3A_64 : memref<1x128x128xf32, #tpu.memory_space<hbm>> -> memref<128x128xf32, #tpu.memory_space<hbm>>
      tpu.wait_dma2 semaphore(%run_scoped3A : memref<!tpu.dma_semaphore, #tpu.memory_space<semaphore_mem>>) src(%arg5 : memref<128x128xf32, #tpu.memory_space<vmem>>) dst(%dma_wait3A_65 : memref<128x128xf32, #tpu.memory_space<hbm>>)
      tpu.yield
    }) : () -> ()
    %add3A_48 = arith.constant 384 : i32
    %add3A_49 = arith.addi %mul3A_0, %add3A_48 : i32
    "tpu.region"() ({
      %run_scoped3A = tpu.sem_alloc : memref<!tpu.dma_semaphore, #tpu.memory_space<semaphore_mem>>
      %dma_start3A = arith.constant 0 : i32
      %dma_start3A_56 = tpu.memref_slice %arg6[%add3A_49, %dma_start3A] : memref<10240x128xf32, #tpu.memory_space<vmem_shared>> -> memref<128x128xf32, #tpu.memory_space<vmem_shared>>
      %dma_start3A_57 = arith.constant 0 : i32
      %dma_start3A_58 = tpu.memref_slice %arg6[%add3A_49, %dma_start3A_57] : memref<10240x128xf32, #tpu.memory_space<vmem_shared>> -> memref<128x128xf32, #tpu.memory_space<vmem_shared>>
      tpu.enqueue_dma source(%dma_start3A_58 : memref<128x128xf32, #tpu.memory_space<vmem_shared>>) target(%arg5 : memref<128x128xf32, #tpu.memory_space<vmem>>) target_semaphore(%run_scoped3A : memref<!tpu.dma_semaphore, #tpu.memory_space<semaphore_mem>>)
      %dma_wait3A = arith.constant 0 : i32
      %dma_wait3A_59 = tpu.memref_slice %arg6[%add3A_49, %dma_wait3A] : memref<10240x128xf32, #tpu.memory_space<vmem_shared>> -> memref<128x128xf32, #tpu.memory_space<vmem_shared>>
      %dma_wait3A_60 = arith.constant 0 : i32
      %dma_wait3A_61 = tpu.memref_slice %arg6[%add3A_49, %dma_wait3A_60] : memref<10240x128xf32, #tpu.memory_space<vmem_shared>> -> memref<128x128xf32, #tpu.memory_space<vmem_shared>>
      tpu.wait_dma2 semaphore(%run_scoped3A : memref<!tpu.dma_semaphore, #tpu.memory_space<semaphore_mem>>) src(%dma_wait3A_61 : memref<128x128xf32, #tpu.memory_space<vmem_shared>>) dst(%arg5 : memref<128x128xf32, #tpu.memory_space<vmem>>)
      tpu.yield
    }) : () -> ()
    %add3A_50 = arith.constant 384 : i32
    %add3A_51 = arith.addi %mul3A_0, %add3A_50 : i32
    "tpu.region"() ({
      %run_scoped3A = tpu.sem_alloc : memref<!tpu.dma_semaphore, #tpu.memory_space<semaphore_mem>>
      %dma_start3A = arith.constant 0 : i32
      %dma_start3A_56 = tpu.memref_slice %arg3[%arg0, %add3A_51, %dma_start3A] : memref<2x10240x128xf32, #tpu.memory_space<hbm>> -> memref<1x128x128xf32, #tpu.memory_space<hbm>>
      %dma_start3A_57 = tpu.memref_squeeze %dma_start3A_56 : memref<1x128x128xf32, #tpu.memory_space<hbm>> -> memref<128x128xf32, #tpu.memory_space<hbm>>
      %dma_start3A_58 = arith.constant 0 : i32
      %dma_start3A_59 = tpu.memref_slice %arg3[%arg0, %add3A_51, %dma_start3A_58] : memref<2x10240x128xf32, #tpu.memory_space<hbm>> -> memref<1x128x128xf32, #tpu.memory_space<hbm>>
      %dma_start3A_60 = tpu.memref_squeeze %dma_start3A_59 : memref<1x128x128xf32, #tpu.memory_space<hbm>> -> memref<128x128xf32, #tpu.memory_space<hbm>>
      tpu.enqueue_dma source(%arg5 : memref<128x128xf32, #tpu.memory_space<vmem>>) target(%dma_start3A_60 : memref<128x128xf32, #tpu.memory_space<hbm>>) target_semaphore(%run_scoped3A : memref<!tpu.dma_semaphore, #tpu.memory_space<semaphore_mem>>)
      %dma_wait3A = arith.constant 0 : i32
      %dma_wait3A_61 = tpu.memref_slice %arg3[%arg0, %add3A_51, %dma_wait3A] : memref<2x10240x128xf32, #tpu.memory_space<hbm>> -> memref<1x128x128xf32, #tpu.memory_space<hbm>>
      %dma_wait3A_62 = tpu.memref_squeeze %dma_wait3A_61 : memref<1x128x128xf32, #tpu.memory_space<hbm>> -> memref<128x128xf32, #tpu.memory_space<hbm>>
      %dma_wait3A_63 = arith.constant 0 : i32
      %dma_wait3A_64 = tpu.memref_slice %arg3[%arg0, %add3A_51, %dma_wait3A_63] : memref<2x10240x128xf32, #tpu.memory_space<hbm>> -> memref<1x128x128xf32, #tpu.memory_space<hbm>>
      %dma_wait3A_65 = tpu.memref_squeeze %dma_wait3A_64 : memref<1x128x128xf32, #tpu.memory_space<hbm>> -> memref<128x128xf32, #tpu.memory_space<hbm>>
      tpu.wait_dma2 semaphore(%run_scoped3A : memref<!tpu.dma_semaphore, #tpu.memory_space<semaphore_mem>>) src(%arg5 : memref<128x128xf32, #tpu.memory_space<vmem>>) dst(%dma_wait3A_65 : memref<128x128xf32, #tpu.memory_space<hbm>>)
      tpu.yield
    }) : () -> ()
    %add3A_52 = arith.constant 512 : i32
    %add3A_53 = arith.addi %mul3A_0, %add3A_52 : i32
    "tpu.region"() ({
      %run_scoped3A = tpu.sem_alloc : memref<!tpu.dma_semaphore, #tpu.memory_space<semaphore_mem>>
      %dma_start3A = arith.constant 0 : i32
      %dma_start3A_56 = tpu.memref_slice %arg6[%add3A_53, %dma_start3A] : memref<10240x128xf32, #tpu.memory_space<vmem_shared>> -> memref<128x128xf32, #tpu.memory_space<vmem_shared>>
      %dma_start3A_57 = arith.constant 0 : i32
      %dma_start3A_58 = tpu.memref_slice %arg6[%add3A_53, %dma_start3A_57] : memref<10240x128xf32, #tpu.memory_space<vmem_shared>> -> memref<128x128xf32, #tpu.memory_space<vmem_shared>>
      tpu.enqueue_dma source(%dma_start3A_58 : memref<128x128xf32, #tpu.memory_space<vmem_shared>>) target(%arg5 : memref<128x128xf32, #tpu.memory_space<vmem>>) target_semaphore(%run_scoped3A : memref<!tpu.dma_semaphore, #tpu.memory_space<semaphore_mem>>)
      %dma_wait3A = arith.constant 0 : i32
      %dma_wait3A_59 = tpu.memref_slice %arg6[%add3A_53, %dma_wait3A] : memref<10240x128xf32, #tpu.memory_space<vmem_shared>> -> memref<128x128xf32, #tpu.memory_space<vmem_shared>>
      %dma_wait3A_60 = arith.constant 0 : i32
      %dma_wait3A_61 = tpu.memref_slice %arg6[%add3A_53, %dma_wait3A_60] : memref<10240x128xf32, #tpu.memory_space<vmem_shared>> -> memref<128x128xf32, #tpu.memory_space<vmem_shared>>
      tpu.wait_dma2 semaphore(%run_scoped3A : memref<!tpu.dma_semaphore, #tpu.memory_space<semaphore_mem>>) src(%dma_wait3A_61 : memref<128x128xf32, #tpu.memory_space<vmem_shared>>) dst(%arg5 : memref<128x128xf32, #tpu.memory_space<vmem>>)
      tpu.yield
    }) : () -> ()
    %add3A_54 = arith.constant 512 : i32
    %add3A_55 = arith.addi %mul3A_0, %add3A_54 : i32
    "tpu.region"() ({
      %run_scoped3A = tpu.sem_alloc : memref<!tpu.dma_semaphore, #tpu.memory_space<semaphore_mem>>
      %dma_start3A = arith.constant 0 : i32
      %dma_start3A_56 = tpu.memref_slice %arg3[%arg0, %add3A_55, %dma_start3A] : memref<2x10240x128xf32, #tpu.memory_space<hbm>> -> memref<1x128x128xf32, #tpu.memory_space<hbm>>
      %dma_start3A_57 = tpu.memref_squeeze %dma_start3A_56 : memref<1x128x128xf32, #tpu.memory_space<hbm>> -> memref<128x128xf32, #tpu.memory_space<hbm>>
      %dma_start3A_58 = arith.constant 0 : i32
      %dma_start3A_59 = tpu.memref_slice %arg3[%arg0, %add3A_55, %dma_start3A_58] : memref<2x10240x128xf32, #tpu.memory_space<hbm>> -> memref<1x128x128xf32, #tpu.memory_space<hbm>>
      %dma_start3A_60 = tpu.memref_squeeze %dma_start3A_59 : memref<1x128x128xf32, #tpu.memory_space<hbm>> -> memref<128x128xf32, #tpu.memory_space<hbm>>
      tpu.enqueue_dma source(%arg5 : memref<128x128xf32, #tpu.memory_space<vmem>>) target(%dma_start3A_60 : memref<128x128xf32, #tpu.memory_space<hbm>>) target_semaphore(%run_scoped3A : memref<!tpu.dma_semaphore, #tpu.memory_space<semaphore_mem>>)
      %dma_wait3A = arith.constant 0 : i32
      %dma_wait3A_61 = tpu.memref_slice %arg3[%arg0, %add3A_55, %dma_wait3A] : memref<2x10240x128xf32, #tpu.memory_space<hbm>> -> memref<1x128x128xf32, #tpu.memory_space<hbm>>
      %dma_wait3A_62 = tpu.memref_squeeze %dma_wait3A_61 : memref<1x128x128xf32, #tpu.memory_space<hbm>> -> memref<128x128xf32, #tpu.memory_space<hbm>>
      %dma_wait3A_63 = arith.constant 0 : i32
      %dma_wait3A_64 = tpu.memref_slice %arg3[%arg0, %add3A_55, %dma_wait3A_63] : memref<2x10240x128xf32, #tpu.memory_space<hbm>> -> memref<1x128x128xf32, #tpu.memory_space<hbm>>
      %dma_wait3A_65 = tpu.memref_squeeze %dma_wait3A_64 : memref<1x128x128xf32, #tpu.memory_space<hbm>> -> memref<128x128xf32, #tpu.memory_space<hbm>>
      tpu.wait_dma2 semaphore(%run_scoped3A : memref<!tpu.dma_semaphore, #tpu.memory_space<semaphore_mem>>) src(%arg5 : memref<128x128xf32, #tpu.memory_space<vmem>>) dst(%dma_wait3A_65 : memref<128x128xf32, #tpu.memory_space<hbm>>)
      tpu.yield
    }) : () -> ()
    return
  }
}

module attributes {stable_mosaic.version = 14 : i64} {
  func.func @_tc0_body(%arg0: i32, %arg1: memref<2000x128xf32, #tpu.memory_space<vmem>>, %arg2: memref<128x128xf32, #tpu.memory_space<vmem>>, %arg3: memref<2000x128xf32, #tpu.memory_space<vmem>>) attributes {dimension_semantics = [#tpu.dimension_semantics<arbitrary>], iteration_bounds = array<i64: 5>, scalar_prefetch = 0 : i64, scratch_operands = 0 : i64, tpu.core_type = #tpu.core_type<tc>, window_params = [{transform_indices = @transform_0, window_bounds = array<i64: 2000, 128>}, {pipeline_mode = #tpu.pipeline_mode<synchronous>, transform_indices = @transform_1, window_bounds = array<i64: 128, 128>}, {transform_indices = @transform_2, window_bounds = array<i64: 2000, 128>}]} {
    %get3A = arith.constant 0 : index
    %get3A_0 = arith.constant 0 : index
    %get3A_1 = vector.load %arg1[%get3A, %get3A_0] : memref<2000x128xf32, #tpu.memory_space<vmem>>, vector<2000x128xf32>
    %get3A_2 = arith.constant 0 : index
    %get3A_3 = arith.constant 0 : index
    %get3A_4 = vector.load %arg2[%get3A_2, %get3A_3] : memref<128x128xf32, #tpu.memory_space<vmem>>, vector<128x128xf32>
    %dot_general3A = arith.constant dense<0.000000e+00> : vector<2000x128xf32>
    %dot_general3A_5 = tpu.matmul %get3A_1, %get3A_4, %dot_general3A {dimension_numbers = #tpu.dot_dimension_numbers<[1], [0], [0], [1], [0, 0, 1, 1], [], []>, precision = #tpu.contract_precision<fp32>, transpose_lhs_hint = false} : vector<2000x128xf32>, vector<128x128xf32>, vector<2000x128xf32> -> vector<2000x128xf32>
    %swap3A = arith.constant 0 : index
    %swap3A_6 = arith.constant 0 : index
    %swap3A_7 = vector.load %arg3[%swap3A, %swap3A_6] : memref<2000x128xf32, #tpu.memory_space<vmem>>, vector<2000x128xf32>
    tpu.vector_store %arg3[%swap3A, %swap3A_6], %dot_general3A_5 {strides = array<i32>} : memref<2000x128xf32, #tpu.memory_space<vmem>>, vector<2000x128xf32>,
    return
  }
  func.func @transform_0(%arg0: i32) -> (i32, i32) {
    %c0_i32 = arith.constant 0 : i32
    %c0_i32_0 = arith.constant 0 : i32
    return %arg0, %c0_i32 : i32, i32
  }
  func.func @transform_1(%arg0: i32) -> (i32, i32) {
    %c0_i32 = arith.constant 0 : i32
    %c0_i32_0 = arith.constant 0 : i32
    %c0_i32_1 = arith.constant 0 : i32
    return %c0_i32, %c0_i32_0 : i32, i32
  }
  func.func @transform_2(%arg0: i32) -> (i32, i32) {
    %c0_i32 = arith.constant 0 : i32
    %c0_i32_0 = arith.constant 0 : i32
    return %arg0, %c0_i32 : i32, i32
  }
}

module attributes {stable_mosaic.version = 14 : i64} {
  func.func @_tc1_body(%arg0: i32, %arg1: memref<2000x128xf32, #tpu.memory_space<vmem>>, %arg2: memref<2x2000x128xf32, #tpu.memory_space<vmem>>, %arg3: memref<2000x128xf32, #tpu.memory_space<vmem>>, %arg4: memref<2000x1xf32, #tpu.memory_space<vmem>>) attributes {dimension_semantics = [#tpu.dimension_semantics<arbitrary>], iteration_bounds = array<i64: 5>, scalar_prefetch = 0 : i64, scratch_operands = 0 : i64, tpu.core_type = #tpu.core_type<tc>, window_params = [{transform_indices = @transform_0, window_bounds = array<i64: 2000, 128>}, {transform_indices = @transform_1, window_bounds = array<i64: 2, 2000, 128>}, {transform_indices = @transform_2, window_bounds = array<i64: 2000, 128>}, {transform_indices = @transform_3, window_bounds = array<i64: 2000, 1>}]} {
    %get3A = arith.constant 0 : index
    %get3A_0 = arith.constant 0 : index
    %get3A_1 = arith.constant 0 : index
    %get3A_2 = vector.load %arg2[%get3A, %get3A_0, %get3A_1] : memref<2x2000x128xf32, #tpu.memory_space<vmem>>, vector<1x2000x1xf32>
    %get3A_3 = vector.shape_cast %get3A_2 : vector<1x2000x1xf32> to vector<2000x1xf32>
    %get3A_4 = arith.constant 1 : index
    %get3A_5 = arith.constant 0 : index
    %get3A_6 = arith.constant 0 : index
    %get3A_7 = vector.load %arg2[%get3A_4, %get3A_5, %get3A_6] : memref<2x2000x128xf32, #tpu.memory_space<vmem>>, vector<1x2000x1xf32>
    %get3A_8 = vector.shape_cast %get3A_7 : vector<1x2000x1xf32> to vector<2000x1xf32>
    %add3A = arith.addf %get3A_3, %get3A_8 : vector<2000x1xf32>
    %add3A_9 = arith.constant 1.000000e+00 : f32
    %add3A_10 = vector.broadcast %add3A_9 : f32 to vector<2000x1xf32>
    %add3A_11 = arith.addf %add3A, %add3A_10 : vector<2000x1xf32>
    %rsqrt3A = math.rsqrt %add3A_11 : vector<2000x1xf32>
    %get3A_12 = arith.constant 0 : index
    %get3A_13 = arith.constant 0 : index
    %get3A_14 = vector.load %arg1[%get3A_12, %get3A_13] : memref<2000x128xf32, #tpu.memory_space<vmem>>, vector<2000x128xf32>
    %mul3A = vector.broadcast %rsqrt3A : vector<2000x1xf32> to vector<2000x128xf32>
    %mul3A_15 = arith.mulf %get3A_14, %mul3A : vector<2000x128xf32>
    %swap3A = arith.constant 0 : index
    %swap3A_16 = arith.constant 0 : index
    %swap3A_17 = vector.load %arg3[%swap3A, %swap3A_16] : memref<2000x128xf32, #tpu.memory_space<vmem>>, vector<2000x128xf32>
    tpu.vector_store %arg3[%swap3A, %swap3A_16], %mul3A_15 {strides = array<i32>} : memref<2000x128xf32, #tpu.memory_space<vmem>>, vector<2000x128xf32>,
    %swap3A_18 = arith.constant 0 : index
    %swap3A_19 = arith.constant 0 : index
    %swap3A_20 = vector.load %arg4[%swap3A_18, %swap3A_19] : memref<2000x1xf32, #tpu.memory_space<vmem>>, vector<2000x1xf32>
    tpu.vector_store %arg4[%swap3A_18, %swap3A_19], %rsqrt3A {strides = array<i32>} : memref<2000x1xf32, #tpu.memory_space<vmem>>, vector<2000x1xf32>,
    return
  }
  func.func @transform_0(%arg0: i32) -> (i32, i32) {
    %c0_i32 = arith.constant 0 : i32
    %c0_i32_0 = arith.constant 0 : i32
    return %arg0, %c0_i32 : i32, i32
  }
  func.func @transform_1(%arg0: i32) -> (i32, i32, i32) {
    %c0_i32 = arith.constant 0 : i32
    %c0_i32_0 = arith.constant 0 : i32
    %c0_i32_1 = arith.constant 0 : i32
    return %c0_i32, %arg0, %c0_i32_0 : i32, i32, i32
  }
  func.func @transform_2(%arg0: i32) -> (i32, i32) {
    %c0_i32 = arith.constant 0 : i32
    %c0_i32_0 = arith.constant 0 : i32
    return %arg0, %c0_i32 : i32, i32
  }
  func.func @transform_3(%arg0: i32) -> (i32, i32) {
    %c0_i32 = arith.constant 0 : i32
    %c0_i32_0 = arith.constant 0 : i32
    return %arg0, %c0_i32 : i32, i32
  }
}

module attributes {stable_mosaic.version = 14 : i64} {
  func.func @_tc2_body(%arg0: i32, %arg1: memref<2x2000x128xf32, #tpu.memory_space<vmem>>, %arg2: memref<2000x128xf32, #tpu.memory_space<vmem>>, %arg3: memref<2000x1xf32, #tpu.memory_space<vmem>>, %arg4: memref<1x128xf32, #tpu.memory_space<vmem>>, %arg5: memref<128x128xf32, #tpu.memory_space<vmem>>, %arg6: memref<2000x128xf32, #tpu.memory_space<vmem>>) attributes {dimension_semantics = [#tpu.dimension_semantics<arbitrary>], iteration_bounds = array<i64: 5>, scalar_prefetch = 0 : i64, scratch_operands = 0 : i64, tpu.core_type = #tpu.core_type<tc>, window_params = [{transform_indices = @transform_0, window_bounds = array<i64: 2, 2000, 128>}, {transform_indices = @transform_1, window_bounds = array<i64: 2000, 128>}, {transform_indices = @transform_2, window_bounds = array<i64: 2000, 1>}, {pipeline_mode = #tpu.pipeline_mode<synchronous>, transform_indices = @transform_3, window_bounds = array<i64: 1, 128>}, {pipeline_mode = #tpu.pipeline_mode<synchronous>, transform_indices = @transform_4, window_bounds = array<i64: 128, 128>}, {transform_indices = @transform_5, window_bounds = array<i64: 2000, 128>}]} {
    %get3A = arith.constant 0 : index
    %get3A_0 = arith.constant 0 : index
    %get3A_1 = vector.load %arg3[%get3A, %get3A_0] : memref<2000x1xf32, #tpu.memory_space<vmem>>, vector<2000x1xf32>
    %get3A_2 = arith.constant 0 : index
    %get3A_3 = arith.constant 0 : index
    %get3A_4 = arith.constant 0 : index
    %get3A_5 = vector.load %arg1[%get3A_2, %get3A_3, %get3A_4] : memref<2x2000x128xf32, #tpu.memory_space<vmem>>, vector<1x2000x128xf32>
    %get3A_6 = vector.shape_cast %get3A_5 : vector<1x2000x128xf32> to vector<2000x128xf32>
    %get3A_7 = arith.constant 1 : index
    %get3A_8 = arith.constant 0 : index
    %get3A_9 = arith.constant 0 : index
    %get3A_10 = vector.load %arg1[%get3A_7, %get3A_8, %get3A_9] : memref<2x2000x128xf32, #tpu.memory_space<vmem>>, vector<1x2000x128xf32>
    %get3A_11 = vector.shape_cast %get3A_10 : vector<1x2000x128xf32> to vector<2000x128xf32>
    %add3A = arith.addf %get3A_6, %get3A_11 : vector<2000x128xf32>
    %get3A_12 = arith.constant 0 : index
    %get3A_13 = arith.constant 0 : index
    %get3A_14 = vector.load %arg2[%get3A_12, %get3A_13] : memref<2000x128xf32, #tpu.memory_space<vmem>>, vector<2000x128xf32>
    %add3A_15 = arith.addf %add3A, %get3A_14 : vector<2000x128xf32>
    %mul3A = vector.broadcast %get3A_1 : vector<2000x1xf32> to vector<2000x128xf32>
    %mul3A_16 = arith.mulf %mul3A, %add3A_15 : vector<2000x128xf32>
    %get3A_17 = arith.constant 0 : index
    %get3A_18 = arith.constant 0 : index
    %get3A_19 = vector.load %arg4[%get3A_17, %get3A_18] : memref<1x128xf32, #tpu.memory_space<vmem>>, vector<1x128xf32>
    %add3A_20 = vector.broadcast %get3A_19 : vector<1x128xf32> to vector<2000x128xf32>
    %add3A_21 = arith.addf %mul3A_16, %add3A_20 : vector<2000x128xf32>
    %max3A = arith.constant 0.000000e+00 : f32
    %max3A_22 = vector.broadcast %max3A : f32 to vector<2000x128xf32>
    %max3A_23 = arith.maximumf %add3A_21, %max3A_22 : vector<2000x128xf32>
    %get3A_24 = arith.constant 0 : index
    %get3A_25 = arith.constant 0 : index
    %get3A_26 = vector.load %arg5[%get3A_24, %get3A_25] : memref<128x128xf32, #tpu.memory_space<vmem>>, vector<128x128xf32>
    %dot_general3A = arith.constant dense<0.000000e+00> : vector<2000x128xf32>
    %dot_general3A_27 = tpu.matmul %max3A_23, %get3A_26, %dot_general3A {dimension_numbers = #tpu.dot_dimension_numbers<[1], [0], [0], [1], [0, 0, 1, 1], [], []>, precision = #tpu.contract_precision<fp32>, transpose_lhs_hint = false} : vector<2000x128xf32>, vector<128x128xf32>, vector<2000x128xf32> -> vector<2000x128xf32>
    %mul3A_28 = vector.broadcast %get3A_1 : vector<2000x1xf32> to vector<2000x128xf32>
    %mul3A_29 = arith.mulf %dot_general3A_27, %mul3A_28 : vector<2000x128xf32>
    %swap3A = arith.constant 0 : index
    %swap3A_30 = arith.constant 0 : index
    %swap3A_31 = vector.load %arg6[%swap3A, %swap3A_30] : memref<2000x128xf32, #tpu.memory_space<vmem>>, vector<2000x128xf32>
    tpu.vector_store %arg6[%swap3A, %swap3A_30], %mul3A_29 {strides = array<i32>} : memref<2000x128xf32, #tpu.memory_space<vmem>>, vector<2000x128xf32>,
    return
  }
  func.func @transform_0(%arg0: i32) -> (i32, i32, i32) {
    %c0_i32 = arith.constant 0 : i32
    %c0_i32_0 = arith.constant 0 : i32
    %c0_i32_1 = arith.constant 0 : i32
    return %c0_i32, %arg0, %c0_i32_0 : i32, i32, i32
  }
  func.func @transform_1(%arg0: i32) -> (i32, i32) {
    %c0_i32 = arith.constant 0 : i32
    %c0_i32_0 = arith.constant 0 : i32
    return %arg0, %c0_i32 : i32, i32
  }
  func.func @transform_2(%arg0: i32) -> (i32, i32) {
    %c0_i32 = arith.constant 0 : i32
    %c0_i32_0 = arith.constant 0 : i32
    return %arg0, %c0_i32 : i32, i32
  }
  func.func @transform_3(%arg0: i32) -> (i32, i32) {
    %c0_i32 = arith.constant 0 : i32
    %c0_i32_0 = arith.constant 0 : i32
    %c0_i32_1 = arith.constant 0 : i32
    return %c0_i32, %c0_i32_0 : i32, i32
  }
  func.func @transform_4(%arg0: i32) -> (i32, i32) {
    %c0_i32 = arith.constant 0 : i32
    %c0_i32_0 = arith.constant 0 : i32
    %c0_i32_1 = arith.constant 0 : i32
    return %c0_i32, %c0_i32_0 : i32, i32
  }
  func.func @transform_5(%arg0: i32) -> (i32, i32) {
    %c0_i32 = arith.constant 0 : i32
    %c0_i32_0 = arith.constant 0 : i32
    return %arg0, %c0_i32 : i32, i32
  }
}

module attributes {stable_mosaic.version = 14 : i64} {
  func.func @_tc3_body(%arg0: i32, %arg1: memref<2x2000x128xf32, #tpu.memory_space<vmem>>, %arg2: memref<2000x128xf32, #tpu.memory_space<vmem>>, %arg3: memref<2000x1xf32, #tpu.memory_space<vmem>>, %arg4: memref<1x128xf32, #tpu.memory_space<vmem>>, %arg5: memref<2000x1xi32, #tpu.memory_space<vmem>>, %arg6: memref<128x10xf32, #tpu.memory_space<vmem>>, %arg7: memref<1x10xf32, #tpu.memory_space<vmem>>, %arg8: memref<10x1xf32, #tpu.memory_space<vmem>>, %arg9: memref<1x1xf32, #tpu.memory_space<vmem>>, %arg10: memref<64x1xf32, #tpu.memory_space<vmem>>, %arg11: memref<64x128xf32, #tpu.memory_space<vmem>>, %arg12: memref<64x1xf32, #tpu.memory_space<vmem>>) attributes {dimension_semantics = [#tpu.dimension_semantics<arbitrary>], iteration_bounds = array<i64: 5>, scalar_prefetch = 0 : i64, scratch_operands = 2 : i64, tpu.core_type = #tpu.core_type<tc>, window_params = [{transform_indices = @transform_0, window_bounds = array<i64: 2, 2000, 128>}, {transform_indices = @transform_1, window_bounds = array<i64: 2000, 128>}, {transform_indices = @transform_2, window_bounds = array<i64: 2000, 1>}, {pipeline_mode = #tpu.pipeline_mode<synchronous>, transform_indices = @transform_3, window_bounds = array<i64: 1, 128>}, {transform_indices = @transform_4, window_bounds = array<i64: 2000, 1>}, {pipeline_mode = #tpu.pipeline_mode<synchronous>, transform_indices = @transform_5, window_bounds = array<i64: 128, 10>}, {pipeline_mode = #tpu.pipeline_mode<synchronous>, transform_indices = @transform_6, window_bounds = array<i64: 1, 10>}, {pipeline_mode = #tpu.pipeline_mode<synchronous>, transform_indices = @transform_7, window_bounds = array<i64: 10, 1>}, {pipeline_mode = #tpu.pipeline_mode<synchronous>, transform_indices = @transform_8, window_bounds = array<i64: 1, 1>}, {pipeline_mode = #tpu.pipeline_mode<synchronous>, transform_indices = @transform_9, window_bounds = array<i64: 64, 1>}]} {
    %eq3A = arith.constant 0 : i32
    %eq3A_0 = arith.cmpi eq, %arg0, %eq3A : i32
    %convert_element_type3A = arith.extui %eq3A_0 : i1 to i32
    %cond3A = arith.constant 0 : i32
    %cond3A_1 = arith.cmpi ne, %convert_element_type3A, %cond3A : i32
    scf.if %cond3A_1 {
      %broadcast_in_dim3A_54 = arith.constant 0.000000e+00 : f32
      %broadcast_in_dim3A_55 = vector.broadcast %broadcast_in_dim3A_54 : f32 to vector<64x128xf32>
      %swap3A_56 = arith.constant 0 : index
      %swap3A_57 = arith.constant 0 : index
      %swap3A_58 = vector.load %arg11[%swap3A_56, %swap3A_57] : memref<64x128xf32, #tpu.memory_space<vmem>>, vector<64x128xf32>
      tpu.vector_store %arg11[%swap3A_56, %swap3A_57], %broadcast_in_dim3A_55 {strides = array<i32>} : memref<64x128xf32, #tpu.memory_space<vmem>>, vector<64x128xf32>,
      %broadcast_in_dim3A_59 = arith.constant 0.000000e+00 : f32
      %broadcast_in_dim3A_60 = vector.broadcast %broadcast_in_dim3A_59 : f32 to vector<64x1xf32>
      %swap3A_61 = arith.constant 0 : index
      %swap3A_62 = arith.constant 0 : index
      %swap3A_63 = vector.load %arg12[%swap3A_61, %swap3A_62] : memref<64x1xf32, #tpu.memory_space<vmem>>, vector<64x1xf32>
      tpu.vector_store %arg12[%swap3A_61, %swap3A_62], %broadcast_in_dim3A_60 {strides = array<i32>} : memref<64x1xf32, #tpu.memory_space<vmem>>, vector<64x1xf32>,
    } else {
    }
    %get3A = arith.constant 0 : index
    %get3A_2 = arith.constant 0 : index
    %get3A_3 = vector.load %arg3[%get3A, %get3A_2] : memref<2000x1xf32, #tpu.memory_space<vmem>>, vector<2000x1xf32>
    %get3A_4 = arith.constant 0 : index
    %get3A_5 = arith.constant 0 : index
    %get3A_6 = arith.constant 0 : index
    %get3A_7 = vector.load %arg1[%get3A_4, %get3A_5, %get3A_6] : memref<2x2000x128xf32, #tpu.memory_space<vmem>>, vector<1x2000x128xf32>
    %get3A_8 = vector.shape_cast %get3A_7 : vector<1x2000x128xf32> to vector<2000x128xf32>
    %get3A_9 = arith.constant 1 : index
    %get3A_10 = arith.constant 0 : index
    %get3A_11 = arith.constant 0 : index
    %get3A_12 = vector.load %arg1[%get3A_9, %get3A_10, %get3A_11] : memref<2x2000x128xf32, #tpu.memory_space<vmem>>, vector<1x2000x128xf32>
    %get3A_13 = vector.shape_cast %get3A_12 : vector<1x2000x128xf32> to vector<2000x128xf32>
    %add3A = arith.addf %get3A_8, %get3A_13 : vector<2000x128xf32>
    %get3A_14 = arith.constant 0 : index
    %get3A_15 = arith.constant 0 : index
    %get3A_16 = vector.load %arg2[%get3A_14, %get3A_15] : memref<2000x128xf32, #tpu.memory_space<vmem>>, vector<2000x128xf32>
    %add3A_17 = arith.addf %add3A, %get3A_16 : vector<2000x128xf32>
    %mul3A = vector.broadcast %get3A_3 : vector<2000x1xf32> to vector<2000x128xf32>
    %mul3A_18 = arith.mulf %mul3A, %add3A_17 : vector<2000x128xf32>
    %get3A_19 = arith.constant 0 : index
    %get3A_20 = arith.constant 0 : index
    %get3A_21 = vector.load %arg4[%get3A_19, %get3A_20] : memref<1x128xf32, #tpu.memory_space<vmem>>, vector<1x128xf32>
    %add3A_22 = vector.broadcast %get3A_21 : vector<1x128xf32> to vector<2000x128xf32>
    %add3A_23 = arith.addf %mul3A_18, %add3A_22 : vector<2000x128xf32>
    %iota3A = tpu.iota {dimensions = array<i32: 1>} : vector<2000x64xi32>
    %get3A_24 = arith.constant 0 : index
    %get3A_25 = arith.constant 0 : index
    %get3A_26 = vector.load %arg5[%get3A_24, %get3A_25] : memref<2000x1xi32, #tpu.memory_space<vmem>>, vector<2000x1xi32>
    %eq3A_27 = vector.broadcast %get3A_26 : vector<2000x1xi32> to vector<2000x64xi32>
    %eq3A_28 = arith.cmpi eq, %eq3A_27, %iota3A : vector<2000x64xi32>
    %jit3A = arith.constant 1.000000e+00 : f32
    %jit3A_29 = arith.constant 0.000000e+00 : f32
    %broadcast_in_dim3A = vector.broadcast %jit3A : f32 to vector<2000x64xf32>
    %broadcast_in_dim3A_30 = vector.broadcast %jit3A_29 : f32 to vector<2000x64xf32>
    %select_n3A = arith.select %eq3A_28, %broadcast_in_dim3A, %broadcast_in_dim3A_30 : vector<2000x64xi1>, vector<2000x64xf32>
    %get3A_31 = arith.constant 0 : index
    %get3A_32 = arith.constant 0 : index
    %get3A_33 = vector.load %arg11[%get3A_31, %get3A_32] : memref<64x128xf32, #tpu.memory_space<vmem>>, vector<64x128xf32>
    %dot_general3A = arith.constant dense<0.000000e+00> : vector<64x128xf32>
    %dot_general3A_34 = tpu.matmul %select_n3A, %add3A_23, %dot_general3A {dimension_numbers = #tpu.dot_dimension_numbers<[0], [0], [1], [1], [0, 1, 1, 1], [], []>, precision = #tpu.contract_precision<fp32>, transpose_lhs_hint = false} : vector<2000x64xf32>, vector<2000x128xf32>, vector<64x128xf32> -> vector<64x128xf32>
    %add3A_35 = arith.addf %get3A_33, %dot_general3A_34 : vector<64x128xf32>
    %swap3A = arith.constant 0 : index
    %swap3A_36 = arith.constant 0 : index
    %swap3A_37 = vector.load %arg11[%swap3A, %swap3A_36] : memref<64x128xf32, #tpu.memory_space<vmem>>, vector<64x128xf32>
    tpu.vector_store %arg11[%swap3A, %swap3A_36], %add3A_35 {strides = array<i32>} : memref<64x128xf32, #tpu.memory_space<vmem>>, vector<64x128xf32>,
    %get3A_38 = arith.constant 0 : index
    %get3A_39 = arith.constant 0 : index
    %get3A_40 = vector.load %arg12[%get3A_38, %get3A_39] : memref<64x1xf32, #tpu.memory_space<vmem>>, vector<64x1xf32>
    %broadcast_in_dim3A_41 = arith.constant 1.000000e+00 : f32
    %broadcast_in_dim3A_42 = vector.broadcast %broadcast_in_dim3A_41 : f32 to vector<2000x1xf32>
    %dot_general3A_43 = arith.constant dense<0.000000e+00> : vector<64x1xf32>
    %dot_general3A_44 = tpu.matmul %select_n3A, %broadcast_in_dim3A_42, %dot_general3A_43 {dimension_numbers = #tpu.dot_dimension_numbers<[0], [0], [1], [1], [0, 1, 1, 1], [], []>, precision = #tpu.contract_precision<fp32>, transpose_lhs_hint = false} : vector<2000x64xf32>, vector<2000x1xf32>, vector<64x1xf32> -> vector<64x1xf32>
    %add3A_45 = arith.addf %get3A_40, %dot_general3A_44 : vector<64x1xf32>
    %swap3A_46 = arith.constant 0 : index
    %swap3A_47 = arith.constant 0 : index
    %swap3A_48 = vector.load %arg12[%swap3A_46, %swap3A_47] : memref<64x1xf32, #tpu.memory_space<vmem>>, vector<64x1xf32>
    tpu.vector_store %arg12[%swap3A_46, %swap3A_47], %add3A_45 {strides = array<i32>} : memref<64x1xf32, #tpu.memory_space<vmem>>, vector<64x1xf32>,
    %eq3A_49 = arith.constant 4 : i32
    %eq3A_50 = arith.cmpi eq, %arg0, %eq3A_49 : i32
    %convert_element_type3A_51 = arith.extui %eq3A_50 : i1 to i32
    %cond3A_52 = arith.constant 0 : i32
    %cond3A_53 = arith.cmpi ne, %convert_element_type3A_51, %cond3A_52 : i32
    scf.if %cond3A_53 {
      %get3A_54 = arith.constant 0 : index
      %get3A_55 = arith.constant 0 : index
      %get3A_56 = vector.load %arg11[%get3A_54, %get3A_55] : memref<64x128xf32, #tpu.memory_space<vmem>>, vector<64x128xf32>
      %get3A_57 = arith.constant 0 : index
      %get3A_58 = arith.constant 0 : index
      %get3A_59 = vector.load %arg12[%get3A_57, %get3A_58] : memref<64x1xf32, #tpu.memory_space<vmem>>, vector<64x1xf32>
      %max3A = arith.constant 1.000000e+00 : f32
      %max3A_60 = vector.broadcast %max3A : f32 to vector<64x1xf32>
      %max3A_61 = arith.maximumf %get3A_59, %max3A_60 : vector<64x1xf32>
      %div3A = vector.broadcast %max3A_61 : vector<64x1xf32> to vector<64x128xf32>
      %div3A_62 = arith.divf %get3A_56, %div3A : vector<64x128xf32>
      %get3A_63 = arith.constant 0 : index
      %get3A_64 = arith.constant 0 : index
      %get3A_65 = vector.load %arg6[%get3A_63, %get3A_64] : memref<128x10xf32, #tpu.memory_space<vmem>>, vector<128x10xf32>
      %dot_general3A_66 = arith.constant dense<0.000000e+00> : vector<64x10xf32>
      %dot_general3A_67 = tpu.matmul %div3A_62, %get3A_65, %dot_general3A_66 {dimension_numbers = #tpu.dot_dimension_numbers<[1], [0], [0], [1], [0, 0, 1, 1], [], []>, precision = #tpu.contract_precision<fp32>, transpose_lhs_hint = false} : vector<64x128xf32>, vector<128x10xf32>, vector<64x10xf32> -> vector<64x10xf32>
      %get3A_68 = arith.constant 0 : index
      %get3A_69 = arith.constant 0 : index
      %get3A_70 = vector.load %arg7[%get3A_68, %get3A_69] : memref<1x10xf32, #tpu.memory_space<vmem>>, vector<1x10xf32>
      %add3A_71 = vector.broadcast %get3A_70 : vector<1x10xf32> to vector<64x10xf32>
      %add3A_72 = arith.addf %dot_general3A_67, %add3A_71 : vector<64x10xf32>
      %max3A_73 = arith.constant 0.000000e+00 : f32
      %max3A_74 = vector.broadcast %max3A_73 : f32 to vector<64x10xf32>
      %max3A_75 = arith.maximumf %add3A_72, %max3A_74 : vector<64x10xf32>
      %get3A_76 = arith.constant 0 : index
      %get3A_77 = arith.constant 0 : index
      %get3A_78 = vector.load %arg8[%get3A_76, %get3A_77] : memref<10x1xf32, #tpu.memory_space<vmem>>, vector<10x1xf32>
      %dot_general3A_79 = arith.constant dense<0.000000e+00> : vector<64x1xf32>
      %dot_general3A_80 = tpu.matmul %max3A_75, %get3A_78, %dot_general3A_79 {dimension_numbers = #tpu.dot_dimension_numbers<[1], [0], [0], [1], [0, 0, 1, 1], [], []>, precision = #tpu.contract_precision<fp32>, transpose_lhs_hint = false} : vector<64x10xf32>, vector<10x1xf32>, vector<64x1xf32> -> vector<64x1xf32>
      %get3A_81 = arith.constant 0 : index
      %get3A_82 = arith.constant 0 : index
      %get3A_83 = vector.load %arg9[%get3A_81, %get3A_82] : memref<1x1xf32, #tpu.memory_space<vmem>>, vector<1x1xf32>
      %add3A_84 = vector.broadcast %get3A_83 : vector<1x1xf32> to vector<64x1xf32>
      %add3A_85 = arith.addf %dot_general3A_80, %add3A_84 : vector<64x1xf32>
      %logistic3A = arith.negf %add3A_85 : vector<64x1xf32>
      %logistic3A_86 = math.exp %logistic3A : vector<64x1xf32>
      %logistic3A_87 = arith.constant 1.000000e+00 : f32
      %logistic3A_88 = vector.broadcast %logistic3A_87 : f32 to vector<64x1xf32>
      %logistic3A_89 = arith.addf %logistic3A_88, %logistic3A_86 : vector<64x1xf32>
      %logistic3A_90 = arith.divf %logistic3A_88, %logistic3A_89 : vector<64x1xf32>
      %swap3A_91 = arith.constant 0 : index
      %swap3A_92 = arith.constant 0 : index
      %swap3A_93 = vector.load %arg10[%swap3A_91, %swap3A_92] : memref<64x1xf32, #tpu.memory_space<vmem>>, vector<64x1xf32>
      tpu.vector_store %arg10[%swap3A_91, %swap3A_92], %logistic3A_90 {strides = array<i32>} : memref<64x1xf32, #tpu.memory_space<vmem>>, vector<64x1xf32>,
    } else {
    }
    return
  }
  func.func @transform_0(%arg0: i32) -> (i32, i32, i32) {
    %c0_i32 = arith.constant 0 : i32
    %c0_i32_0 = arith.constant 0 : i32
    %c0_i32_1 = arith.constant 0 : i32
    return %c0_i32, %arg0, %c0_i32_0 : i32, i32, i32
  }
  func.func @transform_1(%arg0: i32) -> (i32, i32) {
    %c0_i32 = arith.constant 0 : i32
    %c0_i32_0 = arith.constant 0 : i32
    return %arg0, %c0_i32 : i32, i32
  }
  func.func @transform_2(%arg0: i32) -> (i32, i32) {
    %c0_i32 = arith.constant 0 : i32
    %c0_i32_0 = arith.constant 0 : i32
    return %arg0, %c0_i32 : i32, i32
  }
  func.func @transform_3(%arg0: i32) -> (i32, i32) {
    %c0_i32 = arith.constant 0 : i32
    %c0_i32_0 = arith.constant 0 : i32
    %c0_i32_1 = arith.constant 0 : i32
    return %c0_i32, %c0_i32_0 : i32, i32
  }
  func.func @transform_4(%arg0: i32) -> (i32, i32) {
    %c0_i32 = arith.constant 0 : i32
    %c0_i32_0 = arith.constant 0 : i32
    return %arg0, %c0_i32 : i32, i32
  }
  func.func @transform_5(%arg0: i32) -> (i32, i32) {
    %c0_i32 = arith.constant 0 : i32
    %c0_i32_0 = arith.constant 0 : i32
    %c0_i32_1 = arith.constant 0 : i32
    return %c0_i32, %c0_i32_0 : i32, i32
  }
  func.func @transform_6(%arg0: i32) -> (i32, i32) {
    %c0_i32 = arith.constant 0 : i32
    %c0_i32_0 = arith.constant 0 : i32
    %c0_i32_1 = arith.constant 0 : i32
    return %c0_i32, %c0_i32_0 : i32, i32
  }
  func.func @transform_7(%arg0: i32) -> (i32, i32) {
    %c0_i32 = arith.constant 0 : i32
    %c0_i32_0 = arith.constant 0 : i32
    %c0_i32_1 = arith.constant 0 : i32
    return %c0_i32, %c0_i32_0 : i32, i32
  }
  func.func @transform_8(%arg0: i32) -> (i32, i32) {
    %c0_i32 = arith.constant 0 : i32
    %c0_i32_0 = arith.constant 0 : i32
    %c0_i32_1 = arith.constant 0 : i32
    return %c0_i32, %c0_i32_0 : i32, i32
  }
  func.func @transform_9(%arg0: i32) -> (i32, i32) {
    %c0_i32 = arith.constant 0 : i32
    %c0_i32_0 = arith.constant 0 : i32
    %c0_i32_1 = arith.constant 0 : i32
    return %c0_i32, %c0_i32_0 : i32, i32
  }
}

</mosaic_0001>

<sc_bundles>
// kernel: kernel.12.cloned.1.call-start
scs
__scs_entry_jumppad:
0x0: {  	(pc) =	sbr.rel $0x88, $3  }
0x1: {  	(tag) =	ssettag $0x0;
	lr =	simm.s32 $0x1  }
0x2: {  	[smem:$0x3F96] =	sst lr;
	_ =	strace $0xD0000000  }
0x3: {  	_ = 	snop  }
0x4: {  	_ = 	snop  }
0x5: {  	_ = 	snop  }
0x6: {  	_ = 	snop  }
0x7: {  	_ = 	snop  }
__scs_overlays_trampoline_lowered:
0x8: {  	[smem:$0x3FA5] =	sst s0  }
0x9: {  	[smem:$0x3FA6] =	sst s1  }
0xa: {  	[smem:$0x3FA7] =	sst s2  }
0xb: {  	[smem:$0x3FA8] =	sst s3  }
0xc: {  	[smem:$0x3FA9] =	sst s4  }
0xd: {  	[smem:$0x3FAA] =	sst s5  }
0xe: {  	[smem:$0x3FAB] =	sst s6  }
0xf: {  	[smem:$0x3FAC] =	sst s7  }
0x10: {  	[smem:$0x3FAD] =	sst s8  }
0x11: {  	[smem:$0x3FAE] =	sst s9;
	s0 =	simm.s32 @!p0 $0x0  }
0x12: {  	s1 =	sld [smem:$0x3F94];
	s0 =	simm.s32 @p0 $0x1  }
0x13: {  	[smem:$0x3FAF] =	sst s0;
	s0 =	simm.s32 @!p1 $0x0  }
0x14: {  	s2 =	sld [smem:$0x3F93];
	s0 =	simm.s32 @p1 $0x1  }
0x15: {  	[smem:$0x3FB0] =	sst s0;
	s0 =	simm.s32 @!p2 $0x0  }
0x16: {  	s3 =	sld [smem:$0x3FDB];
	s0 =	simm.s32 @p2 $0x1  }
0x17: {  	s4 =	simm.s32 $0x1BF5;
	[smem:$0x3FB2] =	sst s0  }
0x18: {  	s0 =	sld [smem:$0x3F95];
	_ =	swait.ge [sflag:s4], $0x0  }
0x19: {  	s7 =	sld [smem:$0x3F96]  }
0x1a: {  	s8 =	sadd.s32 $0xFFFFE003, lr  }
0x1b: {  	s9 =	sadd.s32 $0xFFFFFEF7, lr;
	s5 =	simm.s32 $0xFFFFFFFF;
	p2 =	slt.u32 s8, $0xFFFFF086  }
0x1c: {  	p1 =	slt.u32 s9, $0xF7A;
	s5 =	simm.s32 @!p2 $0x0  }
0x1d: {  	s5 =	simm.s32 @p1 $0x1;
	p0 =	seq.s32 s7, s2  }
0x1e: {  	s7 =	smul.u32 @!p0 $0xF7A, s2;
	p2 =	seq.s32 @!p0 s5, $0x0  }
0x1f: {  	s9 =	smul.u32 $0xF7A, s1;
	s8 =	simm.s32 @!p0 $0x1BF5;
	p2 =	por !p2, p0  }
0x20: {  	[sflag:s8] =	ssyncset.s32 @!p0 $0xFFFFF086;
	s6 =	sadd.s32 @!p0 s3, s7;
	s7 =	simm.s32 @!p0 $0x108  }
0x21: {  	s3 =	sadd.s32 s3, s9;
	s6 =	sadd.s32 @!p0 $0x88, s6;
	s7 =	simm.s32 @p2 $0x1082  }
0x22: {  	[simem:s7], [sflag:s8] =	dma.local @!p0 [hbm:s6], $0xF7A  }
0x23: {  	s9 =	sor.u32 $0xD0000000, s2;
	s6 =	simm.s32 $0x108;
	_ =	swait.ge @!p0 [sflag:s8], $0x0  }
0x24: {  	s3 =	sadd.s32 $0x88, s3;
	s6 =	simm.s32 @!p1 $0x1082;
	[sflag:s4] =	ssyncset.s32 $0xFFFFF086  }
0x25: {  	[simem:s6], [sflag:s4] =	dma.local [hbm:s3], $0xF7A  }
0x26: {  	[smem:$0x3F96] =	sst s1;
	(tag) =	ssettag s2;
	_ =	strace s9  }
0x27: {  	s1 =	sld [smem:$0x3FA6]  }
0x28: {  	s2 =	sld [smem:$0x3FA7]  }
0x29: {  	s4 =	sld [smem:$0x3FA9]  }
0x2a: {  	p0 =	seq.s32 s5, $0x0;
	s5 =	sld [smem:$0x3FAA]  }
0x2b: {  	s6 =	sld [smem:$0x3FAB]  }
0x2c: {  	s7 =	sld [smem:$0x3FAC]  }
0x2d: {  	s3 =	simm.s32 $0x108;
	s8 =	sld [smem:$0x3FAD]  }
0x2e: {  	s3 =	simm.s32 @!p0 $0x1082;
	s9 =	sld [smem:$0x3FAE]  }
0x2f: {  	lr =	sadd.s32 s0, s3;
	s0 =	sld [smem:$0x3FA5]  }
0x30: {  	s3 =	sld [smem:$0x3FA8]  }
0x31: {  	[smem:$0x3FB1] =	sst s10  }
0x32: {  	s10 =	sld [smem:$0x3FAF];
	_ =	sdelay $0x3  }
0x33: {  	p0 =	seq.s32 s10, $0x1;
	s10 =	sld [smem:$0x3FB1];
	_ =	sdelay $0x3  }
0x34: {  	[smem:$0x3FB1] =	sst s10  }
0x35: {  	s10 =	sld [smem:$0x3FB0];
	_ =	sdelay $0x3  }
0x36: {  	p1 =	seq.s32 s10, $0x1;
	s10 =	sld [smem:$0x3FB1];
	_ =	sdelay $0x3  }
0x37: {  	[smem:$0x3FB1] =	sst s10  }
0x38: {  	s10 =	sld [smem:$0x3FB2]  }
0x39: {  	_ = 	snop;
	(pc) =	sbr.ind lr, $3  }
0x3a: {  	_ = 	snop  }
0x3b: {  	_ = 	snop  }
0x3c: {  	p2 =	seq.s32 s10, $0x1;
	s10 =	sld [smem:$0x3FB1]  }
0x3d: {  	_ =	shalt  }
0x3e: {  	_ =	shalt  }
0x3f: {  	_ =	shalt  }
0x40: {  	_ =	shalt  }
0x41: {  	_ =	shalt  }
0x42: {  	_ =	shalt  }
0x43: {  	_ =	shalt  }
0x44: {  	_ =	shalt  }
0x45: {  	_ =	shalt  }
0x46: {  	_ =	shalt  }
0x47: {  	_ =	shalt  }
0x48: {  	_ =	shalt  }
0x49: {  	_ =	shalt  }
0x4a: {  	_ =	shalt  }
0x4b: {  	_ =	shalt  }
0x4c: {  	_ =	shalt  }
0x4d: {  	_ =	shalt  }
0x4e: {  	_ =	shalt  }
0x4f: {  	_ =	shalt  }
0x50: {  	_ =	shalt  }
0x51: {  	_ =	shalt  }
0x52: {  	_ =	shalt  }
0x53: {  	_ =	shalt  }
0x54: {  	_ =	shalt  }
0x55: {  	_ =	shalt  }
0x56: {  	_ =	shalt  }
0x57: {  	_ =	shalt  }
0x58: {  	_ =	shalt  }
0x59: {  	_ =	shalt  }
0x5a: {  	_ =	shalt  }
0x5b: {  	_ =	shalt  }
0x5c: {  	_ =	shalt  }
0x5d: {  	_ =	shalt  }
0x5e: {  	_ =	shalt  }
0x5f: {  	_ =	shalt  }
0x60: {  	_ =	shalt  }
0x61: {  	_ =	shalt  }
0x62: {  	_ =	shalt  }
0x63: {  	_ =	shalt  }
0x64: {  	_ =	shalt  }
0x65: {  	_ =	shalt  }
0x66: {  	_ =	shalt  }
0x67: {  	_ =	shalt  }
0x68: {  	_ =	shalt  }
0x69: {  	_ =	shalt  }
0x6a: {  	_ =	shalt  }
0x6b: {  	_ =	shalt  }
0x6c: {  	_ =	shalt  }
0x6d: {  	_ =	shalt  }
0x6e: {  	_ =	shalt  }
0x6f: {  	_ =	shalt  }
0x70: {  	_ =	shalt  }
0x71: {  	_ =	shalt  }
0x72: {  	_ =	shalt  }
0x73: {  	_ =	shalt  }
0x74: {  	_ =	shalt  }
0x75: {  	_ =	shalt  }
0x76: {  	_ =	shalt  }
0x77: {  	_ =	shalt  }
0x78: {  	_ =	shalt  }
0x79: {  	_ =	shalt  }
0x7a: {  	_ =	shalt  }
0x7b: {  	_ =	shalt  }
0x7c: {  	_ =	shalt  }
0x7d: {  	_ =	shalt  }
0x7e: {  	_ =	shalt  }
0x7f: {  	_ =	shalt  }
0x80: {  	_ =	shalt  }
0x81: {  	_ =	shalt  }
0x82: {  	_ =	shalt  }
0x83: {  	_ =	shalt  }
0x84: {  	_ =	shalt  }
0x85: {  	_ =	shalt  }
0x86: {  	_ =	shalt  }
0x87: {  	_ =	shalt  }
.Lfunc_end0:
.L_simem_size_0:
called_computation.1_lowered:
.L_overlay_start_0:
0x88: {  	s2 =	sld [smem:$0x3FD9]  }
0x89: {  	s3 =	sld [smem:$0x3FFE];
	_ =	sdelay $0x1  }
0x8a: {  	s1 =	srdreg.scid  }
0x8b: {  	s0 =	sand.u32 $0x1, s1  }
0x8c: {  	s16 =	sshll.u32 s0, $0xA;
	s2 =	sadd.s32 s3, s2  }
0x8d: {  	s2 =	sadd.s32 s2, s16  }
0x8e: {  	[smem:$0x3FBD] =	sst s2  }
0x8f: {  	_ = 	snop  }
0x90: {  	(tm) =	ssettm $0x1  }
0x91: {  	s17 =	sld [smem:$0x3FFB];
	_ =	sdelay $0x3  }
0x92: {  	_ =	strace s17  }
0x93: {  	s2 =	sld [smem:$0x3FFC];
	_ =	sdelay $0x3  }
0x94: {  	_ =	strace s2  }
0x95: {  	s2 =	sld [smem:$0x3FFD];
	_ =	sdelay $0x3  }
0x96: {  	_ =	strace s2  }
0x97: {  	_ =	strace $0x8FFFFFFF  }
0x98: {  	s18 =	sld [smem:$0x3FDB];
	_ =	sdelay $0x1  }
0x99: {  	s19 =	simm.s32 $_scs_section_size  }
0x9a: {  	s4 =	simm.s32 $_size__tile_overlayer_lowered;
	s5 =	simm.s32 $_tile_overlayer_lowered  }
0x9b: {  	s22 =	simm.s32 $0x1BFF;
	s21 =	sshll.u32 s5, $0x1;
	s2 =	sadd.s32 s19, s18  }
0x9c: {  	s6 =	simm.s32 $0x0;
	s20 =	sshll.u32 s4, $0x1;
	s4 =	sadd.s32 s21, s2  }
0x9d: {  	[timem:s6], [sflag:s22] =	dma.local [hbm:s4], s20  }
0x9e: {  	_ =	swait.ge [sflag:s22], s20  }
0x9f: {  	s3 =	ssub.s32 $0x0, s20;
	[sflag:s22] =	ssyncset.done $0x0  }
0xa0: {  	[sflag:s22] =	ssyncadd.s32 s3;
	_ =	sdelay $0x1  }
0xa1: {  	s23 =	simm.s32 $0x1B8B  }
0xa2: {  	_ =	swait.ge [sflag:s23], $0x1  }
0xa3: {  	[sflag:s23] =	ssyncset.done $0x0  }
0xa4: {  	s25 =	simm.s32 $0x1B8E;
	s24 =	sld [smem:$0x3FFE];
	[sflag:s23] =	ssyncadd.s32 $0xFFFFFFFF  }
0xa5: {  	s26 =	simm.s32 $execute0_lowered;
	[smem:$0x3FD2] =	sst s25  }
0xa6: {  	s4 =	sshll.u32 s26, $0x1;
	_ =	strace $0x80000049;
	[dreg:$0x1] =	wrdreg $0xFFFFFFFF  }
0xa7: {  	s28 =	simm.s32 $_size_execute0_lowered;
	s2 =	sadd.s32 s2, s4;
	[dreg:$0x0] =	wrdreg $0x0  }
0xa8: {  	s4 =	sshll.u32 s28, $0x1;
	[dreg:$0x2] =	wrdreg s2  }
0xa9: {  	[dreg:$0x3] =	wrdreg s4  }
0xaa: {  	[dreg:$0x4] =	wrdreg $0xC0  }
0xab: {  	_ =	task [dreg:s6], $0x5FFFF  }
0xac: {  	[dreg:$0x1] =	wrdreg $0xFFFFFFFF  }
0xad: {  	[dreg:$0x0] =	wrdreg $0x60  }
0xae: {  	[dreg:$0x2] =	wrdreg s24  }
0xaf: {  	[dreg:$0x3] =	wrdreg $0xA8000  }
0xb0: {  	[dreg:$0x4] =	wrdreg $0x9  }
0xb1: {  	_ =	task.clear_ibuf [dreg:s6], $0x5FFFF;
	_ =	strace $0x90000049  }
0xb2: {  	s29 =	simm.s32 $0x9;
	_ =	strace $0x8000004B  }
0xb3: {  	_ =	swait.ge [sflag:s29], $0x1  }
0xb4: {  	[sflag:s29] =	ssyncadd.s32 $0xFFFFFFFF  }
0xb5: {  	_ =	strace $0x9000004B  }
0xb6: {  	_ =	sfence  }
0xb7: {  	s30 =	sld [smem:$0x0];
	_ =	sdelay $0x2  }
0xb8: {  	s31 =	sshll.u32 s1, $0xD;
	s1 =	sshrl.u32 s1, $0x2  }
0xb9: {  	s3 =	sand.u32 $0x4000, s31;
	s1 =	sadd.s32 s1, s30  }
0xba: {  	s0 =	sor.u32 s3, s0;
	s1 =	sshll.u32 s1, $0x11  }
0xbb: {  	s0 =	sor.u32 s1, s0  }
0xbc: {  	s0 =	sadd.s32 $0x8F2B, s0  }
0xbd: {  	[sflag:s0] =	ssyncadd.remote.s32 $0x1  }
0xbe: {  	_ =	sfence.sel $0xFFFF  }
0xbf: {  	[dreg:$0x0] =	wrdreg $0xFFFFFFFF;
	(pc) =	sbr.abs _section_cstart, $3  }
0xc0: {  	[dreg:$0x1] =	wrdreg $0xFFFFFFFF  }
0xc1: {  	_ =	task.clear_ibuf [dreg:s6], $0x2FFFF;
	_ =	strace $0x9FFFFFFF  }
0xc2: {  	(tm) =	ssettm $0x7FFFFFFF  }
0xc3: {  	_ =	shalt  }
tec
execute0_lowered:
.L_overlay_start_1:
0x0: {  	(tag) =	ssettag $0x1  }
0x1: {  	s0 =	rddreg [dreg:$0x0]  }
0x2: {  	s1 =	rddreg [dreg:$0x1]  }
0x3: {  	s2 =	simm.s32 $0x0;
	s3 =	srdreg.scid;
	s8 =	stileid.u32  }
0x4: {  	s21 =	simm.s32 $0x3;
	s22 =	simm.s32 $0x1400;
	s23 =	simm.s32 $0x80  }
0x5: {  	s28 =	simm.s32 $0x1380;
	s29 =	simm.s32 $0x2700;
	s30 =	simm.s32 $0x2780  }
0x6: {  	s31 =	simm.s32 $0x0;
	[smem:$0x7FF] =	sst s2;
	s4 =	sadd.s32 $0x16E00, s0  }
0x7: {  	s12 =	sadd.s32 $0xCE00, s0;
	s3 =	sand.u32 $0x1, s3;
	s5 =	smul.u32 $0x50000, s8  }
0x8: {  	s13 =	sadd.s32 $0x2E00, s0;
	s0 =	sadd.s32 $0x3E000, s0;
	s14 =	smul.u32 $0x14000, s8  }
0x9: {  	_ =	strace $0x8000004A;
	s6 =	ssub.s32 $0x2, s3;
	s24 =	sshll.u32 s3, $0x4  }
0xa: {  	s3 =	smul.u32 $0x140000, s3;
	s7 =	sshrl.u32 s6, $0x1;
	s5 =	sshrl.u32 s5, $0x2  }
0xb: {  	s15 =	sadd.s32 $0x4000, s14;
	s16 =	sadd.s32 $0x8000, s14;
	s8 =	sor.u32 s8, s24  }
0xc: {  	s17 =	sadd.s32 $0xC000, s14;
	s18 =	sadd.s32 $0x10000, s14;
	s24 =	simm.s32 $0x6800  }
0xd: {  	s19 =	ssub.s32 s6, s7;
	s5 =	sadd.s32 s5, s1;
	s11 =	smul.u32 $0x500, s8  }
0xe: {  	s6 =	sadd.s32 s15, s1;
	s7 =	sadd.s32 s16, s1;
	s20 =	smul.u32 $0x2800, s8  }
0xf: {  	s8 =	sadd.s32 s17, s1;
	s9 =	sadd.s32 s18, s1;
	s14 =	sadd.s32 s14, s3  }
0x10: {  	s15 =	sadd.s32 s3, s15;
	s16 =	sadd.s32 s3, s16;
	s17 =	sadd.s32 s3, s17  }
0x11: {  	s3 =	sadd.s32 s3, s18;
	s14 =	sshrl.u32 s14, $0x3;
	s15 =	sshrl.u32 s15, $0x3  }
0x12: {  	s16 =	sshrl.u32 s16, $0x3;
	s17 =	sshrl.u32 s17, $0x3;
	s3 =	sshrl.u32 s3, $0x3  }
0x13: {  	s19 =	smax.u32 s19, $0x1;
	s10 =	sadd.s32 s12, s11;
	s25 =	sadd.s32 s13, s11  }
0x14: {  	s20 =	sshrl.u32 s20, $0x3;
	s14 =	sadd.s32 s0, s14;
	s15 =	sadd.s32 s0, s15  }
0x15: {  	s16 =	sadd.s32 s0, s16;
	s17 =	sadd.s32 s0, s17;
	[dreg:$0x3] =	wrdreg s10  }
0x16: {  	s18 =	sadd.s32 s0, s3;
	[dreg:$0x4] =	wrdreg s25;
	s20 =	sadd.s32 $0x280, s20  }
0x17: {  	s25 =	simm.s32 $0x1;
	s26 =	sadd.s32 s12, s20;
	s13 =	sadd.s32 s13, s20  }
0x18: {  	v0 =	vimm.f32 $0.0e+00;
	s20 =	simm.s32 $0x2800;
	[dreg:$0x5] =	wrdreg s26;
	s26 =	simm.s32 $0x2  }
.LBB2_1:
0x19: {  	s0 =	simm.s32 $0x0;
	s3 =	simm.s32 $0x200  }
.LBB2_2:
0x1a: {  	p0 =	sne.s32 s3, $0xFE00;
	[tilespmem:s0+$0x2870] =	vst v0  }
0x1b: {  	[tilespmem:s0+$0x2800] =	vst v0  }
0x1c: {  	[tilespmem:s0+$0x2810] =	vst v0  }
.Ltmp0:
0x1d: {  	[tilespmem:s0+$0x2820] =	vst v0;
	(pc) =	sbr.rel @p0 .LBB2_2-.Ltmp0, $4  }
0x1e: {  	[tilespmem:s0+$0x2830] =	vst v0  }
0x1f: {  	[tilespmem:s0+$0x2840] =	vst v0  }
0x20: {  	[tilespmem:s0+$0x2850] =	vst v0  }
0x21: {  	[tilespmem:s0+$0x2860] =	vst v0;
	s0 =	sshra.s32 s3, $0x2;
	s3 =	sadd.s32 $0x200, s3  }
0x22: {  	[tilespmem:s0+$0x2870] =	vst v0  }
0x23: {  	[tilespmem:s0+$0x2800] =	vst v0  }
0x24: {  	[tilespmem:s0+$0x2810] =	vst v0  }
0x25: {  	[tilespmem:s0+$0x2820] =	vst v0  }
0x26: {  	[tilespmem:s0+$0x2830] =	vst v0  }
0x27: {  	[tilespmem:s0+$0x2840] =	vst v0  }
0x28: {  	[tilespmem:s0+$0x2850] =	vst v0  }
0x29: {  	[tilespmem:s0+$0x2860] =	vst v0  }
0x2a: {  	[spmem:s5] =	stream.linear.scatter [tilespmem:s20], [sflag:$0x3], $0x4000, $0x38;
	[tilespmem:$0x1E800] =	vst v63  }
0x2b: {  	_ =	swait.ge [sflag:s21], $0x4000  }
0x2c: {  	[sflag:s21] =	ssyncset.done $0x0  }
0x2d: {  	[sflag:s21] =	ssyncadd.s32 $0xFFFFC000  }
0x2e: {  	[spmem:s6] =	stream.linear.scatter [tilespmem:s20], [sflag:$0x3], $0x4000, $0x38;
	[tilespmem:$0x1E800] =	vst v63  }
0x2f: {  	_ =	swait.ge [sflag:s21], $0x4000  }
0x30: {  	[sflag:s21] =	ssyncset.done $0x0  }
0x31: {  	[sflag:s21] =	ssyncadd.s32 $0xFFFFC000  }
0x32: {  	[spmem:s7] =	stream.linear.scatter [tilespmem:s20], [sflag:$0x3], $0x4000, $0x38;
	[tilespmem:$0x1E800] =	vst v63  }
0x33: {  	_ =	swait.ge [sflag:s21], $0x4000  }
0x34: {  	[sflag:s21] =	ssyncset.done $0x0  }
0x35: {  	[sflag:s21] =	ssyncadd.s32 $0xFFFFC000  }
0x36: {  	[spmem:s8] =	stream.linear.scatter [tilespmem:s20], [sflag:$0x3], $0x4000, $0x38;
	[tilespmem:$0x1E800] =	vst v63  }
0x37: {  	_ =	swait.ge [sflag:s21], $0x4000  }
0x38: {  	[sflag:s21] =	ssyncset.done $0x0  }
0x39: {  	[sflag:s21] =	ssyncadd.s32 $0xFFFFC000  }
0x3a: {  	[spmem:s9] =	stream.linear.scatter [tilespmem:s20], [sflag:$0x3], $0x4000, $0x38;
	[tilespmem:$0x1E800] =	vst v63  }
0x3b: {  	_ =	swait.ge [sflag:s21], $0x4000  }
0x3c: {  	[sflag:s21] =	ssyncset.done $0x0  }
0x3d: {  	[sflag:s21] =	ssyncadd.s32 $0xFFFFC000  }
0x3e: {  	[bflag:$0x0] =	sbarrier.arrive $0xFFFF  }
0x3f: {  	s11 =	simm.s32 $0x0;
	s3 =	rddreg [dreg:$0x3]  }
0x40: {  	[tilespmem:s11], [sflag:$0x3] =	stream.linear.gather [hbm4b:s3+s11], $0x1400, $0x38;
	[tilespmem:$0x1E800] =	vst v63  }
0x41: {  	_ =	swait.ge [sflag:s21], $0x1400  }
0x42: {  	[sflag:s21] =	ssyncset.done $0x0  }
0x43: {  	s12 =	rddreg [dreg:$0x4];
	[sflag:s21] =	ssyncadd.s32 $0xFFFFEC00  }
0x44: {  	[tilespmem:s22], [sflag:$0x3] =	stream.linear.gather [hbm4b:s12+s11], $0x1400, $0x38;
	[tilespmem:$0x1E800] =	vst v63  }
0x45: {  	_ =	swait.ge [sflag:s21], $0x1400  }
0x46: {  	[sflag:s21] =	ssyncset.done $0x0  }
0x47: {  	[sflag:s21] =	ssyncadd.s32 $0xFFFFEC00  }
0x48: {  	[tilespmem:s20], [sflag:$0x1] =	stream.indirect.gather [hbm4b:s4+s23], $0x80, s11, s23, $0xb8;
	[tilespmem:$0x1E800] =	vst v63  }
0x49: {  	s3 =	simm.s32 $0x80  }
0x4a: {  	[tilespmem:s24], [sflag:$0x2] =	stream.indirect.gather [hbm4b:s4+s23], $0x80, s3, s23, $0xb8;
	[tilespmem:$0x1E800] =	vst v63  }
0x4b: {  	_ =	swait.ge [sflag:s25], $0x4000  }
0x4c: {  	[sflag:s25] =	ssyncset.done $0x0  }
0x4d: {  	s10 =	simm.s32 $0x1400;
	[sflag:s25] =	ssyncadd.s32 $0xFFFFC000  }
0x4e: {  	[spmem:s1] =	stream.indirect.scatter.add.f32 [tilespmem:s20], [sflag:$0x3], $0x80, s10, s23, $0xb8;
	[tilespmem:$0x1E800] =	vst v63  }
0x4f: {  	_ =	swait.ge [sflag:s21], $0x4000  }
0x50: {  	[sflag:s21] =	ssyncset.done $0x0  }
0x51: {  	s11 =	simm.s32 $0x100;
	[sflag:s21] =	ssyncadd.s32 $0xFFFFC000  }
0x52: {  	[tilespmem:s20], [sflag:$0x1] =	stream.indirect.gather [hbm4b:s4+s23], $0x80, s11, s23, $0xb8;
	[tilespmem:$0x1E800] =	vst v63  }
0x53: {  	_ =	swait.ge [sflag:s26], $0x4000  }
0x54: {  	[sflag:s26] =	ssyncset.done $0x0  }
0x55: {  	s12 =	simm.s32 $0x1480;
	[sflag:s26] =	ssyncadd.s32 $0xFFFFC000  }
0x56: {  	[spmem:s1] =	stream.indirect.scatter.add.f32 [tilespmem:s24], [sflag:$0x3], $0x80, s12, s23, $0xb8;
	[tilespmem:$0x1E800] =	vst v63  }
0x57: {  	_ =	swait.ge [sflag:s21], $0x4000  }
0x58: {  	s0 =	simm.s32 $0x100;
	s3 =	simm.s32 $0x800;
	[sflag:s21] =	ssyncset.done $0x0  }
.LBB2_4:
0x59: {  	s10 =	sadd.s32 $0x80, s0  }
0x5a: {  	[sflag:s21] =	ssyncadd.s32 $0xFFFFC000;
	s11 =	smov.u32 s3;
	s12 =	sadd.s32 $0x400, s3  }
0x5b: {  	[tilespmem:s24], [sflag:$0x2] =	stream.indirect.gather [hbm4b:s4+s23], $0x80, s10, s23, $0xb8;
	[tilespmem:$0x1E800] =	vst v63  }
0x5c: {  	p0 =	sne.s32 s3, $0x4800;
	_ =	swait.ge [sflag:s25], $0x4000  }
0x5d: {  	[sflag:s25] =	ssyncset.done $0x0  }
0x5e: {  	s3 =	sadd.s32 $0x1400, s0;
	[sflag:s25] =	ssyncadd.s32 $0xFFFFC000  }
0x5f: {  	[spmem:s1] =	stream.indirect.scatter.add.f32 [tilespmem:s20], [sflag:$0x3], $0x80, s3, s23, $0xb8;
	[tilespmem:$0x1E800] =	vst v63  }
0x60: {  	_ =	swait.ge [sflag:s21], $0x4000  }
0x61: {  	[sflag:s21] =	ssyncset.done $0x0  }
0x62: {  	s3 =	sadd.s32 $0x100, s0;
	[sflag:s21] =	ssyncadd.s32 $0xFFFFC000  }
0x63: {  	[tilespmem:s20], [sflag:$0x1] =	stream.indirect.gather [hbm4b:s4+s23], $0x80, s3, s23, $0xb8;
	[tilespmem:$0x1E800] =	vst v63  }
0x64: {  	_ =	swait.ge [sflag:s26], $0x4000  }
.Ltmp1:
0x65: {  	[sflag:s26] =	ssyncset.done $0x0;
	(pc) =	sbr.rel @p0 .LBB2_4-.Ltmp1, $4  }
0x66: {  	s0 =	sadd.s32 $0x1480, s0;
	[sflag:s26] =	ssyncadd.s32 $0xFFFFC000  }
0x67: {  	[spmem:s1] =	stream.indirect.scatter.add.f32 [tilespmem:s24], [sflag:$0x3], $0x80, s0, s23, $0xb8;
	[tilespmem:$0x1E800] =	vst v63  }
0x68: {  	_ =	swait.ge [sflag:s21], $0x4000  }
0x69: {  	s3 =	smov.u32 s12;
	s0 =	sshra.s32 s11, $0x2;
	[sflag:s21] =	ssyncset.done $0x0  }
0x6a: {  	s3 =	sadd.s32 $0x80, s0;
	[sflag:s21] =	ssyncadd.s32 $0xFFFFC000  }
0x6b: {  	[tilespmem:s24], [sflag:$0x2] =	stream.indirect.gather [hbm4b:s4+s23], $0x80, s3, s23, $0xb8;
	[tilespmem:$0x1E800] =	vst v63  }
0x6c: {  	_ =	swait.ge [sflag:s25], $0x4000  }
0x6d: {  	[sflag:s25] =	ssyncset.done $0x0  }
0x6e: {  	s11 =	sadd.s32 $0x1400, s0;
	[sflag:s25] =	ssyncadd.s32 $0xFFFFC000  }
0x6f: {  	[spmem:s1] =	stream.indirect.scatter.add.f32 [tilespmem:s20], [sflag:$0x3], $0x80, s11, s23, $0xb8;
	[tilespmem:$0x1E800] =	vst v63  }
0x70: {  	_ =	swait.ge [sflag:s21], $0x4000  }
0x71: {  	[sflag:s21] =	ssyncset.done $0x0  }
0x72: {  	s12 =	sadd.s32 $0x100, s0;
	[sflag:s21] =	ssyncadd.s32 $0xFFFFC000  }
0x73: {  	[tilespmem:s20], [sflag:$0x1] =	stream.indirect.gather [hbm4b:s4+s23], $0x80, s12, s23, $0xb8;
	[tilespmem:$0x1E800] =	vst v63  }
0x74: {  	_ =	swait.ge [sflag:s26], $0x4000  }
0x75: {  	[sflag:s26] =	ssyncset.done $0x0  }
0x76: {  	s10 =	sadd.s32 $0x1480, s0;
	[sflag:s26] =	ssyncadd.s32 $0xFFFFC000  }
0x77: {  	[spmem:s1] =	stream.indirect.scatter.add.f32 [tilespmem:s24], [sflag:$0x3], $0x80, s10, s23, $0xb8;
	[tilespmem:$0x1E800] =	vst v63  }
0x78: {  	_ =	swait.ge [sflag:s21], $0x4000  }
0x79: {  	[sflag:s21] =	ssyncset.done $0x0  }
0x7a: {  	[sflag:s21] =	ssyncadd.s32 $0xFFFFC000  }
0x7b: {  	[tilespmem:s24], [sflag:$0x2] =	stream.indirect.gather [hbm4b:s4+s23], $0x80, s28, s23, $0xb8;
	[tilespmem:$0x1E800] =	vst v63  }
0x7c: {  	_ =	swait.ge [sflag:s25], $0x4000  }
0x7d: {  	[sflag:s25] =	ssyncset.done $0x0  }
0x7e: {  	[sflag:s25] =	ssyncadd.s32 $0xFFFFC000  }
0x7f: {  	[spmem:s1] =	stream.indirect.scatter.add.f32 [tilespmem:s20], [sflag:$0x3], $0x80, s29, s23, $0xb8;
	[tilespmem:$0x1E800] =	vst v63  }
0x80: {  	_ =	swait.ge [sflag:s21], $0x4000  }
0x81: {  	[sflag:s21] =	ssyncset.done $0x0  }
0x82: {  	[sflag:s21] =	ssyncadd.s32 $0xFFFFC000  }
0x83: {  	[tilespmem:s20], [sflag:$0x1] =	stream.indirect.gather [hbm4b:s4+s23], $0x80, s28, s23, $0xb8;
	[tilespmem:$0x1E800] =	vst v63  }
0x84: {  	_ =	swait.ge [sflag:s26], $0x4000  }
0x85: {  	[sflag:s26] =	ssyncset.done $0x0  }
0x86: {  	[sflag:s26] =	ssyncadd.s32 $0xFFFFC000  }
0x87: {  	[spmem:s1] =	stream.indirect.scatter.add.f32 [tilespmem:s24], [sflag:$0x3], $0x80, s30, s23, $0xb8;
	[tilespmem:$0x1E800] =	vst v63  }
0x88: {  	_ =	swait.ge [sflag:s21], $0x4000  }
0x89: {  	[sflag:s21] =	ssyncset.done $0x0  }
0x8a: {  	[sflag:s21] =	ssyncadd.s32 $0xFFFFC000  }
0x8b: {  	_ =	swait.ge [sflag:s25], $0x4000  }
0x8c: {  	[sflag:s25] =	ssyncset.done $0x0  }
0x8d: {  	s11 =	simm.s32 $0x0;
	s12 =	rddreg [dreg:$0x5];
	[sflag:s25] =	ssyncadd.s32 $0xFFFFC000  }
0x8e: {  	[tilespmem:s11], [sflag:$0x3] =	stream.linear.gather [hbm4b:s12+s11], $0x1400, $0x38;
	[tilespmem:$0x1E800] =	vst v63  }
0x8f: {  	_ =	swait.ge [sflag:s21], $0x1400  }
0x90: {  	[sflag:s21] =	ssyncset.done $0x0  }
0x91: {  	[sflag:s21] =	ssyncadd.s32 $0xFFFFEC00  }
0x92: {  	[tilespmem:s22], [sflag:$0x3] =	stream.linear.gather [hbm4b:s13+s11], $0x1400, $0x38;
	[tilespmem:$0x1E800] =	vst v63  }
0x93: {  	_ =	swait.ge [sflag:s21], $0x1400  }
0x94: {  	[sflag:s21] =	ssyncset.done $0x0  }
0x95: {  	[sflag:s21] =	ssyncadd.s32 $0xFFFFEC00  }
0x96: {  	[tilespmem:s20], [sflag:$0x1] =	stream.indirect.gather [hbm4b:s4+s23], $0x80, s11, s23, $0xb8;
	[tilespmem:$0x1E800] =	vst v63  }
0x97: {  	s3 =	simm.s32 $0x80  }
0x98: {  	[tilespmem:s24], [sflag:$0x2] =	stream.indirect.gather [hbm4b:s4+s23], $0x80, s3, s23, $0xb8;
	[tilespmem:$0x1E800] =	vst v63  }
0x99: {  	_ =	swait.ge [sflag:s25], $0x4000  }
0x9a: {  	[sflag:s25] =	ssyncset.done $0x0  }
0x9b: {  	s10 =	simm.s32 $0x1400;
	[sflag:s25] =	ssyncadd.s32 $0xFFFFC000  }
0x9c: {  	[spmem:s1] =	stream.indirect.scatter.add.f32 [tilespmem:s20], [sflag:$0x3], $0x80, s10, s23, $0xb8;
	[tilespmem:$0x1E800] =	vst v63  }
0x9d: {  	_ =	swait.ge [sflag:s21], $0x4000  }
0x9e: {  	[sflag:s21] =	ssyncset.done $0x0  }
0x9f: {  	s11 =	simm.s32 $0x100;
	[sflag:s21] =	ssyncadd.s32 $0xFFFFC000  }
0xa0: {  	[tilespmem:s20], [sflag:$0x1] =	stream.indirect.gather [hbm4b:s4+s23], $0x80, s11, s23, $0xb8;
	[tilespmem:$0x1E800] =	vst v63  }
0xa1: {  	_ =	swait.ge [sflag:s26], $0x4000  }
0xa2: {  	[sflag:s26] =	ssyncset.done $0x0  }
0xa3: {  	s12 =	simm.s32 $0x1480;
	[sflag:s26] =	ssyncadd.s32 $0xFFFFC000  }
0xa4: {  	[spmem:s1] =	stream.indirect.scatter.add.f32 [tilespmem:s24], [sflag:$0x3], $0x80, s12, s23, $0xb8;
	[tilespmem:$0x1E800] =	vst v63  }
0xa5: {  	_ =	swait.ge [sflag:s21], $0x4000  }
0xa6: {  	s0 =	simm.s32 $0x100;
	s3 =	simm.s32 $0x800;
	[sflag:s21] =	ssyncset.done $0x0  }
.LBB2_6:
0xa7: {  	s10 =	sadd.s32 $0x80, s0  }
0xa8: {  	[sflag:s21] =	ssyncadd.s32 $0xFFFFC000;
	s11 =	smov.u32 s3;
	s12 =	sadd.s32 $0x400, s3  }
0xa9: {  	[tilespmem:s24], [sflag:$0x2] =	stream.indirect.gather [hbm4b:s4+s23], $0x80, s10, s23, $0xb8;
	[tilespmem:$0x1E800] =	vst v63  }
0xaa: {  	p0 =	sne.s32 s3, $0x4800;
	_ =	swait.ge [sflag:s25], $0x4000  }
0xab: {  	[sflag:s25] =	ssyncset.done $0x0  }
0xac: {  	s3 =	sadd.s32 $0x1400, s0;
	[sflag:s25] =	ssyncadd.s32 $0xFFFFC000  }
0xad: {  	[spmem:s1] =	stream.indirect.scatter.add.f32 [tilespmem:s20], [sflag:$0x3], $0x80, s3, s23, $0xb8;
	[tilespmem:$0x1E800] =	vst v63  }
0xae: {  	_ =	swait.ge [sflag:s21], $0x4000  }
0xaf: {  	[sflag:s21] =	ssyncset.done $0x0  }
0xb0: {  	s3 =	sadd.s32 $0x100, s0;
	[sflag:s21] =	ssyncadd.s32 $0xFFFFC000  }
0xb1: {  	[tilespmem:s20], [sflag:$0x1] =	stream.indirect.gather [hbm4b:s4+s23], $0x80, s3, s23, $0xb8;
	[tilespmem:$0x1E800] =	vst v63  }
0xb2: {  	_ =	swait.ge [sflag:s26], $0x4000  }
.Ltmp2:
0xb3: {  	[sflag:s26] =	ssyncset.done $0x0;
	(pc) =	sbr.rel @p0 .LBB2_6-.Ltmp2, $4  }
0xb4: {  	s0 =	sadd.s32 $0x1480, s0;
	[sflag:s26] =	ssyncadd.s32 $0xFFFFC000  }
0xb5: {  	[spmem:s1] =	stream.indirect.scatter.add.f32 [tilespmem:s24], [sflag:$0x3], $0x80, s0, s23, $0xb8;
	[tilespmem:$0x1E800] =	vst v63  }
0xb6: {  	_ =	swait.ge [sflag:s21], $0x4000  }
0xb7: {  	s3 =	smov.u32 s12;
	s0 =	sshra.s32 s11, $0x2;
	[sflag:s21] =	ssyncset.done $0x0  }
0xb8: {  	s3 =	sadd.s32 $0x80, s0;
	[sflag:s21] =	ssyncadd.s32 $0xFFFFC000  }
0xb9: {  	[tilespmem:s24], [sflag:$0x2] =	stream.indirect.gather [hbm4b:s4+s23], $0x80, s3, s23, $0xb8;
	[tilespmem:$0x1E800] =	vst v63  }
0xba: {  	_ =	swait.ge [sflag:s25], $0x4000  }
0xbb: {  	[sflag:s25] =	ssyncset.done $0x0  }
0xbc: {  	s10 =	sadd.s32 $0x1400, s0;
	[sflag:s25] =	ssyncadd.s32 $0xFFFFC000  }
0xbd: {  	[spmem:s1] =	stream.indirect.scatter.add.f32 [tilespmem:s20], [sflag:$0x3], $0x80, s10, s23, $0xb8;
	[tilespmem:$0x1E800] =	vst v63  }
0xbe: {  	_ =	swait.ge [sflag:s21], $0x4000  }
0xbf: {  	[sflag:s21] =	ssyncset.done $0x0  }
0xc0: {  	s11 =	sadd.s32 $0x100, s0;
	[sflag:s21] =	ssyncadd.s32 $0xFFFFC000  }
0xc1: {  	[tilespmem:s20], [sflag:$0x1] =	stream.indirect.gather [hbm4b:s4+s23], $0x80, s11, s23, $0xb8;
	[tilespmem:$0x1E800] =	vst v63  }
0xc2: {  	_ =	swait.ge [sflag:s26], $0x4000  }
0xc3: {  	[sflag:s26] =	ssyncset.done $0x0  }
0xc4: {  	s12 =	sadd.s32 $0x1480, s0;
	[sflag:s26] =	ssyncadd.s32 $0xFFFFC000  }
0xc5: {  	[spmem:s1] =	stream.indirect.scatter.add.f32 [tilespmem:s24], [sflag:$0x3], $0x80, s12, s23, $0xb8;
	[tilespmem:$0x1E800] =	vst v63  }
0xc6: {  	_ =	swait.ge [sflag:s21], $0x4000  }
0xc7: {  	[sflag:s21] =	ssyncset.done $0x0  }
0xc8: {  	[sflag:s21] =	ssyncadd.s32 $0xFFFFC000  }
0xc9: {  	[tilespmem:s24], [sflag:$0x2] =	stream.indirect.gather [hbm4b:s4+s23], $0x80, s28, s23, $0xb8;
	[tilespmem:$0x1E800] =	vst v63  }
0xca: {  	_ =	swait.ge [sflag:s25], $0x4000  }
0xcb: {  	[sflag:s25] =	ssyncset.done $0x0  }
0xcc: {  	[sflag:s25] =	ssyncadd.s32 $0xFFFFC000  }
0xcd: {  	[spmem:s1] =	stream.indirect.scatter.add.f32 [tilespmem:s20], [sflag:$0x3], $0x80, s29, s23, $0xb8;
	[tilespmem:$0x1E800] =	vst v63  }
0xce: {  	_ =	swait.ge [sflag:s21], $0x4000  }
0xcf: {  	[sflag:s21] =	ssyncset.done $0x0  }
0xd0: {  	[sflag:s21] =	ssyncadd.s32 $0xFFFFC000  }
0xd1: {  	[tilespmem:s20], [sflag:$0x1] =	stream.indirect.gather [hbm4b:s4+s23], $0x80, s28, s23, $0xb8;
	[tilespmem:$0x1E800] =	vst v63  }
0xd2: {  	_ =	swait.ge [sflag:s26], $0x4000  }
0xd3: {  	[sflag:s26] =	ssyncset.done $0x0  }
0xd4: {  	[sflag:s26] =	ssyncadd.s32 $0xFFFFC000  }
0xd5: {  	[spmem:s1] =	stream.indirect.scatter.add.f32 [tilespmem:s24], [sflag:$0x3], $0x80, s30, s23, $0xb8;
	[tilespmem:$0x1E800] =	vst v63  }
0xd6: {  	_ =	swait.ge [sflag:s21], $0x4000  }
0xd7: {  	[sflag:s21] =	ssyncset.done $0x0  }
0xd8: {  	[sflag:s21] =	ssyncadd.s32 $0xFFFFC000  }
0xd9: {  	_ =	swait.ge [sflag:s25], $0x4000  }
0xda: {  	[sflag:s25] =	ssyncset.done $0x0  }
0xdb: {  	[sflag:s25] =	ssyncadd.s32 $0xFFFFC000  }
0xdc: {  	[bflag:$0x0] =	sbarrier.arrive $0xFFFF  }
0xdd: {  	[tilespmem:s20], [sflag:$0x3] =	stream.linear.gather [spmem:s5], $0x4000, $0x38;
	[tilespmem:$0x1E800] =	vst v63  }
0xde: {  	_ =	swait.ge [sflag:s21], $0x4000  }
0xdf: {  	[sflag:s21] =	ssyncset.done $0x0  }
0xe0: {  	[sflag:s21] =	ssyncadd.s32 $0xFFFFC000  }
0xe1: {  	[hbm4b:s14+s2] =	stream.linear.scatter [tilespmem:s20], [sflag:$0x3], $0x4000, $0x38;
	[tilespmem:$0x1E800] =	vst v63  }
0xe2: {  	_ =	swait.ge [sflag:s21], $0x4000  }
0xe3: {  	[sflag:s21] =	ssyncset.done $0x0  }
0xe4: {  	[sflag:s21] =	ssyncadd.s32 $0xFFFFC000  }
0xe5: {  	[tilespmem:s20], [sflag:$0x3] =	stream.linear.gather [spmem:s6], $0x4000, $0x38;
	[tilespmem:$0x1E800] =	vst v63  }
0xe6: {  	_ =	swait.ge [sflag:s21], $0x4000  }
0xe7: {  	[sflag:s21] =	ssyncset.done $0x0  }
0xe8: {  	[sflag:s21] =	ssyncadd.s32 $0xFFFFC000  }
0xe9: {  	[hbm4b:s15+s2] =	stream.linear.scatter [tilespmem:s20], [sflag:$0x3], $0x4000, $0x38;
	[tilespmem:$0x1E800] =	vst v63  }
0xea: {  	_ =	swait.ge [sflag:s21], $0x4000  }
0xeb: {  	[sflag:s21] =	ssyncset.done $0x0  }
0xec: {  	[sflag:s21] =	ssyncadd.s32 $0xFFFFC000  }
0xed: {  	[tilespmem:s20], [sflag:$0x3] =	stream.linear.gather [spmem:s7], $0x4000, $0x38;
	[tilespmem:$0x1E800] =	vst v63  }
0xee: {  	_ =	swait.ge [sflag:s21], $0x4000  }
0xef: {  	[sflag:s21] =	ssyncset.done $0x0  }
0xf0: {  	[sflag:s21] =	ssyncadd.s32 $0xFFFFC000  }
0xf1: {  	[hbm4b:s16+s2] =	stream.linear.scatter [tilespmem:s20], [sflag:$0x3], $0x4000, $0x38;
	[tilespmem:$0x1E800] =	vst v63  }
0xf2: {  	_ =	swait.ge [sflag:s21], $0x4000  }
0xf3: {  	[sflag:s21] =	ssyncset.done $0x0  }
0xf4: {  	[sflag:s21] =	ssyncadd.s32 $0xFFFFC000  }
0xf5: {  	[tilespmem:s20], [sflag:$0x3] =	stream.linear.gather [spmem:s8], $0x4000, $0x38;
	[tilespmem:$0x1E800] =	vst v63  }
0xf6: {  	_ =	swait.ge [sflag:s21], $0x4000  }
0xf7: {  	[sflag:s21] =	ssyncset.done $0x0  }
0xf8: {  	[sflag:s21] =	ssyncadd.s32 $0xFFFFC000  }
0xf9: {  	[hbm4b:s17+s2] =	stream.linear.scatter [tilespmem:s20], [sflag:$0x3], $0x4000, $0x38;
	[tilespmem:$0x1E800] =	vst v63  }
0xfa: {  	_ =	swait.ge [sflag:s21], $0x4000  }
0xfb: {  	[sflag:s21] =	ssyncset.done $0x0  }
0xfc: {  	[sflag:s21] =	ssyncadd.s32 $0xFFFFC000  }
0xfd: {  	[tilespmem:s20], [sflag:$0x3] =	stream.linear.gather [spmem:s9], $0x4000, $0x38;
	[tilespmem:$0x1E800] =	vst v63  }
0xfe: {  	s31 =	sadd.s32 $0x1, s31;
	_ =	swait.ge [sflag:s21], $0x4000  }
0xff: {  	p0 =	sne.s32 s31, s19;
	[sflag:s21] =	ssyncset.done $0x0  }
.Ltmp3:
0x100: {  	[sflag:s21] =	ssyncadd.s32 $0xFFFFC000;
	(pc) =	sbr.rel @p0 .LBB2_1-.Ltmp3, $4  }
0x101: {  	[hbm4b:s18+s2] =	stream.linear.scatter [tilespmem:s20], [sflag:$0x3], $0x4000, $0x38;
	[tilespmem:$0x1E800] =	vst v63  }
0x102: {  	_ =	swait.ge [sflag:s21], $0x4000  }
0x103: {  	[sflag:s21] =	ssyncset.done $0x0  }
0x104: {  	[sflag:s21] =	ssyncadd.s32 $0xFFFFC000  }
0x105: {  	_ =	sfence.sel $0x180000  }
0x106: {  	[bflag:$0x0] =	sbarrier.arrive $0xFFFF  }
0x107: {  	_ =	strace $0x9000004A  }
0x108: {  	s0 =	stileid.u32;
	[bflag:$0x2] =	sbarrier.arrive $0xFFFF  }
0x109: {  	p0 =	sne.s32 s0, $0x0;
	s0 =	rddreg [dreg:$0x2]  }
0x10a: {  	s0 =	sadd.s32 @!p0 $0x100000, s0  }
0x10b: {  	[sflag:s0] =	ssyncadd.tile.s32 @!p0 $0x1;
	_ =	shalt  }
.Lfunc_end2:
_tile_overlayer_lowered:
.L_overlay_start_2:
0x10c: {  	(tag) =	ssettag $0x2  }
0x10d: {  	s0 =	rddreg [dreg:$0x0];
	s2 =	stileid.u32  }
0x10e: {  	s1 =	rddreg [dreg:$0x1];
	p0 =	sne.s32 s2, $0x0  }
0x10f: {  	s3 =	rddreg [dreg:$0x2];
	[bflag:$0x3] =	sbarrier.arrive $0xFFFF;
	s2 =	simm.s32 @!p0 $0x1C03  }
0x110: {  	[timem:s3], [sflag:s2] =	dma.local @!p0 [hbm:s0], s1  }
0x111: {  	s0 =	simm.s32 @!p0 $0x3  }
0x112: {  	_ =	swait.ge @!p0 [sflag:s0], s1  }
0x113: {  	s1 =	ssub.s32 @!p0 $0x0, s1;
	[sflag:s0] =	ssyncset.done @!p0 $0x0  }
0x114: {  	[sflag:s0] =	ssyncadd.s32 @!p0 s1  }
0x115: {  	[bflag:$0x3] =	sbarrier.arrive $0xFFFF  }
0x116: {  	_ =	shalt  }

// kernel: kernel.15.cloned.1.call-start
scs
__scs_entry_jumppad:
0x0: {  	(pc) =	sbr.rel $0x88, $3  }
0x1: {  	(tag) =	ssettag $0x0;
	lr =	simm.s32 $0x1  }
0x2: {  	[smem:$0x3F96] =	sst lr;
	_ =	strace $0xD0000000  }
0x3: {  	_ = 	snop  }
0x4: {  	_ = 	snop  }
0x5: {  	_ = 	snop  }
0x6: {  	_ = 	snop  }
0x7: {  	_ = 	snop  }
__scs_overlays_trampoline_lowered:
0x8: {  	[smem:$0x3FA5] =	sst s0  }
0x9: {  	[smem:$0x3FA6] =	sst s1  }
0xa: {  	[smem:$0x3FA7] =	sst s2  }
0xb: {  	[smem:$0x3FA8] =	sst s3  }
0xc: {  	[smem:$0x3FA9] =	sst s4  }
0xd: {  	[smem:$0x3FAA] =	sst s5  }
0xe: {  	[smem:$0x3FAB] =	sst s6  }
0xf: {  	[smem:$0x3FAC] =	sst s7  }
0x10: {  	[smem:$0x3FAD] =	sst s8  }
0x11: {  	[smem:$0x3FAE] =	sst s9;
	s0 =	simm.s32 @!p0 $0x0  }
0x12: {  	s1 =	sld [smem:$0x3F94];
	s0 =	simm.s32 @p0 $0x1  }
0x13: {  	[smem:$0x3FAF] =	sst s0;
	s0 =	simm.s32 @!p1 $0x0  }
0x14: {  	s2 =	sld [smem:$0x3F93];
	s0 =	simm.s32 @p1 $0x1  }
0x15: {  	[smem:$0x3FB0] =	sst s0;
	s0 =	simm.s32 @!p2 $0x0  }
0x16: {  	s3 =	sld [smem:$0x3FDB];
	s0 =	simm.s32 @p2 $0x1  }
0x17: {  	s4 =	simm.s32 $0x1BF5;
	[smem:$0x3FB2] =	sst s0  }
0x18: {  	s0 =	sld [smem:$0x3F95];
	_ =	swait.ge [sflag:s4], $0x0  }
0x19: {  	s7 =	sld [smem:$0x3F96]  }
0x1a: {  	s8 =	sadd.s32 $0xFFFFE003, lr  }
0x1b: {  	s9 =	sadd.s32 $0xFFFFFEF7, lr;
	s5 =	simm.s32 $0xFFFFFFFF;
	p2 =	slt.u32 s8, $0xFFFFF086  }
0x1c: {  	p1 =	slt.u32 s9, $0xF7A;
	s5 =	simm.s32 @!p2 $0x0  }
0x1d: {  	s5 =	simm.s32 @p1 $0x1;
	p0 =	seq.s32 s7, s2  }
0x1e: {  	s7 =	smul.u32 @!p0 $0xF7A, s2;
	p2 =	seq.s32 @!p0 s5, $0x0  }
0x1f: {  	s9 =	smul.u32 $0xF7A, s1;
	s8 =	simm.s32 @!p0 $0x1BF5;
	p2 =	por !p2, p0  }
0x20: {  	[sflag:s8] =	ssyncset.s32 @!p0 $0xFFFFF086;
	s6 =	sadd.s32 @!p0 s3, s7;
	s7 =	simm.s32 @!p0 $0x108  }
0x21: {  	s3 =	sadd.s32 s3, s9;
	s6 =	sadd.s32 @!p0 $0x88, s6;
	s7 =	simm.s32 @p2 $0x1082  }
0x22: {  	[simem:s7], [sflag:s8] =	dma.local @!p0 [hbm:s6], $0xF7A  }
0x23: {  	s9 =	sor.u32 $0xD0000000, s2;
	s6 =	simm.s32 $0x108;
	_ =	swait.ge @!p0 [sflag:s8], $0x0  }
0x24: {  	s3 =	sadd.s32 $0x88, s3;
	s6 =	simm.s32 @!p1 $0x1082;
	[sflag:s4] =	ssyncset.s32 $0xFFFFF086  }
0x25: {  	[simem:s6], [sflag:s4] =	dma.local [hbm:s3], $0xF7A  }
0x26: {  	[smem:$0x3F96] =	sst s1;
	(tag) =	ssettag s2;
	_ =	strace s9  }
0x27: {  	s1 =	sld [smem:$0x3FA6]  }
0x28: {  	s2 =	sld [smem:$0x3FA7]  }
0x29: {  	s4 =	sld [smem:$0x3FA9]  }
0x2a: {  	p0 =	seq.s32 s5, $0x0;
	s5 =	sld [smem:$0x3FAA]  }
0x2b: {  	s6 =	sld [smem:$0x3FAB]  }
0x2c: {  	s7 =	sld [smem:$0x3FAC]  }
0x2d: {  	s3 =	simm.s32 $0x108;
	s8 =	sld [smem:$0x3FAD]  }
0x2e: {  	s3 =	simm.s32 @!p0 $0x1082;
	s9 =	sld [smem:$0x3FAE]  }
0x2f: {  	lr =	sadd.s32 s0, s3;
	s0 =	sld [smem:$0x3FA5]  }
0x30: {  	s3 =	sld [smem:$0x3FA8]  }
0x31: {  	[smem:$0x3FB1] =	sst s10  }
0x32: {  	s10 =	sld [smem:$0x3FAF];
	_ =	sdelay $0x3  }
0x33: {  	p0 =	seq.s32 s10, $0x1;
	s10 =	sld [smem:$0x3FB1];
	_ =	sdelay $0x3  }
0x34: {  	[smem:$0x3FB1] =	sst s10  }
0x35: {  	s10 =	sld [smem:$0x3FB0];
	_ =	sdelay $0x3  }
0x36: {  	p1 =	seq.s32 s10, $0x1;
	s10 =	sld [smem:$0x3FB1];
	_ =	sdelay $0x3  }
0x37: {  	[smem:$0x3FB1] =	sst s10  }
0x38: {  	s10 =	sld [smem:$0x3FB2]  }
0x39: {  	_ = 	snop;
	(pc) =	sbr.ind lr, $3  }
0x3a: {  	_ = 	snop  }
0x3b: {  	_ = 	snop  }
0x3c: {  	p2 =	seq.s32 s10, $0x1;
	s10 =	sld [smem:$0x3FB1]  }
0x3d: {  	_ =	shalt  }
0x3e: {  	_ =	shalt  }
0x3f: {  	_ =	shalt  }
0x40: {  	_ =	shalt  }
0x41: {  	_ =	shalt  }
0x42: {  	_ =	shalt  }
0x43: {  	_ =	shalt  }
0x44: {  	_ =	shalt  }
0x45: {  	_ =	shalt  }
0x46: {  	_ =	shalt  }
0x47: {  	_ =	shalt  }
0x48: {  	_ =	shalt  }
0x49: {  	_ =	shalt  }
0x4a: {  	_ =	shalt  }
0x4b: {  	_ =	shalt  }
0x4c: {  	_ =	shalt  }
0x4d: {  	_ =	shalt  }
0x4e: {  	_ =	shalt  }
0x4f: {  	_ =	shalt  }
0x50: {  	_ =	shalt  }
0x51: {  	_ =	shalt  }
0x52: {  	_ =	shalt  }
0x53: {  	_ =	shalt  }
0x54: {  	_ =	shalt  }
0x55: {  	_ =	shalt  }
0x56: {  	_ =	shalt  }
0x57: {  	_ =	shalt  }
0x58: {  	_ =	shalt  }
0x59: {  	_ =	shalt  }
0x5a: {  	_ =	shalt  }
0x5b: {  	_ =	shalt  }
0x5c: {  	_ =	shalt  }
0x5d: {  	_ =	shalt  }
0x5e: {  	_ =	shalt  }
0x5f: {  	_ =	shalt  }
0x60: {  	_ =	shalt  }
0x61: {  	_ =	shalt  }
0x62: {  	_ =	shalt  }
0x63: {  	_ =	shalt  }
0x64: {  	_ =	shalt  }
0x65: {  	_ =	shalt  }
0x66: {  	_ =	shalt  }
0x67: {  	_ =	shalt  }
0x68: {  	_ =	shalt  }
0x69: {  	_ =	shalt  }
0x6a: {  	_ =	shalt  }
0x6b: {  	_ =	shalt  }
0x6c: {  	_ =	shalt  }
0x6d: {  	_ =	shalt  }
0x6e: {  	_ =	shalt  }
0x6f: {  	_ =	shalt  }
0x70: {  	_ =	shalt  }
0x71: {  	_ =	shalt  }
0x72: {  	_ =	shalt  }
0x73: {  	_ =	shalt  }
0x74: {  	_ =	shalt  }
0x75: {  	_ =	shalt  }
0x76: {  	_ =	shalt  }
0x77: {  	_ =	shalt  }
0x78: {  	_ =	shalt  }
0x79: {  	_ =	shalt  }
0x7a: {  	_ =	shalt  }
0x7b: {  	_ =	shalt  }
0x7c: {  	_ =	shalt  }
0x7d: {  	_ =	shalt  }
0x7e: {  	_ =	shalt  }
0x7f: {  	_ =	shalt  }
0x80: {  	_ =	shalt  }
0x81: {  	_ =	shalt  }
0x82: {  	_ =	shalt  }
0x83: {  	_ =	shalt  }
0x84: {  	_ =	shalt  }
0x85: {  	_ =	shalt  }
0x86: {  	_ =	shalt  }
0x87: {  	_ =	shalt  }
.Lfunc_end0:
.L_simem_size_0:
called_computation.2_lowered:
.L_overlay_start_0:
0x88: {  	s2 =	sld [smem:$0x3FD9]  }
0x89: {  	s3 =	sld [smem:$0x3FFE];
	_ =	sdelay $0x1  }
0x8a: {  	s1 =	srdreg.scid  }
0x8b: {  	s0 =	sand.u32 $0x1, s1  }
0x8c: {  	s16 =	sshll.u32 s0, $0xA;
	s2 =	sadd.s32 s3, s2  }
0x8d: {  	s2 =	sadd.s32 s2, s16  }
0x8e: {  	[smem:$0x3FBD] =	sst s2  }
0x8f: {  	_ = 	snop  }
0x90: {  	(tm) =	ssettm $0x1  }
0x91: {  	s17 =	sld [smem:$0x3FFB];
	_ =	sdelay $0x3  }
0x92: {  	_ =	strace s17  }
0x93: {  	s2 =	sld [smem:$0x3FFC];
	_ =	sdelay $0x3  }
0x94: {  	_ =	strace s2  }
0x95: {  	s2 =	sld [smem:$0x3FFD];
	_ =	sdelay $0x3  }
0x96: {  	_ =	strace s2  }
0x97: {  	_ =	strace $0x8FFFFFFF  }
0x98: {  	s18 =	sld [smem:$0x3FDB];
	_ =	sdelay $0x1  }
0x99: {  	s19 =	simm.s32 $_scs_section_size  }
0x9a: {  	s4 =	simm.s32 $_size__tile_overlayer_lowered;
	s5 =	simm.s32 $_tile_overlayer_lowered  }
0x9b: {  	s22 =	simm.s32 $0x1BFF;
	s21 =	sshll.u32 s5, $0x1;
	s2 =	sadd.s32 s19, s18  }
0x9c: {  	s6 =	simm.s32 $0x0;
	s20 =	sshll.u32 s4, $0x1;
	s4 =	sadd.s32 s21, s2  }
0x9d: {  	[timem:s6], [sflag:s22] =	dma.local [hbm:s4], s20  }
0x9e: {  	_ =	swait.ge [sflag:s22], s20  }
0x9f: {  	s3 =	ssub.s32 $0x0, s20;
	[sflag:s22] =	ssyncset.done $0x0  }
0xa0: {  	[sflag:s22] =	ssyncadd.s32 s3;
	_ =	sdelay $0x1  }
0xa1: {  	s23 =	simm.s32 $0x1B8B  }
0xa2: {  	_ =	swait.ge [sflag:s23], $0x1  }
0xa3: {  	[sflag:s23] =	ssyncset.done $0x0  }
0xa4: {  	s25 =	simm.s32 $0x1B8E;
	s24 =	sld [smem:$0x3FFE];
	[sflag:s23] =	ssyncadd.s32 $0xFFFFFFFF  }
0xa5: {  	s26 =	simm.s32 $execute0_lowered;
	[smem:$0x3FD2] =	sst s25  }
0xa6: {  	s4 =	sshll.u32 s26, $0x1;
	_ =	strace $0x8000004C;
	[dreg:$0x1] =	wrdreg $0xFFFFFFFF  }
0xa7: {  	s28 =	simm.s32 $_size_execute0_lowered;
	s2 =	sadd.s32 s2, s4;
	[dreg:$0x0] =	wrdreg $0x0  }
0xa8: {  	s4 =	sshll.u32 s28, $0x1;
	[dreg:$0x2] =	wrdreg s2  }
0xa9: {  	[dreg:$0x3] =	wrdreg s4  }
0xaa: {  	[dreg:$0x4] =	wrdreg $0xC0  }
0xab: {  	_ =	task [dreg:s6], $0x5FFFF  }
0xac: {  	[dreg:$0x1] =	wrdreg $0xFFFFFFFF  }
0xad: {  	[dreg:$0x0] =	wrdreg $0x60  }
0xae: {  	[dreg:$0x2] =	wrdreg s24  }
0xaf: {  	[dreg:$0x3] =	wrdreg $0xA8000  }
0xb0: {  	[dreg:$0x4] =	wrdreg $0x9  }
0xb1: {  	_ =	task.clear_ibuf [dreg:s6], $0x5FFFF;
	_ =	strace $0x9000004C  }
0xb2: {  	s29 =	simm.s32 $0x9;
	_ =	strace $0x8000004E  }
0xb3: {  	_ =	swait.ge [sflag:s29], $0x1  }
0xb4: {  	[sflag:s29] =	ssyncadd.s32 $0xFFFFFFFF  }
0xb5: {  	_ =	strace $0x9000004E  }
0xb6: {  	_ =	sfence  }
0xb7: {  	s30 =	sld [smem:$0x0];
	_ =	sdelay $0x2  }
0xb8: {  	s31 =	sshll.u32 s1, $0xD;
	s1 =	sshrl.u32 s1, $0x2  }
0xb9: {  	s3 =	sand.u32 $0x4000, s31;
	s1 =	sadd.s32 s1, s30  }
0xba: {  	s0 =	sor.u32 s3, s0;
	s1 =	sshll.u32 s1, $0x11  }
0xbb: {  	s0 =	sor.u32 s1, s0  }
0xbc: {  	s0 =	sadd.s32 $0x8F2B, s0  }
0xbd: {  	[sflag:s0] =	ssyncadd.remote.s32 $0x1  }
0xbe: {  	_ =	sfence.sel $0xFFFF  }
0xbf: {  	[dreg:$0x0] =	wrdreg $0xFFFFFFFF;
	(pc) =	sbr.abs _section_cstart, $3  }
0xc0: {  	[dreg:$0x1] =	wrdreg $0xFFFFFFFF  }
0xc1: {  	_ =	task.clear_ibuf [dreg:s6], $0x2FFFF;
	_ =	strace $0x9FFFFFFF  }
0xc2: {  	(tm) =	ssettm $0x7FFFFFFF  }
0xc3: {  	_ =	shalt  }
tec
execute0_lowered:
.L_overlay_start_1:
0x0: {  	(tag) =	ssettag $0x1  }
0x1: {  	s0 =	rddreg [dreg:$0x0]  }
0x2: {  	s1 =	rddreg [dreg:$0x1]  }
0x3: {  	s2 =	simm.s32 $0x0;
	s3 =	srdreg.scid;
	s8 =	stileid.u32  }
0x4: {  	s21 =	simm.s32 $0x3;
	s22 =	simm.s32 $0x1400;
	s23 =	simm.s32 $0x80  }
0x5: {  	s28 =	simm.s32 $0x1380;
	s29 =	simm.s32 $0x2700;
	s30 =	simm.s32 $0x2780  }
0x6: {  	s31 =	simm.s32 $0x0;
	[smem:$0x7FF] =	sst s2;
	s4 =	sadd.s32 $0x16E00, s0  }
0x7: {  	s12 =	sadd.s32 $0xCE00, s0;
	s3 =	sand.u32 $0x1, s3;
	s5 =	smul.u32 $0x50000, s8  }
0x8: {  	s13 =	sadd.s32 $0x2E00, s0;
	s0 =	sadd.s32 $0x3E000, s0;
	s14 =	smul.u32 $0x14000, s8  }
0x9: {  	_ =	strace $0x8000004D;
	s6 =	ssub.s32 $0x2, s3;
	s24 =	sshll.u32 s3, $0x4  }
0xa: {  	s3 =	smul.u32 $0x140000, s3;
	s7 =	sshrl.u32 s6, $0x1;
	s5 =	sshrl.u32 s5, $0x2  }
0xb: {  	s15 =	sadd.s32 $0x4000, s14;
	s16 =	sadd.s32 $0x8000, s14;
	s8 =	sor.u32 s8, s24  }
0xc: {  	s17 =	sadd.s32 $0xC000, s14;
	s18 =	sadd.s32 $0x10000, s14;
	s24 =	simm.s32 $0x6800  }
0xd: {  	s19 =	ssub.s32 s6, s7;
	s5 =	sadd.s32 s5, s1;
	s11 =	smul.u32 $0x500, s8  }
0xe: {  	s6 =	sadd.s32 s15, s1;
	s7 =	sadd.s32 s16, s1;
	s20 =	smul.u32 $0x2800, s8  }
0xf: {  	s8 =	sadd.s32 s17, s1;
	s9 =	sadd.s32 s18, s1;
	s14 =	sadd.s32 s14, s3  }
0x10: {  	s15 =	sadd.s32 s3, s15;
	s16 =	sadd.s32 s3, s16;
	s17 =	sadd.s32 s3, s17  }
0x11: {  	s3 =	sadd.s32 s3, s18;
	s14 =	sshrl.u32 s14, $0x3;
	s15 =	sshrl.u32 s15, $0x3  }
0x12: {  	s16 =	sshrl.u32 s16, $0x3;
	s17 =	sshrl.u32 s17, $0x3;
	s3 =	sshrl.u32 s3, $0x3  }
0x13: {  	s19 =	smax.u32 s19, $0x1;
	s10 =	sadd.s32 s12, s11;
	s25 =	sadd.s32 s13, s11  }
0x14: {  	s20 =	sshrl.u32 s20, $0x3;
	s14 =	sadd.s32 s0, s14;
	s15 =	sadd.s32 s0, s15  }
0x15: {  	s16 =	sadd.s32 s0, s16;
	s17 =	sadd.s32 s0, s17;
	[dreg:$0x3] =	wrdreg s10  }
0x16: {  	s18 =	sadd.s32 s0, s3;
	[dreg:$0x4] =	wrdreg s25;
	s20 =	sadd.s32 $0x280, s20  }
0x17: {  	s25 =	simm.s32 $0x1;
	s26 =	sadd.s32 s12, s20;
	s13 =	sadd.s32 s13, s20  }
0x18: {  	v0 =	vimm.f32 $0.0e+00;
	s20 =	simm.s32 $0x2800;
	[dreg:$0x5] =	wrdreg s26;
	s26 =	simm.s32 $0x2  }
.LBB2_1:
0x19: {  	s0 =	simm.s32 $0x0;
	s3 =	simm.s32 $0x200  }
.LBB2_2:
0x1a: {  	p0 =	sne.s32 s3, $0xFE00;
	[tilespmem:s0+$0x2870] =	vst v0  }
0x1b: {  	[tilespmem:s0+$0x2800] =	vst v0  }
0x1c: {  	[tilespmem:s0+$0x2810] =	vst v0  }
.Ltmp0:
0x1d: {  	[tilespmem:s0+$0x2820] =	vst v0;
	(pc) =	sbr.rel @p0 .LBB2_2-.Ltmp0, $4  }
0x1e: {  	[tilespmem:s0+$0x2830] =	vst v0  }
0x1f: {  	[tilespmem:s0+$0x2840] =	vst v0  }
0x20: {  	[tilespmem:s0+$0x2850] =	vst v0  }
0x21: {  	[tilespmem:s0+$0x2860] =	vst v0;
	s0 =	sshra.s32 s3, $0x2;
	s3 =	sadd.s32 $0x200, s3  }
0x22: {  	[tilespmem:s0+$0x2870] =	vst v0  }
0x23: {  	[tilespmem:s0+$0x2800] =	vst v0  }
0x24: {  	[tilespmem:s0+$0x2810] =	vst v0  }
0x25: {  	[tilespmem:s0+$0x2820] =	vst v0  }
0x26: {  	[tilespmem:s0+$0x2830] =	vst v0  }
0x27: {  	[tilespmem:s0+$0x2840] =	vst v0  }
0x28: {  	[tilespmem:s0+$0x2850] =	vst v0  }
0x29: {  	[tilespmem:s0+$0x2860] =	vst v0  }
0x2a: {  	[spmem:s5] =	stream.linear.scatter [tilespmem:s20], [sflag:$0x3], $0x4000, $0x38;
	[tilespmem:$0x1E800] =	vst v63  }
0x2b: {  	_ =	swait.ge [sflag:s21], $0x4000  }
0x2c: {  	[sflag:s21] =	ssyncset.done $0x0  }
0x2d: {  	[sflag:s21] =	ssyncadd.s32 $0xFFFFC000  }
0x2e: {  	[spmem:s6] =	stream.linear.scatter [tilespmem:s20], [sflag:$0x3], $0x4000, $0x38;
	[tilespmem:$0x1E800] =	vst v63  }
0x2f: {  	_ =	swait.ge [sflag:s21], $0x4000  }
0x30: {  	[sflag:s21] =	ssyncset.done $0x0  }
0x31: {  	[sflag:s21] =	ssyncadd.s32 $0xFFFFC000  }
0x32: {  	[spmem:s7] =	stream.linear.scatter [tilespmem:s20], [sflag:$0x3], $0x4000, $0x38;
	[tilespmem:$0x1E800] =	vst v63  }
0x33: {  	_ =	swait.ge [sflag:s21], $0x4000  }
0x34: {  	[sflag:s21] =	ssyncset.done $0x0  }
0x35: {  	[sflag:s21] =	ssyncadd.s32 $0xFFFFC000  }
0x36: {  	[spmem:s8] =	stream.linear.scatter [tilespmem:s20], [sflag:$0x3], $0x4000, $0x38;
	[tilespmem:$0x1E800] =	vst v63  }
0x37: {  	_ =	swait.ge [sflag:s21], $0x4000  }
0x38: {  	[sflag:s21] =	ssyncset.done $0x0  }
0x39: {  	[sflag:s21] =	ssyncadd.s32 $0xFFFFC000  }
0x3a: {  	[spmem:s9] =	stream.linear.scatter [tilespmem:s20], [sflag:$0x3], $0x4000, $0x38;
	[tilespmem:$0x1E800] =	vst v63  }
0x3b: {  	_ =	swait.ge [sflag:s21], $0x4000  }
0x3c: {  	[sflag:s21] =	ssyncset.done $0x0  }
0x3d: {  	[sflag:s21] =	ssyncadd.s32 $0xFFFFC000  }
0x3e: {  	[bflag:$0x0] =	sbarrier.arrive $0xFFFF  }
0x3f: {  	s11 =	simm.s32 $0x0;
	s3 =	rddreg [dreg:$0x3]  }
0x40: {  	[tilespmem:s11], [sflag:$0x3] =	stream.linear.gather [hbm4b:s3+s11], $0x1400, $0x38;
	[tilespmem:$0x1E800] =	vst v63  }
0x41: {  	_ =	swait.ge [sflag:s21], $0x1400  }
0x42: {  	[sflag:s21] =	ssyncset.done $0x0  }
0x43: {  	s12 =	rddreg [dreg:$0x4];
	[sflag:s21] =	ssyncadd.s32 $0xFFFFEC00  }
0x44: {  	[tilespmem:s22], [sflag:$0x3] =	stream.linear.gather [hbm4b:s12+s11], $0x1400, $0x38;
	[tilespmem:$0x1E800] =	vst v63  }
0x45: {  	_ =	swait.ge [sflag:s21], $0x1400  }
0x46: {  	[sflag:s21] =	ssyncset.done $0x0  }
0x47: {  	[sflag:s21] =	ssyncadd.s32 $0xFFFFEC00  }
0x48: {  	[tilespmem:s20], [sflag:$0x1] =	stream.indirect.gather [hbm4b:s4+s23], $0x80, s11, s23, $0xb8;
	[tilespmem:$0x1E800] =	vst v63  }
0x49: {  	s3 =	simm.s32 $0x80  }
0x4a: {  	[tilespmem:s24], [sflag:$0x2] =	stream.indirect.gather [hbm4b:s4+s23], $0x80, s3, s23, $0xb8;
	[tilespmem:$0x1E800] =	vst v63  }
0x4b: {  	_ =	swait.ge [sflag:s25], $0x4000  }
0x4c: {  	[sflag:s25] =	ssyncset.done $0x0  }
0x4d: {  	s10 =	simm.s32 $0x1400;
	[sflag:s25] =	ssyncadd.s32 $0xFFFFC000  }
0x4e: {  	[spmem:s1] =	stream.indirect.scatter.add.f32 [tilespmem:s20], [sflag:$0x3], $0x80, s10, s23, $0xb8;
	[tilespmem:$0x1E800] =	vst v63  }
0x4f: {  	_ =	swait.ge [sflag:s21], $0x4000  }
0x50: {  	[sflag:s21] =	ssyncset.done $0x0  }
0x51: {  	s11 =	simm.s32 $0x100;
	[sflag:s21] =	ssyncadd.s32 $0xFFFFC000  }
0x52: {  	[tilespmem:s20], [sflag:$0x1] =	stream.indirect.gather [hbm4b:s4+s23], $0x80, s11, s23, $0xb8;
	[tilespmem:$0x1E800] =	vst v63  }
0x53: {  	_ =	swait.ge [sflag:s26], $0x4000  }
0x54: {  	[sflag:s26] =	ssyncset.done $0x0  }
0x55: {  	s12 =	simm.s32 $0x1480;
	[sflag:s26] =	ssyncadd.s32 $0xFFFFC000  }
0x56: {  	[spmem:s1] =	stream.indirect.scatter.add.f32 [tilespmem:s24], [sflag:$0x3], $0x80, s12, s23, $0xb8;
	[tilespmem:$0x1E800] =	vst v63  }
0x57: {  	_ =	swait.ge [sflag:s21], $0x4000  }
0x58: {  	s0 =	simm.s32 $0x100;
	s3 =	simm.s32 $0x800;
	[sflag:s21] =	ssyncset.done $0x0  }
.LBB2_4:
0x59: {  	s10 =	sadd.s32 $0x80, s0  }
0x5a: {  	[sflag:s21] =	ssyncadd.s32 $0xFFFFC000;
	s11 =	smov.u32 s3;
	s12 =	sadd.s32 $0x400, s3  }
0x5b: {  	[tilespmem:s24], [sflag:$0x2] =	stream.indirect.gather [hbm4b:s4+s23], $0x80, s10, s23, $0xb8;
	[tilespmem:$0x1E800] =	vst v63  }
0x5c: {  	p0 =	sne.s32 s3, $0x4800;
	_ =	swait.ge [sflag:s25], $0x4000  }
0x5d: {  	[sflag:s25] =	ssyncset.done $0x0  }
0x5e: {  	s3 =	sadd.s32 $0x1400, s0;
	[sflag:s25] =	ssyncadd.s32 $0xFFFFC000  }
0x5f: {  	[spmem:s1] =	stream.indirect.scatter.add.f32 [tilespmem:s20], [sflag:$0x3], $0x80, s3, s23, $0xb8;
	[tilespmem:$0x1E800] =	vst v63  }
0x60: {  	_ =	swait.ge [sflag:s21], $0x4000  }
0x61: {  	[sflag:s21] =	ssyncset.done $0x0  }
0x62: {  	s3 =	sadd.s32 $0x100, s0;
	[sflag:s21] =	ssyncadd.s32 $0xFFFFC000  }
0x63: {  	[tilespmem:s20], [sflag:$0x1] =	stream.indirect.gather [hbm4b:s4+s23], $0x80, s3, s23, $0xb8;
	[tilespmem:$0x1E800] =	vst v63  }
0x64: {  	_ =	swait.ge [sflag:s26], $0x4000  }
.Ltmp1:
0x65: {  	[sflag:s26] =	ssyncset.done $0x0;
	(pc) =	sbr.rel @p0 .LBB2_4-.Ltmp1, $4  }
0x66: {  	s0 =	sadd.s32 $0x1480, s0;
	[sflag:s26] =	ssyncadd.s32 $0xFFFFC000  }
0x67: {  	[spmem:s1] =	stream.indirect.scatter.add.f32 [tilespmem:s24], [sflag:$0x3], $0x80, s0, s23, $0xb8;
	[tilespmem:$0x1E800] =	vst v63  }
0x68: {  	_ =	swait.ge [sflag:s21], $0x4000  }
0x69: {  	s3 =	smov.u32 s12;
	s0 =	sshra.s32 s11, $0x2;
	[sflag:s21] =	ssyncset.done $0x0  }
0x6a: {  	s3 =	sadd.s32 $0x80, s0;
	[sflag:s21] =	ssyncadd.s32 $0xFFFFC000  }
0x6b: {  	[tilespmem:s24], [sflag:$0x2] =	stream.indirect.gather [hbm4b:s4+s23], $0x80, s3, s23, $0xb8;
	[tilespmem:$0x1E800] =	vst v63  }
0x6c: {  	_ =	swait.ge [sflag:s25], $0x4000  }
0x6d: {  	[sflag:s25] =	ssyncset.done $0x0  }
0x6e: {  	s11 =	sadd.s32 $0x1400, s0;
	[sflag:s25] =	ssyncadd.s32 $0xFFFFC000  }
0x6f: {  	[spmem:s1] =	stream.indirect.scatter.add.f32 [tilespmem:s20], [sflag:$0x3], $0x80, s11, s23, $0xb8;
	[tilespmem:$0x1E800] =	vst v63  }
0x70: {  	_ =	swait.ge [sflag:s21], $0x4000  }
0x71: {  	[sflag:s21] =	ssyncset.done $0x0  }
0x72: {  	s12 =	sadd.s32 $0x100, s0;
	[sflag:s21] =	ssyncadd.s32 $0xFFFFC000  }
0x73: {  	[tilespmem:s20], [sflag:$0x1] =	stream.indirect.gather [hbm4b:s4+s23], $0x80, s12, s23, $0xb8;
	[tilespmem:$0x1E800] =	vst v63  }
0x74: {  	_ =	swait.ge [sflag:s26], $0x4000  }
0x75: {  	[sflag:s26] =	ssyncset.done $0x0  }
0x76: {  	s10 =	sadd.s32 $0x1480, s0;
	[sflag:s26] =	ssyncadd.s32 $0xFFFFC000  }
0x77: {  	[spmem:s1] =	stream.indirect.scatter.add.f32 [tilespmem:s24], [sflag:$0x3], $0x80, s10, s23, $0xb8;
	[tilespmem:$0x1E800] =	vst v63  }
0x78: {  	_ =	swait.ge [sflag:s21], $0x4000  }
0x79: {  	[sflag:s21] =	ssyncset.done $0x0  }
0x7a: {  	[sflag:s21] =	ssyncadd.s32 $0xFFFFC000  }
0x7b: {  	[tilespmem:s24], [sflag:$0x2] =	stream.indirect.gather [hbm4b:s4+s23], $0x80, s28, s23, $0xb8;
	[tilespmem:$0x1E800] =	vst v63  }
0x7c: {  	_ =	swait.ge [sflag:s25], $0x4000  }
0x7d: {  	[sflag:s25] =	ssyncset.done $0x0  }
0x7e: {  	[sflag:s25] =	ssyncadd.s32 $0xFFFFC000  }
0x7f: {  	[spmem:s1] =	stream.indirect.scatter.add.f32 [tilespmem:s20], [sflag:$0x3], $0x80, s29, s23, $0xb8;
	[tilespmem:$0x1E800] =	vst v63  }
0x80: {  	_ =	swait.ge [sflag:s21], $0x4000  }
0x81: {  	[sflag:s21] =	ssyncset.done $0x0  }
0x82: {  	[sflag:s21] =	ssyncadd.s32 $0xFFFFC000  }
0x83: {  	[tilespmem:s20], [sflag:$0x1] =	stream.indirect.gather [hbm4b:s4+s23], $0x80, s28, s23, $0xb8;
	[tilespmem:$0x1E800] =	vst v63  }
0x84: {  	_ =	swait.ge [sflag:s26], $0x4000  }
0x85: {  	[sflag:s26] =	ssyncset.done $0x0  }
0x86: {  	[sflag:s26] =	ssyncadd.s32 $0xFFFFC000  }
0x87: {  	[spmem:s1] =	stream.indirect.scatter.add.f32 [tilespmem:s24], [sflag:$0x3], $0x80, s30, s23, $0xb8;
	[tilespmem:$0x1E800] =	vst v63  }
0x88: {  	_ =	swait.ge [sflag:s21], $0x4000  }
0x89: {  	[sflag:s21] =	ssyncset.done $0x0  }
0x8a: {  	[sflag:s21] =	ssyncadd.s32 $0xFFFFC000  }
0x8b: {  	_ =	swait.ge [sflag:s25], $0x4000  }
0x8c: {  	[sflag:s25] =	ssyncset.done $0x0  }
0x8d: {  	s11 =	simm.s32 $0x0;
	s12 =	rddreg [dreg:$0x5];
	[sflag:s25] =	ssyncadd.s32 $0xFFFFC000  }
0x8e: {  	[tilespmem:s11], [sflag:$0x3] =	stream.linear.gather [hbm4b:s12+s11], $0x1400, $0x38;
	[tilespmem:$0x1E800] =	vst v63  }
0x8f: {  	_ =	swait.ge [sflag:s21], $0x1400  }
0x90: {  	[sflag:s21] =	ssyncset.done $0x0  }
0x91: {  	[sflag:s21] =	ssyncadd.s32 $0xFFFFEC00  }
0x92: {  	[tilespmem:s22], [sflag:$0x3] =	stream.linear.gather [hbm4b:s13+s11], $0x1400, $0x38;
	[tilespmem:$0x1E800] =	vst v63  }
0x93: {  	_ =	swait.ge [sflag:s21], $0x1400  }
0x94: {  	[sflag:s21] =	ssyncset.done $0x0  }
0x95: {  	[sflag:s21] =	ssyncadd.s32 $0xFFFFEC00  }
0x96: {  	[tilespmem:s20], [sflag:$0x1] =	stream.indirect.gather [hbm4b:s4+s23], $0x80, s11, s23, $0xb8;
	[tilespmem:$0x1E800] =	vst v63  }
0x97: {  	s3 =	simm.s32 $0x80  }
0x98: {  	[tilespmem:s24], [sflag:$0x2] =	stream.indirect.gather [hbm4b:s4+s23], $0x80, s3, s23, $0xb8;
	[tilespmem:$0x1E800] =	vst v63  }
0x99: {  	_ =	swait.ge [sflag:s25], $0x4000  }
0x9a: {  	[sflag:s25] =	ssyncset.done $0x0  }
0x9b: {  	s10 =	simm.s32 $0x1400;
	[sflag:s25] =	ssyncadd.s32 $0xFFFFC000  }
0x9c: {  	[spmem:s1] =	stream.indirect.scatter.add.f32 [tilespmem:s20], [sflag:$0x3], $0x80, s10, s23, $0xb8;
	[tilespmem:$0x1E800] =	vst v63  }
0x9d: {  	_ =	swait.ge [sflag:s21], $0x4000  }
0x9e: {  	[sflag:s21] =	ssyncset.done $0x0  }
0x9f: {  	s11 =	simm.s32 $0x100;
	[sflag:s21] =	ssyncadd.s32 $0xFFFFC000  }
0xa0: {  	[tilespmem:s20], [sflag:$0x1] =	stream.indirect.gather [hbm4b:s4+s23], $0x80, s11, s23, $0xb8;
	[tilespmem:$0x1E800] =	vst v63  }
0xa1: {  	_ =	swait.ge [sflag:s26], $0x4000  }
0xa2: {  	[sflag:s26] =	ssyncset.done $0x0  }
0xa3: {  	s12 =	simm.s32 $0x1480;
	[sflag:s26] =	ssyncadd.s32 $0xFFFFC000  }
0xa4: {  	[spmem:s1] =	stream.indirect.scatter.add.f32 [tilespmem:s24], [sflag:$0x3], $0x80, s12, s23, $0xb8;
	[tilespmem:$0x1E800] =	vst v63  }
0xa5: {  	_ =	swait.ge [sflag:s21], $0x4000  }
0xa6: {  	s0 =	simm.s32 $0x100;
	s3 =	simm.s32 $0x800;
	[sflag:s21] =	ssyncset.done $0x0  }
.LBB2_6:
0xa7: {  	s10 =	sadd.s32 $0x80, s0  }
0xa8: {  	[sflag:s21] =	ssyncadd.s32 $0xFFFFC000;
	s11 =	smov.u32 s3;
	s12 =	sadd.s32 $0x400, s3  }
0xa9: {  	[tilespmem:s24], [sflag:$0x2] =	stream.indirect.gather [hbm4b:s4+s23], $0x80, s10, s23, $0xb8;
	[tilespmem:$0x1E800] =	vst v63  }
0xaa: {  	p0 =	sne.s32 s3, $0x4800;
	_ =	swait.ge [sflag:s25], $0x4000  }
0xab: {  	[sflag:s25] =	ssyncset.done $0x0  }
0xac: {  	s3 =	sadd.s32 $0x1400, s0;
	[sflag:s25] =	ssyncadd.s32 $0xFFFFC000  }
0xad: {  	[spmem:s1] =	stream.indirect.scatter.add.f32 [tilespmem:s20], [sflag:$0x3], $0x80, s3, s23, $0xb8;
	[tilespmem:$0x1E800] =	vst v63  }
0xae: {  	_ =	swait.ge [sflag:s21], $0x4000  }
0xaf: {  	[sflag:s21] =	ssyncset.done $0x0  }
0xb0: {  	s3 =	sadd.s32 $0x100, s0;
	[sflag:s21] =	ssyncadd.s32 $0xFFFFC000  }
0xb1: {  	[tilespmem:s20], [sflag:$0x1] =	stream.indirect.gather [hbm4b:s4+s23], $0x80, s3, s23, $0xb8;
	[tilespmem:$0x1E800] =	vst v63  }
0xb2: {  	_ =	swait.ge [sflag:s26], $0x4000  }
.Ltmp2:
0xb3: {  	[sflag:s26] =	ssyncset.done $0x0;
	(pc) =	sbr.rel @p0 .LBB2_6-.Ltmp2, $4  }
0xb4: {  	s0 =	sadd.s32 $0x1480, s0;
	[sflag:s26] =	ssyncadd.s32 $0xFFFFC000  }
0xb5: {  	[spmem:s1] =	stream.indirect.scatter.add.f32 [tilespmem:s24], [sflag:$0x3], $0x80, s0, s23, $0xb8;
	[tilespmem:$0x1E800] =	vst v63  }
0xb6: {  	_ =	swait.ge [sflag:s21], $0x4000  }
0xb7: {  	s3 =	smov.u32 s12;
	s0 =	sshra.s32 s11, $0x2;
	[sflag:s21] =	ssyncset.done $0x0  }
0xb8: {  	s3 =	sadd.s32 $0x80, s0;
	[sflag:s21] =	ssyncadd.s32 $0xFFFFC000  }
0xb9: {  	[tilespmem:s24], [sflag:$0x2] =	stream.indirect.gather [hbm4b:s4+s23], $0x80, s3, s23, $0xb8;
	[tilespmem:$0x1E800] =	vst v63  }
0xba: {  	_ =	swait.ge [sflag:s25], $0x4000  }
0xbb: {  	[sflag:s25] =	ssyncset.done $0x0  }
0xbc: {  	s10 =	sadd.s32 $0x1400, s0;
	[sflag:s25] =	ssyncadd.s32 $0xFFFFC000  }
0xbd: {  	[spmem:s1] =	stream.indirect.scatter.add.f32 [tilespmem:s20], [sflag:$0x3], $0x80, s10, s23, $0xb8;
	[tilespmem:$0x1E800] =	vst v63  }
0xbe: {  	_ =	swait.ge [sflag:s21], $0x4000  }
0xbf: {  	[sflag:s21] =	ssyncset.done $0x0  }
0xc0: {  	s11 =	sadd.s32 $0x100, s0;
	[sflag:s21] =	ssyncadd.s32 $0xFFFFC000  }
0xc1: {  	[tilespmem:s20], [sflag:$0x1] =	stream.indirect.gather [hbm4b:s4+s23], $0x80, s11, s23, $0xb8;
	[tilespmem:$0x1E800] =	vst v63  }
0xc2: {  	_ =	swait.ge [sflag:s26], $0x4000  }
0xc3: {  	[sflag:s26] =	ssyncset.done $0x0  }
0xc4: {  	s12 =	sadd.s32 $0x1480, s0;
	[sflag:s26] =	ssyncadd.s32 $0xFFFFC000  }
0xc5: {  	[spmem:s1] =	stream.indirect.scatter.add.f32 [tilespmem:s24], [sflag:$0x3], $0x80, s12, s23, $0xb8;
	[tilespmem:$0x1E800] =	vst v63  }
0xc6: {  	_ =	swait.ge [sflag:s21], $0x4000  }
0xc7: {  	[sflag:s21] =	ssyncset.done $0x0  }
0xc8: {  	[sflag:s21] =	ssyncadd.s32 $0xFFFFC000  }
0xc9: {  	[tilespmem:s24], [sflag:$0x2] =	stream.indirect.gather [hbm4b:s4+s23], $0x80, s28, s23, $0xb8;
	[tilespmem:$0x1E800] =	vst v63  }
0xca: {  	_ =	swait.ge [sflag:s25], $0x4000  }
0xcb: {  	[sflag:s25] =	ssyncset.done $0x0  }
0xcc: {  	[sflag:s25] =	ssyncadd.s32 $0xFFFFC000  }
0xcd: {  	[spmem:s1] =	stream.indirect.scatter.add.f32 [tilespmem:s20], [sflag:$0x3], $0x80, s29, s23, $0xb8;
	[tilespmem:$0x1E800] =	vst v63  }
0xce: {  	_ =	swait.ge [sflag:s21], $0x4000  }
0xcf: {  	[sflag:s21] =	ssyncset.done $0x0  }
0xd0: {  	[sflag:s21] =	ssyncadd.s32 $0xFFFFC000  }
0xd1: {  	[tilespmem:s20], [sflag:$0x1] =	stream.indirect.gather [hbm4b:s4+s23], $0x80, s28, s23, $0xb8;
	[tilespmem:$0x1E800] =	vst v63  }
0xd2: {  	_ =	swait.ge [sflag:s26], $0x4000  }
0xd3: {  	[sflag:s26] =	ssyncset.done $0x0  }
0xd4: {  	[sflag:s26] =	ssyncadd.s32 $0xFFFFC000  }
0xd5: {  	[spmem:s1] =	stream.indirect.scatter.add.f32 [tilespmem:s24], [sflag:$0x3], $0x80, s30, s23, $0xb8;
	[tilespmem:$0x1E800] =	vst v63  }
0xd6: {  	_ =	swait.ge [sflag:s21], $0x4000  }
0xd7: {  	[sflag:s21] =	ssyncset.done $0x0  }
0xd8: {  	[sflag:s21] =	ssyncadd.s32 $0xFFFFC000  }
0xd9: {  	_ =	swait.ge [sflag:s25], $0x4000  }
0xda: {  	[sflag:s25] =	ssyncset.done $0x0  }
0xdb: {  	[sflag:s25] =	ssyncadd.s32 $0xFFFFC000  }
0xdc: {  	[bflag:$0x0] =	sbarrier.arrive $0xFFFF  }
0xdd: {  	[tilespmem:s20], [sflag:$0x3] =	stream.linear.gather [spmem:s5], $0x4000, $0x38;
	[tilespmem:$0x1E800] =	vst v63  }
0xde: {  	_ =	swait.ge [sflag:s21], $0x4000  }
0xdf: {  	[sflag:s21] =	ssyncset.done $0x0  }
0xe0: {  	[sflag:s21] =	ssyncadd.s32 $0xFFFFC000  }
0xe1: {  	[hbm4b:s14+s2] =	stream.linear.scatter [tilespmem:s20], [sflag:$0x3], $0x4000, $0x38;
	[tilespmem:$0x1E800] =	vst v63  }
0xe2: {  	_ =	swait.ge [sflag:s21], $0x4000  }
0xe3: {  	[sflag:s21] =	ssyncset.done $0x0  }
0xe4: {  	[sflag:s21] =	ssyncadd.s32 $0xFFFFC000  }
0xe5: {  	[tilespmem:s20], [sflag:$0x3] =	stream.linear.gather [spmem:s6], $0x4000, $0x38;
	[tilespmem:$0x1E800] =	vst v63  }
0xe6: {  	_ =	swait.ge [sflag:s21], $0x4000  }
0xe7: {  	[sflag:s21] =	ssyncset.done $0x0  }
0xe8: {  	[sflag:s21] =	ssyncadd.s32 $0xFFFFC000  }
0xe9: {  	[hbm4b:s15+s2] =	stream.linear.scatter [tilespmem:s20], [sflag:$0x3], $0x4000, $0x38;
	[tilespmem:$0x1E800] =	vst v63  }
0xea: {  	_ =	swait.ge [sflag:s21], $0x4000  }
0xeb: {  	[sflag:s21] =	ssyncset.done $0x0  }
0xec: {  	[sflag:s21] =	ssyncadd.s32 $0xFFFFC000  }
0xed: {  	[tilespmem:s20], [sflag:$0x3] =	stream.linear.gather [spmem:s7], $0x4000, $0x38;
	[tilespmem:$0x1E800] =	vst v63  }
0xee: {  	_ =	swait.ge [sflag:s21], $0x4000  }
0xef: {  	[sflag:s21] =	ssyncset.done $0x0  }
0xf0: {  	[sflag:s21] =	ssyncadd.s32 $0xFFFFC000  }
0xf1: {  	[hbm4b:s16+s2] =	stream.linear.scatter [tilespmem:s20], [sflag:$0x3], $0x4000, $0x38;
	[tilespmem:$0x1E800] =	vst v63  }
0xf2: {  	_ =	swait.ge [sflag:s21], $0x4000  }
0xf3: {  	[sflag:s21] =	ssyncset.done $0x0  }
0xf4: {  	[sflag:s21] =	ssyncadd.s32 $0xFFFFC000  }
0xf5: {  	[tilespmem:s20], [sflag:$0x3] =	stream.linear.gather [spmem:s8], $0x4000, $0x38;
	[tilespmem:$0x1E800] =	vst v63  }
0xf6: {  	_ =	swait.ge [sflag:s21], $0x4000  }
0xf7: {  	[sflag:s21] =	ssyncset.done $0x0  }
0xf8: {  	[sflag:s21] =	ssyncadd.s32 $0xFFFFC000  }
0xf9: {  	[hbm4b:s17+s2] =	stream.linear.scatter [tilespmem:s20], [sflag:$0x3], $0x4000, $0x38;
	[tilespmem:$0x1E800] =	vst v63  }
0xfa: {  	_ =	swait.ge [sflag:s21], $0x4000  }
0xfb: {  	[sflag:s21] =	ssyncset.done $0x0  }
0xfc: {  	[sflag:s21] =	ssyncadd.s32 $0xFFFFC000  }
0xfd: {  	[tilespmem:s20], [sflag:$0x3] =	stream.linear.gather [spmem:s9], $0x4000, $0x38;
	[tilespmem:$0x1E800] =	vst v63  }
0xfe: {  	s31 =	sadd.s32 $0x1, s31;
	_ =	swait.ge [sflag:s21], $0x4000  }
0xff: {  	p0 =	sne.s32 s31, s19;
	[sflag:s21] =	ssyncset.done $0x0  }
.Ltmp3:
0x100: {  	[sflag:s21] =	ssyncadd.s32 $0xFFFFC000;
	(pc) =	sbr.rel @p0 .LBB2_1-.Ltmp3, $4  }
0x101: {  	[hbm4b:s18+s2] =	stream.linear.scatter [tilespmem:s20], [sflag:$0x3], $0x4000, $0x38;
	[tilespmem:$0x1E800] =	vst v63  }
0x102: {  	_ =	swait.ge [sflag:s21], $0x4000  }
0x103: {  	[sflag:s21] =	ssyncset.done $0x0  }
0x104: {  	[sflag:s21] =	ssyncadd.s32 $0xFFFFC000  }
0x105: {  	_ =	sfence.sel $0x180000  }
0x106: {  	[bflag:$0x0] =	sbarrier.arrive $0xFFFF  }
0x107: {  	_ =	strace $0x9000004D  }
0x108: {  	s0 =	stileid.u32;
	[bflag:$0x2] =	sbarrier.arrive $0xFFFF  }
0x109: {  	p0 =	sne.s32 s0, $0x0;
	s0 =	rddreg [dreg:$0x2]  }
0x10a: {  	s0 =	sadd.s32 @!p0 $0x100000, s0  }
0x10b: {  	[sflag:s0] =	ssyncadd.tile.s32 @!p0 $0x1;
	_ =	shalt  }
.Lfunc_end2:
_tile_overlayer_lowered:
.L_overlay_start_2:
0x10c: {  	(tag) =	ssettag $0x2  }
0x10d: {  	s0 =	rddreg [dreg:$0x0];
	s2 =	stileid.u32  }
0x10e: {  	s1 =	rddreg [dreg:$0x1];
	p0 =	sne.s32 s2, $0x0  }
0x10f: {  	s3 =	rddreg [dreg:$0x2];
	[bflag:$0x3] =	sbarrier.arrive $0xFFFF;
	s2 =	simm.s32 @!p0 $0x1C03  }
0x110: {  	[timem:s3], [sflag:s2] =	dma.local @!p0 [hbm:s0], s1  }
0x111: {  	s0 =	simm.s32 @!p0 $0x3  }
0x112: {  	_ =	swait.ge @!p0 [sflag:s0], s1  }
0x113: {  	s1 =	ssub.s32 @!p0 $0x0, s1;
	[sflag:s0] =	ssyncset.done @!p0 $0x0  }
0x114: {  	[sflag:s0] =	ssyncadd.s32 @!p0 s1  }
0x115: {  	[bflag:$0x3] =	sbarrier.arrive $0xFFFF  }
0x116: {  	_ =	shalt  }

// kernel: kernel.9.cloned.1.call-start
scs
__scs_entry_jumppad:
0x0: {  	(pc) =	sbr.rel $0x88, $3  }
0x1: {  	(tag) =	ssettag $0x0;
	lr =	simm.s32 $0x1  }
0x2: {  	[smem:$0x3F96] =	sst lr;
	_ =	strace $0xD0000000  }
0x3: {  	_ = 	snop  }
0x4: {  	_ = 	snop  }
0x5: {  	_ = 	snop  }
0x6: {  	_ = 	snop  }
0x7: {  	_ = 	snop  }
__scs_overlays_trampoline_lowered:
0x8: {  	[smem:$0x3FA5] =	sst s0  }
0x9: {  	[smem:$0x3FA6] =	sst s1  }
0xa: {  	[smem:$0x3FA7] =	sst s2  }
0xb: {  	[smem:$0x3FA8] =	sst s3  }
0xc: {  	[smem:$0x3FA9] =	sst s4  }
0xd: {  	[smem:$0x3FAA] =	sst s5  }
0xe: {  	[smem:$0x3FAB] =	sst s6  }
0xf: {  	[smem:$0x3FAC] =	sst s7  }
0x10: {  	[smem:$0x3FAD] =	sst s8  }
0x11: {  	[smem:$0x3FAE] =	sst s9;
	s0 =	simm.s32 @!p0 $0x0  }
0x12: {  	s1 =	sld [smem:$0x3F94];
	s0 =	simm.s32 @p0 $0x1  }
0x13: {  	[smem:$0x3FAF] =	sst s0;
	s0 =	simm.s32 @!p1 $0x0  }
0x14: {  	s2 =	sld [smem:$0x3F93];
	s0 =	simm.s32 @p1 $0x1  }
0x15: {  	[smem:$0x3FB0] =	sst s0;
	s0 =	simm.s32 @!p2 $0x0  }
0x16: {  	s3 =	sld [smem:$0x3FDB];
	s0 =	simm.s32 @p2 $0x1  }
0x17: {  	s4 =	simm.s32 $0x1BF5;
	[smem:$0x3FB2] =	sst s0  }
0x18: {  	s0 =	sld [smem:$0x3F95];
	_ =	swait.ge [sflag:s4], $0x0  }
0x19: {  	s7 =	sld [smem:$0x3F96]  }
0x1a: {  	s8 =	sadd.s32 $0xFFFFE003, lr  }
0x1b: {  	s9 =	sadd.s32 $0xFFFFFEF7, lr;
	s5 =	simm.s32 $0xFFFFFFFF;
	p2 =	slt.u32 s8, $0xFFFFF086  }
0x1c: {  	p1 =	slt.u32 s9, $0xF7A;
	s5 =	simm.s32 @!p2 $0x0  }
0x1d: {  	s5 =	simm.s32 @p1 $0x1;
	p0 =	seq.s32 s7, s2  }
0x1e: {  	s7 =	smul.u32 @!p0 $0xF7A, s2;
	p2 =	seq.s32 @!p0 s5, $0x0  }
0x1f: {  	s9 =	smul.u32 $0xF7A, s1;
	s8 =	simm.s32 @!p0 $0x1BF5;
	p2 =	por !p2, p0  }
0x20: {  	[sflag:s8] =	ssyncset.s32 @!p0 $0xFFFFF086;
	s6 =	sadd.s32 @!p0 s3, s7;
	s7 =	simm.s32 @!p0 $0x108  }
0x21: {  	s3 =	sadd.s32 s3, s9;
	s6 =	sadd.s32 @!p0 $0x88, s6;
	s7 =	simm.s32 @p2 $0x1082  }
0x22: {  	[simem:s7], [sflag:s8] =	dma.local @!p0 [hbm:s6], $0xF7A  }
0x23: {  	s9 =	sor.u32 $0xD0000000, s2;
	s6 =	simm.s32 $0x108;
	_ =	swait.ge @!p0 [sflag:s8], $0x0  }
0x24: {  	s3 =	sadd.s32 $0x88, s3;
	s6 =	simm.s32 @!p1 $0x1082;
	[sflag:s4] =	ssyncset.s32 $0xFFFFF086  }
0x25: {  	[simem:s6], [sflag:s4] =	dma.local [hbm:s3], $0xF7A  }
0x26: {  	[smem:$0x3F96] =	sst s1;
	(tag) =	ssettag s2;
	_ =	strace s9  }
0x27: {  	s1 =	sld [smem:$0x3FA6]  }
0x28: {  	s2 =	sld [smem:$0x3FA7]  }
0x29: {  	s4 =	sld [smem:$0x3FA9]  }
0x2a: {  	p0 =	seq.s32 s5, $0x0;
	s5 =	sld [smem:$0x3FAA]  }
0x2b: {  	s6 =	sld [smem:$0x3FAB]  }
0x2c: {  	s7 =	sld [smem:$0x3FAC]  }
0x2d: {  	s3 =	simm.s32 $0x108;
	s8 =	sld [smem:$0x3FAD]  }
0x2e: {  	s3 =	simm.s32 @!p0 $0x1082;
	s9 =	sld [smem:$0x3FAE]  }
0x2f: {  	lr =	sadd.s32 s0, s3;
	s0 =	sld [smem:$0x3FA5]  }
0x30: {  	s3 =	sld [smem:$0x3FA8]  }
0x31: {  	[smem:$0x3FB1] =	sst s10  }
0x32: {  	s10 =	sld [smem:$0x3FAF];
	_ =	sdelay $0x3  }
0x33: {  	p0 =	seq.s32 s10, $0x1;
	s10 =	sld [smem:$0x3FB1];
	_ =	sdelay $0x3  }
0x34: {  	[smem:$0x3FB1] =	sst s10  }
0x35: {  	s10 =	sld [smem:$0x3FB0];
	_ =	sdelay $0x3  }
0x36: {  	p1 =	seq.s32 s10, $0x1;
	s10 =	sld [smem:$0x3FB1];
	_ =	sdelay $0x3  }
0x37: {  	[smem:$0x3FB1] =	sst s10  }
0x38: {  	s10 =	sld [smem:$0x3FB2]  }
0x39: {  	_ = 	snop;
	(pc) =	sbr.ind lr, $3  }
0x3a: {  	_ = 	snop  }
0x3b: {  	_ = 	snop  }
0x3c: {  	p2 =	seq.s32 s10, $0x1;
	s10 =	sld [smem:$0x3FB1]  }
0x3d: {  	_ =	shalt  }
0x3e: {  	_ =	shalt  }
0x3f: {  	_ =	shalt  }
0x40: {  	_ =	shalt  }
0x41: {  	_ =	shalt  }
0x42: {  	_ =	shalt  }
0x43: {  	_ =	shalt  }
0x44: {  	_ =	shalt  }
0x45: {  	_ =	shalt  }
0x46: {  	_ =	shalt  }
0x47: {  	_ =	shalt  }
0x48: {  	_ =	shalt  }
0x49: {  	_ =	shalt  }
0x4a: {  	_ =	shalt  }
0x4b: {  	_ =	shalt  }
0x4c: {  	_ =	shalt  }
0x4d: {  	_ =	shalt  }
0x4e: {  	_ =	shalt  }
0x4f: {  	_ =	shalt  }
0x50: {  	_ =	shalt  }
0x51: {  	_ =	shalt  }
0x52: {  	_ =	shalt  }
0x53: {  	_ =	shalt  }
0x54: {  	_ =	shalt  }
0x55: {  	_ =	shalt  }
0x56: {  	_ =	shalt  }
0x57: {  	_ =	shalt  }
0x58: {  	_ =	shalt  }
0x59: {  	_ =	shalt  }
0x5a: {  	_ =	shalt  }
0x5b: {  	_ =	shalt  }
0x5c: {  	_ =	shalt  }
0x5d: {  	_ =	shalt  }
0x5e: {  	_ =	shalt  }
0x5f: {  	_ =	shalt  }
0x60: {  	_ =	shalt  }
0x61: {  	_ =	shalt  }
0x62: {  	_ =	shalt  }
0x63: {  	_ =	shalt  }
0x64: {  	_ =	shalt  }
0x65: {  	_ =	shalt  }
0x66: {  	_ =	shalt  }
0x67: {  	_ =	shalt  }
0x68: {  	_ =	shalt  }
0x69: {  	_ =	shalt  }
0x6a: {  	_ =	shalt  }
0x6b: {  	_ =	shalt  }
0x6c: {  	_ =	shalt  }
0x6d: {  	_ =	shalt  }
0x6e: {  	_ =	shalt  }
0x6f: {  	_ =	shalt  }
0x70: {  	_ =	shalt  }
0x71: {  	_ =	shalt  }
0x72: {  	_ =	shalt  }
0x73: {  	_ =	shalt  }
0x74: {  	_ =	shalt  }
0x75: {  	_ =	shalt  }
0x76: {  	_ =	shalt  }
0x77: {  	_ =	shalt  }
0x78: {  	_ =	shalt  }
0x79: {  	_ =	shalt  }
0x7a: {  	_ =	shalt  }
0x7b: {  	_ =	shalt  }
0x7c: {  	_ =	shalt  }
0x7d: {  	_ =	shalt  }
0x7e: {  	_ =	shalt  }
0x7f: {  	_ =	shalt  }
0x80: {  	_ =	shalt  }
0x81: {  	_ =	shalt  }
0x82: {  	_ =	shalt  }
0x83: {  	_ =	shalt  }
0x84: {  	_ =	shalt  }
0x85: {  	_ =	shalt  }
0x86: {  	_ =	shalt  }
0x87: {  	_ =	shalt  }
.Lfunc_end0:
.L_simem_size_0:
called_computation_lowered:
.L_overlay_start_0:
0x88: {  	s2 =	sld [smem:$0x3FD9]  }
0x89: {  	s3 =	sld [smem:$0x3FFE];
	_ =	sdelay $0x1  }
0x8a: {  	s1 =	srdreg.scid  }
0x8b: {  	s0 =	sand.u32 $0x1, s1  }
0x8c: {  	s16 =	sshll.u32 s0, $0xA;
	s2 =	sadd.s32 s3, s2  }
0x8d: {  	s2 =	sadd.s32 s2, s16  }
0x8e: {  	[smem:$0x3FBD] =	sst s2  }
0x8f: {  	_ = 	snop  }
0x90: {  	(tm) =	ssettm $0x1  }
0x91: {  	s17 =	sld [smem:$0x3FFB];
	_ =	sdelay $0x3  }
0x92: {  	_ =	strace s17  }
0x93: {  	s2 =	sld [smem:$0x3FFC];
	_ =	sdelay $0x3  }
0x94: {  	_ =	strace s2  }
0x95: {  	s2 =	sld [smem:$0x3FFD];
	_ =	sdelay $0x3  }
0x96: {  	_ =	strace s2  }
0x97: {  	_ =	strace $0x8FFFFFFF  }
0x98: {  	s18 =	sld [smem:$0x3FDB];
	_ =	sdelay $0x1  }
0x99: {  	s19 =	simm.s32 $_scs_section_size  }
0x9a: {  	s4 =	simm.s32 $_size__tile_overlayer_lowered;
	s5 =	simm.s32 $_tile_overlayer_lowered  }
0x9b: {  	s22 =	simm.s32 $0x1BFF;
	s21 =	sshll.u32 s5, $0x1;
	s2 =	sadd.s32 s19, s18  }
0x9c: {  	s6 =	simm.s32 $0x0;
	s20 =	sshll.u32 s4, $0x1;
	s4 =	sadd.s32 s21, s2  }
0x9d: {  	[timem:s6], [sflag:s22] =	dma.local [hbm:s4], s20  }
0x9e: {  	_ =	swait.ge [sflag:s22], s20  }
0x9f: {  	s3 =	ssub.s32 $0x0, s20;
	[sflag:s22] =	ssyncset.done $0x0  }
0xa0: {  	[sflag:s22] =	ssyncadd.s32 s3;
	_ =	sdelay $0x1  }
0xa1: {  	s23 =	simm.s32 $0x1B8B  }
0xa2: {  	_ =	swait.ge [sflag:s23], $0x1  }
0xa3: {  	[sflag:s23] =	ssyncset.done $0x0  }
0xa4: {  	s25 =	simm.s32 $0x1B8E;
	s24 =	sld [smem:$0x3FFE];
	[sflag:s23] =	ssyncadd.s32 $0xFFFFFFFF  }
0xa5: {  	s26 =	simm.s32 $execute0_lowered;
	[smem:$0x3FD2] =	sst s25  }
0xa6: {  	s4 =	sshll.u32 s26, $0x1;
	_ =	strace $0x80000046;
	[dreg:$0x1] =	wrdreg $0xFFFFFFFF  }
0xa7: {  	s28 =	simm.s32 $_size_execute0_lowered;
	s2 =	sadd.s32 s2, s4;
	[dreg:$0x0] =	wrdreg $0x0  }
0xa8: {  	s4 =	sshll.u32 s28, $0x1;
	[dreg:$0x2] =	wrdreg s2  }
0xa9: {  	[dreg:$0x3] =	wrdreg s4  }
0xaa: {  	[dreg:$0x4] =	wrdreg $0xC0  }
0xab: {  	_ =	task [dreg:s6], $0x5FFFF  }
0xac: {  	[dreg:$0x1] =	wrdreg $0xFFFFFFFF  }
0xad: {  	[dreg:$0x0] =	wrdreg $0x60  }
0xae: {  	[dreg:$0x2] =	wrdreg s24  }
0xaf: {  	[dreg:$0x3] =	wrdreg $0x68000  }
0xb0: {  	[dreg:$0x4] =	wrdreg $0x9  }
0xb1: {  	_ =	task.clear_ibuf [dreg:s6], $0x5FFFF;
	_ =	strace $0x90000046  }
0xb2: {  	s29 =	simm.s32 $0x9;
	_ =	strace $0x80000048  }
0xb3: {  	_ =	swait.ge [sflag:s29], $0x1  }
0xb4: {  	[sflag:s29] =	ssyncadd.s32 $0xFFFFFFFF  }
0xb5: {  	_ =	strace $0x90000048  }
0xb6: {  	_ =	sfence  }
0xb7: {  	s30 =	sld [smem:$0x0];
	_ =	sdelay $0x2  }
0xb8: {  	s31 =	sshll.u32 s1, $0xD;
	s1 =	sshrl.u32 s1, $0x2  }
0xb9: {  	s3 =	sand.u32 $0x4000, s31;
	s1 =	sadd.s32 s1, s30  }
0xba: {  	s0 =	sor.u32 s3, s0;
	s1 =	sshll.u32 s1, $0x11  }
0xbb: {  	s0 =	sor.u32 s1, s0  }
0xbc: {  	s0 =	sadd.s32 $0x8F2B, s0  }
0xbd: {  	[sflag:s0] =	ssyncadd.remote.s32 $0x1  }
0xbe: {  	_ =	sfence.sel $0xFFFF  }
0xbf: {  	[dreg:$0x0] =	wrdreg $0xFFFFFFFF;
	(pc) =	sbr.abs _section_cstart, $3  }
0xc0: {  	[dreg:$0x1] =	wrdreg $0xFFFFFFFF  }
0xc1: {  	_ =	task.clear_ibuf [dreg:s6], $0x2FFFF;
	_ =	strace $0x9FFFFFFF  }
0xc2: {  	(tm) =	ssettm $0x7FFFFFFF  }
0xc3: {  	_ =	shalt  }
tec
execute0_lowered:
.L_overlay_start_1:
0x0: {  	(tag) =	ssettag $0x1  }
0x1: {  	s4 =	rddreg [dreg:$0x0]  }
0x2: {  	s0 =	srdreg.scid;
	s2 =	rddreg [dreg:$0x1]  }
0x3: {  	s3 =	simm.s32 $0x0;
	s5 =	sand.u32 $0x1, s0;
	s0 =	stileid.u32  }
0x4: {  	s18 =	simm.s32 $0x80;
	s19 =	simm.s32 $0x0;
	s7 =	smul.u32 $0x50000, s0  }
0x5: {  	[smem:$0x7FF] =	sst s3;
	s14 =	sadd.s32 $0x16E00, s4;
	s10 =	smul.u32 $0x14000, s0  }
0x6: {  	s1 =	sshll.u32 s5, $0x4;
	s30 =	ssub.s32 $0x2, s5;
	s13 =	smul.u32 $0x140000, s5  }
0x7: {  	s6 =	sor.u32 s0, s1;
	s1 =	rddreg [dreg:$0x2];
	_ =	strace $0x80000047  }
0x8: {  	s8 =	sshrl.u32 s30, $0x1;
	s6 =	smul.u32 $0x500, s6;
	s7 =	sshrl.u32 s7, $0x2  }
0x9: {  	s15 =	ssub.s32 s30, s8;
	s11 =	sadd.s32 $0x4000, s10;
	s12 =	sadd.s32 $0x8000, s10  }
0xa: {  	s16 =	sadd.s32 $0xC000, s10;
	s17 =	sadd.s32 $0x10000, s10;
	s10 =	sadd.s32 s10, s13  }
0xb: {  	s5 =	sadd.s32 s11, s2;
	s8 =	sadd.s32 s17, s2;
	s10 =	sshrl.u32 s10, $0x3  }
0xc: {  	s11 =	sadd.s32 s13, s11;
	s17 =	sadd.s32 s13, s17;
	s15 =	smax.u32 s15, $0x1  }
0xd: {  	s9 =	sadd.s32 s6, s4;
	s4 =	sadd.s32 s7, s2;
	s6 =	sadd.s32 s12, s2  }
0xe: {  	s7 =	sadd.s32 s16, s2;
	s10 =	sadd.s32 s14, s10;
	s11 =	sshrl.u32 s11, $0x3  }
0xf: {  	s12 =	sadd.s32 s13, s12;
	s16 =	sadd.s32 s13, s16;
	s31 =	sshrl.u32 s17, $0x3  }
0x10: {  	s17 =	simm.s32 $0x1;
	s9 =	sadd.s32 $0x2E00, s9;
	s12 =	sshrl.u32 s12, $0x3  }
0x11: {  	s11 =	sadd.s32 s14, s11;
	s16 =	sshrl.u32 s16, $0x3;
	s12 =	sadd.s32 s14, s12  }
0x12: {  	v0 =	vimm.f32 $0.0e+00;
	v1 =	vimm.f32 $1.000000000e+00;
	s13 =	sadd.s32 s14, s16;
	s14 =	sadd.s32 s14, s31;
	s16 =	simm.s32 $0x2800  }
.LBB2_1:
0x13: {  	s20 =	simm.s32 $0x0;
	s21 =	simm.s32 $0x200  }
.LBB2_2:
0x14: {  	p0 =	sne.s32 s21, $0xFE00;
	[tilespmem:s20+$0x2870] =	vst v0  }
0x15: {  	[tilespmem:s20+$0x2800] =	vst v0  }
0x16: {  	[tilespmem:s20+$0x2810] =	vst v0  }
.Ltmp0:
0x17: {  	[tilespmem:s20+$0x2820] =	vst v0;
	(pc) =	sbr.rel @p0 .LBB2_2-.Ltmp0, $4  }
0x18: {  	[tilespmem:s20+$0x2830] =	vst v0  }
0x19: {  	[tilespmem:s20+$0x2840] =	vst v0  }
0x1a: {  	[tilespmem:s20+$0x2850] =	vst v0  }
0x1b: {  	[tilespmem:s20+$0x2860] =	vst v0;
	s20 =	sshra.s32 s21, $0x2;
	s21 =	sadd.s32 $0x200, s21  }
0x1c: {  	[tilespmem:s20+$0x2870] =	vst v0  }
0x1d: {  	[tilespmem:s20+$0x2800] =	vst v0  }
0x1e: {  	[tilespmem:s20+$0x2810] =	vst v0  }
0x1f: {  	[tilespmem:s20+$0x2820] =	vst v0  }
0x20: {  	[tilespmem:s20+$0x2830] =	vst v0  }
0x21: {  	[tilespmem:s20+$0x2840] =	vst v0  }
0x22: {  	[tilespmem:s20+$0x2850] =	vst v0  }
0x23: {  	[tilespmem:s20+$0x2860] =	vst v0  }
0x24: {  	[spmem:s4] =	stream.linear.scatter [tilespmem:s16], [sflag:$0x1], $0x4000, $0x38;
	[tilespmem:$0x1A800] =	vst v63  }
0x25: {  	_ =	swait.ge [sflag:s17], $0x4000  }
0x26: {  	[sflag:s17] =	ssyncset.done $0x0  }
0x27: {  	[sflag:s17] =	ssyncadd.s32 $0xFFFFC000  }
0x28: {  	[spmem:s5] =	stream.linear.scatter [tilespmem:s16], [sflag:$0x1], $0x4000, $0x38;
	[tilespmem:$0x1A800] =	vst v63  }
0x29: {  	_ =	swait.ge [sflag:s17], $0x4000  }
0x2a: {  	[sflag:s17] =	ssyncset.done $0x0  }
0x2b: {  	[sflag:s17] =	ssyncadd.s32 $0xFFFFC000  }
0x2c: {  	[spmem:s6] =	stream.linear.scatter [tilespmem:s16], [sflag:$0x1], $0x4000, $0x38;
	[tilespmem:$0x1A800] =	vst v63  }
0x2d: {  	_ =	swait.ge [sflag:s17], $0x4000  }
0x2e: {  	[sflag:s17] =	ssyncset.done $0x0  }
0x2f: {  	[sflag:s17] =	ssyncadd.s32 $0xFFFFC000  }
0x30: {  	[spmem:s7] =	stream.linear.scatter [tilespmem:s16], [sflag:$0x1], $0x4000, $0x38;
	[tilespmem:$0x1A800] =	vst v63  }
0x31: {  	_ =	swait.ge [sflag:s17], $0x4000  }
0x32: {  	[sflag:s17] =	ssyncset.done $0x0  }
0x33: {  	[sflag:s17] =	ssyncadd.s32 $0xFFFFC000  }
0x34: {  	[spmem:s8] =	stream.linear.scatter [tilespmem:s16], [sflag:$0x1], $0x4000, $0x38;
	[tilespmem:$0x1A800] =	vst v63  }
0x35: {  	_ =	swait.ge [sflag:s17], $0x4000  }
0x36: {  	[sflag:s17] =	ssyncset.done $0x0  }
0x37: {  	s20 =	simm.s32 $0x0;
	s21 =	simm.s32 $0x200;
	[sflag:s17] =	ssyncadd.s32 $0xFFFFC000  }
.LBB2_4:
0x38: {  	p0 =	sne.s32 s21, $0xFE00;
	[tilespmem:s20+$0x2870] =	vst v1  }
0x39: {  	[tilespmem:s20+$0x2800] =	vst v1  }
0x3a: {  	[tilespmem:s20+$0x2810] =	vst v1  }
.Ltmp1:
0x3b: {  	[tilespmem:s20+$0x2820] =	vst v1;
	(pc) =	sbr.rel @p0 .LBB2_4-.Ltmp1, $4  }
0x3c: {  	[tilespmem:s20+$0x2830] =	vst v1  }
0x3d: {  	[tilespmem:s20+$0x2840] =	vst v1  }
0x3e: {  	[tilespmem:s20+$0x2850] =	vst v1  }
0x3f: {  	[tilespmem:s20+$0x2860] =	vst v1;
	s20 =	sshra.s32 s21, $0x2;
	s21 =	sadd.s32 $0x200, s21  }
0x40: {  	[tilespmem:s20+$0x2870] =	vst v1  }
0x41: {  	[tilespmem:s20+$0x2800] =	vst v1  }
0x42: {  	[tilespmem:s20+$0x2810] =	vst v1  }
0x43: {  	[tilespmem:s20+$0x2820] =	vst v1  }
0x44: {  	[tilespmem:s20+$0x2830] =	vst v1  }
0x45: {  	[tilespmem:s20+$0x2840] =	vst v1  }
0x46: {  	[tilespmem:s20+$0x2850] =	vst v1  }
0x47: {  	[tilespmem:s20+$0x2860] =	vst v1;
	s30 =	simm.s32 $0x0  }
0x48: {  	[tilespmem:s30], [sflag:$0x1] =	stream.linear.gather [hbm4b:s9+s30], $0x2800, $0x38;
	[tilespmem:$0x1A800] =	vst v63  }
0x49: {  	_ =	swait.ge [sflag:s17], $0x2800  }
0x4a: {  	[sflag:s17] =	ssyncset.done $0x0  }
0x4b: {  	[sflag:s17] =	ssyncadd.s32 $0xFFFFD800  }
0x4c: {  	s31 =	simm.s32 $0x0;
	[bflag:$0x0] =	sbarrier.arrive $0xFFFF  }
0x4d: {  	[spmem:s2] =	stream.indirect.scatter.add.f32 [tilespmem:s16], [sflag:$0x1], $0x80, s31, s18, $0xb8;
	[tilespmem:$0x1A800] =	vst v63  }
0x4e: {  	_ =	swait.ge [sflag:s17], $0x4000  }
0x4f: {  	s20 =	simm.s32 $0x200;
	[sflag:s17] =	ssyncset.done $0x0  }
.LBB2_6:
0x50: {  	s21 =	sshra.s32 s20, $0x2;
	[sflag:s17] =	ssyncadd.s32 $0xFFFFC000;
	p0 =	sne.s32 s20, $0x9E00  }
0x51: {  	[spmem:s2] =	stream.indirect.scatter.add.f32 [tilespmem:s16], [sflag:$0x1], $0x80, s21, s18, $0xb8;
	[tilespmem:$0x1A800] =	vst v63  }
.Ltmp2:
0x52: {  	_ = 	snop;
	(pc) =	sbr.rel @p0 .LBB2_6-.Ltmp2, $4  }
0x53: {  	_ = 	snop  }
0x54: {  	s20 =	sadd.s32 $0x200, s20  }
0x55: {  	_ =	swait.ge [sflag:s17], $0x4000  }
0x56: {  	[sflag:s17] =	ssyncset.done $0x0  }
0x57: {  	[sflag:s17] =	ssyncadd.s32 $0xFFFFC000  }
0x58: {  	[bflag:$0x0] =	sbarrier.arrive $0xFFFF  }
0x59: {  	[tilespmem:s16], [sflag:$0x1] =	stream.linear.gather [spmem:s4], $0x4000, $0x38;
	[tilespmem:$0x1A800] =	vst v63  }
0x5a: {  	_ =	swait.ge [sflag:s17], $0x4000  }
0x5b: {  	[sflag:s17] =	ssyncset.done $0x0  }
0x5c: {  	[sflag:s17] =	ssyncadd.s32 $0xFFFFC000  }
0x5d: {  	[hbm4b:s10+s3] =	stream.linear.scatter [tilespmem:s16], [sflag:$0x1], $0x4000, $0x38;
	[tilespmem:$0x1A800] =	vst v63  }
0x5e: {  	_ =	swait.ge [sflag:s17], $0x4000  }
0x5f: {  	[sflag:s17] =	ssyncset.done $0x0  }
0x60: {  	[sflag:s17] =	ssyncadd.s32 $0xFFFFC000  }
0x61: {  	[tilespmem:s16], [sflag:$0x1] =	stream.linear.gather [spmem:s5], $0x4000, $0x38;
	[tilespmem:$0x1A800] =	vst v63  }
0x62: {  	_ =	swait.ge [sflag:s17], $0x4000  }
0x63: {  	[sflag:s17] =	ssyncset.done $0x0  }
0x64: {  	[sflag:s17] =	ssyncadd.s32 $0xFFFFC000  }
0x65: {  	[hbm4b:s11+s3] =	stream.linear.scatter [tilespmem:s16], [sflag:$0x1], $0x4000, $0x38;
	[tilespmem:$0x1A800] =	vst v63  }
0x66: {  	_ =	swait.ge [sflag:s17], $0x4000  }
0x67: {  	[sflag:s17] =	ssyncset.done $0x0  }
0x68: {  	[sflag:s17] =	ssyncadd.s32 $0xFFFFC000  }
0x69: {  	[tilespmem:s16], [sflag:$0x1] =	stream.linear.gather [spmem:s6], $0x4000, $0x38;
	[tilespmem:$0x1A800] =	vst v63  }
0x6a: {  	_ =	swait.ge [sflag:s17], $0x4000  }
0x6b: {  	[sflag:s17] =	ssyncset.done $0x0  }
0x6c: {  	[sflag:s17] =	ssyncadd.s32 $0xFFFFC000  }
0x6d: {  	[hbm4b:s12+s3] =	stream.linear.scatter [tilespmem:s16], [sflag:$0x1], $0x4000, $0x38;
	[tilespmem:$0x1A800] =	vst v63  }
0x6e: {  	_ =	swait.ge [sflag:s17], $0x4000  }
0x6f: {  	[sflag:s17] =	ssyncset.done $0x0  }
0x70: {  	[sflag:s17] =	ssyncadd.s32 $0xFFFFC000  }
0x71: {  	[tilespmem:s16], [sflag:$0x1] =	stream.linear.gather [spmem:s7], $0x4000, $0x38;
	[tilespmem:$0x1A800] =	vst v63  }
0x72: {  	_ =	swait.ge [sflag:s17], $0x4000  }
0x73: {  	[sflag:s17] =	ssyncset.done $0x0  }
0x74: {  	[sflag:s17] =	ssyncadd.s32 $0xFFFFC000  }
0x75: {  	[hbm4b:s13+s3] =	stream.linear.scatter [tilespmem:s16], [sflag:$0x1], $0x4000, $0x38;
	[tilespmem:$0x1A800] =	vst v63  }
0x76: {  	_ =	swait.ge [sflag:s17], $0x4000  }
0x77: {  	[sflag:s17] =	ssyncset.done $0x0  }
0x78: {  	[sflag:s17] =	ssyncadd.s32 $0xFFFFC000  }
0x79: {  	[tilespmem:s16], [sflag:$0x1] =	stream.linear.gather [spmem:s8], $0x4000, $0x38;
	[tilespmem:$0x1A800] =	vst v63  }
0x7a: {  	s19 =	sadd.s32 $0x1, s19;
	_ =	swait.ge [sflag:s17], $0x4000  }
0x7b: {  	p0 =	sne.s32 s19, s15;
	[sflag:s17] =	ssyncset.done $0x0  }
.Ltmp3:
0x7c: {  	[sflag:s17] =	ssyncadd.s32 $0xFFFFC000;
	(pc) =	sbr.rel @p0 .LBB2_1-.Ltmp3, $4  }
0x7d: {  	[hbm4b:s14+s3] =	stream.linear.scatter [tilespmem:s16], [sflag:$0x1], $0x4000, $0x38;
	[tilespmem:$0x1A800] =	vst v63  }
0x7e: {  	_ =	swait.ge [sflag:s17], $0x4000  }
0x7f: {  	[sflag:s17] =	ssyncset.done $0x0  }
0x80: {  	[sflag:s17] =	ssyncadd.s32 $0xFFFFC000  }
0x81: {  	_ =	sfence.sel $0x180000  }
0x82: {  	[bflag:$0x0] =	sbarrier.arrive $0xFFFF  }
0x83: {  	p0 =	sne.s32 s0, $0x0;
	_ =	strace $0x90000047  }
0x84: {  	s0 =	sadd.s32 @!p0 $0x100000, s1;
	[bflag:$0x2] =	sbarrier.arrive $0xFFFF  }
0x85: {  	[sflag:s0] =	ssyncadd.tile.s32 @!p0 $0x1;
	_ =	shalt  }
.Lfunc_end2:
_tile_overlayer_lowered:
.L_overlay_start_2:
0x86: {  	(tag) =	ssettag $0x2  }
0x87: {  	s0 =	rddreg [dreg:$0x0];
	s2 =	stileid.u32  }
0x88: {  	s1 =	rddreg [dreg:$0x1];
	p0 =	sne.s32 s2, $0x0  }
0x89: {  	s3 =	rddreg [dreg:$0x2];
	[bflag:$0x3] =	sbarrier.arrive $0xFFFF;
	s2 =	simm.s32 @!p0 $0x1C01  }
0x8a: {  	[timem:s3], [sflag:s2] =	dma.local @!p0 [hbm:s0], s1  }
0x8b: {  	s0 =	simm.s32 @!p0 $0x1  }
0x8c: {  	_ =	swait.ge @!p0 [sflag:s0], s1  }
0x8d: {  	s1 =	ssub.s32 @!p0 $0x0, s1;
	[sflag:s0] =	ssyncset.done @!p0 $0x0  }
0x8e: {  	[sflag:s0] =	ssyncadd.s32 @!p0 s1  }
0x8f: {  	[bflag:$0x3] =	sbarrier.arrive $0xFFFF  }
0x90: {  	_ =	shalt  }

</sc_bundles>
